<compile_context>
chip_gen: v7x
topology: tpu7x:2x2x1
jax: 0.10.2.dev20260603
libtpu: 0.0.44.dev20260713+nightly
codegen_flags: <defaults>
</compile_context>

<pallas_src>
import jax
import jax.numpy as jnp
from jax import lax
from jax.experimental import pallas as pl
from jax.experimental.pallas import tpu as pltpu
from jax.experimental.pallas import tpu_sc as plsc

HIDDEN = 2048
INTER = 1408
K = 4
L = 16
RC = 8
GU_CH = 88 // RC
DN_CH = 128 // RC
SC_SLOT0 = 2
IB = 128
NB = INTER // IB
K_TC = SC_SLOT0



def _tc_body(idx_ref, w_ref, x_ref, gate_ref, up_ref, down_ref, out_ref):
    e = pl.program_id(0)
    ib = pl.program_id(1)

    @pl.when(jnp.logical_and(e == 0, ib == 0))
    def _init():
        out_ref[...] = jnp.zeros_like(out_ref)

    x = x_ref[...]
    g = gate_ref[0]
    u = up_ref[0]
    d = down_ref[0]

    dn = (((1,), (1,)), ((), ()))
    gate_out = jax.lax.dot_general(x, g, dn, preferred_element_type=jnp.float32)
    up_out = jax.lax.dot_general(x, u, dn, preferred_element_type=jnp.float32)
    inter = jax.nn.silu(gate_out) * up_out
    inter = inter * w_ref[e]
    partial = jax.lax.dot_general(inter, d, dn, preferred_element_type=jnp.float32)
    out_ref[...] += partial


def _run_tc(x_row, topk_idx, topk_weights, gate_proj_all, up_proj_all, down_proj_all):
    grid_spec = pltpu.PrefetchScalarGridSpec(
        num_scalar_prefetch=2,
        grid=(K_TC, NB),
        in_specs=[
            pl.BlockSpec((1, HIDDEN), lambda e, ib, idx, w: (0, 0)),
            pl.BlockSpec((1, IB, HIDDEN), lambda e, ib, idx, w: (idx[e], ib, 0)),
            pl.BlockSpec((1, IB, HIDDEN), lambda e, ib, idx, w: (idx[e], ib, 0)),
            pl.BlockSpec((1, HIDDEN, IB), lambda e, ib, idx, w: (idx[e], 0, ib)),
        ],
        out_specs=pl.BlockSpec((1, HIDDEN), lambda e, ib, idx, w: (0, 0)),
    )
    return pl.pallas_call(
        _tc_body,
        grid_spec=grid_spec,
        out_shape=jax.ShapeDtypeStruct((1, HIDDEN), jnp.float32),
        compiler_params=pltpu.CompilerParams(
            dimension_semantics=("arbitrary", "arbitrary"),
        ),
    )(topk_idx, topk_weights, x_row, gate_proj_all, up_proj_all, down_proj_all)



def _dot8(buf, xv, ncol):
    def body(cc, accs):
        xc = xv[pl.ds(cc * L, L)]
        return tuple(accs[r] + buf[r, pl.ds(cc * L, L)] * xc for r in range(RC))

    init = tuple(jnp.zeros((L,), jnp.float32) for _ in range(RC))
    accs = lax.fori_loop(0, ncol // L, body, init, unroll=False)
    return [jnp.sum(accs[r]) for r in range(RC)]


def _insert8(vec, scalars, lane0, lane_iota):
    for r, s in enumerate(scalars):
        vec = jnp.where(lane_iota == (lane0 + r), s, vec)
    return vec


def _sc_body(xr, gr, ur, dr, guir, dnir, wr, outr,
             xv, giv, div, w16v, gbuf0, gbuf1, ubuf0, ubuf1,
             dbuf0, dbuf1, interbuf, interfull, obuf, shared,
             gsem0, gsem1, usem0, usem1):
    c = lax.axis_index("c")
    s = lax.axis_index("s")
    lane_iota = lax.iota(jnp.int32, L)
    slot_glob = SC_SLOT0 + c

    pltpu.sync_copy(xr, xv)
    cb_gu = slot_glob * INTER + s * 88
    pltpu.sync_copy(guir.at[pl.ds(cb_gu, 88)], giv)
    cb_dn = slot_glob * HIDDEN + s * 128
    pltpu.sync_copy(dnir.at[pl.ds(cb_dn, 128)], div)
    pltpu.sync_copy(wr, w16v)
    wall = w16v[pl.ds(0, L)]
    wscal = jnp.sum(jnp.where(lane_iota == slot_glob, wall, 0.0))
    wvec = jnp.full((L,), wscal, jnp.float32)

    gbufs = (gbuf0, gbuf1)
    ubufs = (ubuf0, ubuf1)
    gsems = (gsem0, gsem1)
    usems = (usem0, usem1)

    def start_gu(k, p):
        kk = jnp.minimum(k, GU_CH - 1)

        @pl.when(k < GU_CH)
        def _():
            pltpu.async_copy(gr.at[giv.at[pl.ds(kk * RC, RC)]], gbufs[p], gsems[p])
            pltpu.async_copy(ur.at[giv.at[pl.ds(kk * RC, RC)]], ubufs[p], usems[p])

    start_gu(0, 0)
    start_gu(1, 1)

    def gu_chunk(k, p):
        pltpu.make_async_copy(gr.at[giv.at[pl.ds(0, RC)]], gbufs[p], gsems[p]).wait()
        gsc = _dot8(gbufs[p], xv, HIDDEN)
        pltpu.make_async_copy(ur.at[giv.at[pl.ds(0, RC)]], ubufs[p], usems[p]).wait()
        usc = _dot8(ubufs[p], xv, HIDDEN)
        start_gu(k + 2, p)
        gvec = _insert8(jnp.zeros((L,), jnp.float32), gsc, 0, lane_iota)
        uvec = _insert8(jnp.zeros((L,), jnp.float32), usc, 0, lane_iota)
        return gvec, uvec

    def gu_pair(i, _):
        g0, u0 = gu_chunk(2 * i, 0)

        def silu_store(gvec, uvec, off):
            sig = 1.0 / (1.0 + jnp.exp(-gvec))
            interbuf[pl.ds(off, L)] = gvec * sig * uvec * wvec

        silu_store(g0, u0, 2 * i * RC)

        @pl.when(2 * i + 1 < GU_CH)
        def _():
            g1, u1 = gu_chunk(2 * i + 1, 1)
            silu_store(g1, u1, jnp.minimum((2 * i + 1) * RC, 88 - L))
        return 0

    lax.fori_loop(0, (GU_CH + 1) // 2, gu_pair, 0, unroll=False)

    pltpu.sync_copy(interbuf.at[pl.ds(0, 88)], shared.at[pl.ds(s * 88, 88)])
    plsc.subcore_barrier()
    pltpu.sync_copy(shared, interfull)

    dbufs = (dbuf0, dbuf1)

    def start_dn(k, p):
        kk = jnp.minimum(k, DN_CH - 1)

        @pl.when(k < DN_CH)
        def _():
            pltpu.async_copy(dr.at[div.at[pl.ds(kk * RC, RC)]], dbufs[p], gsems[p])

    start_dn(0, 0)
    start_dn(1, 1)

    def dn_pair(i, _):
        dsc = []
        for p in range(2):
            k = 2 * i + p
            pltpu.make_async_copy(dr.at[div.at[pl.ds(0, RC)]], dbufs[p], gsems[p]).wait()
            dsc += _dot8(dbufs[p], interfull, INTER)
            start_dn(k + 2, p)
        dvec = _insert8(jnp.zeros((L,), jnp.float32), dsc[:8], 0, lane_iota)
        dvec = _insert8(dvec, dsc[8:], 8, lane_iota)
        obuf[pl.ds(i * L, L)] = dvec
        return 0

    lax.fori_loop(0, DN_CH // 2, dn_pair, 0, unroll=False)

    pltpu.sync_copy(obuf, outr.at[c, pl.ds(s * 128, 128)])


def _run_sc(x_flat, gate_rows, up_rows, down_rows, gu_idx, dn_idx, w16):
    mesh = plsc.VectorSubcoreMesh(core_axis_name="c", subcore_axis_name="s")
    fn = pl.kernel(
        _sc_body,
        out_type=jax.ShapeDtypeStruct((2, HIDDEN), jnp.float32),
        mesh=mesh,
        compiler_params=pltpu.CompilerParams(needs_layout_passes=False),
        scratch_types=[
            pltpu.VMEM((HIDDEN,), jnp.float32),
            pltpu.VMEM((88,), jnp.int32),
            pltpu.VMEM((128,), jnp.int32),
            pltpu.VMEM((L,), jnp.float32),
            pltpu.VMEM((RC, HIDDEN), jnp.float32),
            pltpu.VMEM((RC, HIDDEN), jnp.float32),
            pltpu.VMEM((RC, HIDDEN), jnp.float32),
            pltpu.VMEM((RC, HIDDEN), jnp.float32),
            pltpu.VMEM((RC, INTER), jnp.float32),
            pltpu.VMEM((RC, INTER), jnp.float32),
            pltpu.VMEM((96,), jnp.float32),
            pltpu.VMEM((INTER,), jnp.float32),
            pltpu.VMEM((128,), jnp.float32),
            pltpu.VMEM_SHARED((INTER,), jnp.float32),
            pltpu.SemaphoreType.DMA,
            pltpu.SemaphoreType.DMA,
            pltpu.SemaphoreType.DMA,
            pltpu.SemaphoreType.DMA,
        ],
    )
    return fn(x_flat, gate_rows, up_rows, down_rows, gu_idx, dn_idx, w16)


@jax.jit
def _run(x_bc1t, topk_idx, topk_weights, gate_proj_all, up_proj_all, down_proj_all):
    x_flat = x_bc1t.reshape(HIDDEN)
    idx = topk_idx.astype(jnp.int32)
    gu_idx = (idx[:, None] * INTER
              + jnp.arange(INTER, dtype=jnp.int32)[None, :]).reshape(K * INTER)
    dn_idx = (idx[:, None] * HIDDEN
              + jnp.arange(HIDDEN, dtype=jnp.int32)[None, :]).reshape(K * HIDDEN)
    w16 = jnp.zeros((L,), jnp.float32).at[:K].set(topk_weights)
    gate_rows = gate_proj_all.reshape(-1, HIDDEN)
    up_rows = up_proj_all.reshape(-1, HIDDEN)
    down_rows = down_proj_all.reshape(-1, INTER)
    tc_part = _run_tc(x_flat.reshape(1, HIDDEN), idx, topk_weights,
                      gate_proj_all, up_proj_all, down_proj_all)
    sc_part = _run_sc(x_flat, gate_rows, up_rows, down_rows, gu_idx, dn_idx, w16)
    out = tc_part[0] + sc_part[0] + sc_part[1]
    return out.reshape(1, HIDDEN, 1, 1)


def kernel(x_bc1t, topk_idx, topk_weights, gate_proj_all, up_proj_all, down_proj_all):
    return _run(x_bc1t, topk_idx, topk_weights, gate_proj_all,
                up_proj_all, down_proj_all)

# --- scband reference (transcript-rebuilt; emitter-appended) ---
"""Pipeline reference for scband-qwen-moe-layer-gather-43104291782789 (READ-ONLY COPY).

The authoritative reference and input builder live on the scoring server;
editing this copy changes nothing except your own understanding.
"""

import jax, jax.numpy as jnp
import numpy as np

HIDDEN = 2048
INTER = 1408
NUM_EXPERTS = 60
TOP_K = 4


def setup_inputs(seed: int = 0) -> dict:
    key = jax.random.key(seed)
    ks = jax.random.split(key, 6)
    x_bc1t = jax.random.normal(ks[0], (1, HIDDEN, 1, 1), dtype=jnp.float32)
    topk_idx = jax.random.randint(ks[1], (TOP_K,), 0, NUM_EXPERTS, dtype=jnp.int64 if jax.config.jax_enable_x64 else jnp.int32)
    topk_weights = jax.random.uniform(ks[2], (TOP_K,), dtype=jnp.float32)
    gate_proj_all = jax.random.normal(ks[3], (NUM_EXPERTS, INTER, HIDDEN), dtype=jnp.float32) * 0.02
    up_proj_all = jax.random.normal(ks[4], (NUM_EXPERTS, INTER, HIDDEN), dtype=jnp.float32) * 0.02
    down_proj_all = jax.random.normal(ks[5], (NUM_EXPERTS, HIDDEN, INTER), dtype=jnp.float32) * 0.02
    return {
        "x_bc1t": x_bc1t,
        "topk_idx": topk_idx,
        "topk_weights": topk_weights,
        "gate_proj_all": gate_proj_all,
        "up_proj_all": up_proj_all,
        "down_proj_all": down_proj_all,
    }


def reference(x_bc1t, topk_idx, topk_weights, gate_proj_all, up_proj_all, down_proj_all):
    # gather selected expert weights (index_select -> jnp.take)
    gate_sel = jnp.take(gate_proj_all, topk_idx, axis=0)   # (k, inter, hidden)
    up_sel = jnp.take(up_proj_all, topk_idx, axis=0)       # (k, inter, hidden)
    down_sel = jnp.take(down_proj_all, topk_idx, axis=0)   # (k, hidden, inter)
    x_flat = x_bc1t.reshape(1, HIDDEN)                      # (1, hidden)
    gate_out = jnp.einsum('kih,bh->kbi', gate_sel, x_flat)  # (k, 1, inter)
    up_out = jnp.einsum('kih,bh->kbi', up_sel, x_flat)      # (k, 1, inter)
    intermediate = jax.nn.silu(gate_out) * up_out           # (k, 1, inter)
    down_out = jnp.einsum('kbi,khi->kbh', intermediate, down_sel)  # (k, 1, hidden)
    weighted = (down_out * topk_weights[:, None, None]).sum(axis=0)  # (1, hidden)
    return weighted.reshape(1, HIDDEN, 1, 1)

if __name__ == "__main__":
    import jax
    _d = setup_inputs()
    print(jax.jit(kernel)(*tuple(_d.values())))

</pallas_src>

<mosaic_0001>
#map = affine_map<(d0, d1) -> (0)>
#map1 = affine_map<(d0, d1) -> (0, 0)>
module attributes {stable_mosaic.version = 14 : i64} {
  func.func @_sc_body(%arg0: i32, %arg1: i32, %arg2: memref<2048xf32, #tpu.memory_space<hbm>>, %arg3: memref<84480x2048xf32, #tpu.memory_space<hbm>>, %arg4: memref<84480x2048xf32, #tpu.memory_space<hbm>>, %arg5: memref<122880x1408xf32, #tpu.memory_space<hbm>>, %arg6: memref<5632xi32, #tpu.memory_space<hbm>>, %arg7: memref<8192xi32, #tpu.memory_space<hbm>>, %arg8: memref<16xf32, #tpu.memory_space<hbm>>, %arg9: memref<2x2048xf32, #tpu.memory_space<hbm>>, %arg10: memref<2048xf32, #tpu.memory_space<vmem>>, %arg11: memref<88xi32, #tpu.memory_space<vmem>>, %arg12: memref<128xi32, #tpu.memory_space<vmem>>, %arg13: memref<16xf32, #tpu.memory_space<vmem>>, %arg14: memref<8x2048xf32, #tpu.memory_space<vmem>>, %arg15: memref<8x2048xf32, #tpu.memory_space<vmem>>, %arg16: memref<8x2048xf32, #tpu.memory_space<vmem>>, %arg17: memref<8x2048xf32, #tpu.memory_space<vmem>>, %arg18: memref<8x1408xf32, #tpu.memory_space<vmem>>, %arg19: memref<8x1408xf32, #tpu.memory_space<vmem>>, %arg20: memref<96xf32, #tpu.memory_space<vmem>>, %arg21: memref<1408xf32, #tpu.memory_space<vmem>>, %arg22: memref<128xf32, #tpu.memory_space<vmem>>, %arg23: memref<1408xf32, #tpu.memory_space<vmem_shared>>, %arg24: memref<!tpu.dma_semaphore, #tpu.memory_space<semaphore_mem>>, %arg25: memref<!tpu.dma_semaphore, #tpu.memory_space<semaphore_mem>>, %arg26: memref<!tpu.dma_semaphore, #tpu.memory_space<semaphore_mem>>, %arg27: memref<!tpu.dma_semaphore, #tpu.memory_space<semaphore_mem>>) attributes {dimension_semantics = [#tpu.dimension_semantics<core_parallel>, #tpu.dimension_semantics<subcore_parallel>], iteration_bounds = array<i64: 2, 16>, scalar_prefetch = 0 : i64, scratch_operands = 18 : i64, tpu.core_type = #tpu.core_type<sc_vector_subcore>, window_params = [{transform_indices = #map}, {transform_indices = #map1}, {transform_indices = #map1}, {transform_indices = #map1}, {transform_indices = #map}, {transform_indices = #map}, {transform_indices = #map}, {transform_indices = #map1}]} {
    %iota3A = tpu.iota {dimensions = array<i32: 0>} : vector<16xi32>
    %add3A = arith.constant 2 : i32
    %add3A_0 = arith.addi %add3A, %arg0 : i32
    "tpu.region"() ({
      %run_scoped3A = tpu.sem_alloc : memref<!tpu.dma_semaphore, #tpu.memory_space<semaphore_mem>>
      tpu.enqueue_dma source(%arg2 : memref<2048xf32, #tpu.memory_space<hbm>>) target(%arg10 : memref<2048xf32, #tpu.memory_space<vmem>>) target_semaphore(%run_scoped3A : memref<!tpu.dma_semaphore, #tpu.memory_space<semaphore_mem>>)
      tpu.wait_dma2 semaphore(%run_scoped3A : memref<!tpu.dma_semaphore, #tpu.memory_space<semaphore_mem>>) src(%arg2 : memref<2048xf32, #tpu.memory_space<hbm>>) dst(%arg10 : memref<2048xf32, #tpu.memory_space<vmem>>)
      tpu.yield
    }) : () -> ()
    %mul3A = arith.constant 1408 : i32
    %mul3A_1 = arith.muli %add3A_0, %mul3A : i32
    %mul3A_2 = arith.constant 88 : i32
    %mul3A_3 = arith.muli %arg1, %mul3A_2 : i32
    %add3A_4 = arith.addi %mul3A_1, %mul3A_3 : i32
    "tpu.region"() ({
      %run_scoped3A = tpu.sem_alloc : memref<!tpu.dma_semaphore, #tpu.memory_space<semaphore_mem>>
      %dma_start3A_79 = tpu.memref_slice %arg6[%add3A_4] : memref<5632xi32, #tpu.memory_space<hbm>> -> memref<88xi32, #tpu.memory_space<hbm>>
      %dma_start3A_80 = tpu.memref_slice %arg6[%add3A_4] : memref<5632xi32, #tpu.memory_space<hbm>> -> memref<88xi32, #tpu.memory_space<hbm>>
      tpu.enqueue_dma source(%dma_start3A_80 : memref<88xi32, #tpu.memory_space<hbm>>) target(%arg11 : memref<88xi32, #tpu.memory_space<vmem>>) target_semaphore(%run_scoped3A : memref<!tpu.dma_semaphore, #tpu.memory_space<semaphore_mem>>)
      %dma_wait3A = tpu.memref_slice %arg6[%add3A_4] : memref<5632xi32, #tpu.memory_space<hbm>> -> memref<88xi32, #tpu.memory_space<hbm>>
      %dma_wait3A_81 = tpu.memref_slice %arg6[%add3A_4] : memref<5632xi32, #tpu.memory_space<hbm>> -> memref<88xi32, #tpu.memory_space<hbm>>
      tpu.wait_dma2 semaphore(%run_scoped3A : memref<!tpu.dma_semaphore, #tpu.memory_space<semaphore_mem>>) src(%dma_wait3A_81 : memref<88xi32, #tpu.memory_space<hbm>>) dst(%arg11 : memref<88xi32, #tpu.memory_space<vmem>>)
      tpu.yield
    }) : () -> ()
    %mul3A_5 = arith.constant 2048 : i32
    %mul3A_6 = arith.muli %add3A_0, %mul3A_5 : i32
    %mul3A_7 = arith.constant 128 : i32
    %mul3A_8 = arith.muli %arg1, %mul3A_7 : i32
    %add3A_9 = arith.addi %mul3A_6, %mul3A_8 : i32
    "tpu.region"() ({
      %run_scoped3A = tpu.sem_alloc : memref<!tpu.dma_semaphore, #tpu.memory_space<semaphore_mem>>
      %dma_start3A_79 = tpu.memref_slice %arg7[%add3A_9] : memref<8192xi32, #tpu.memory_space<hbm>> -> memref<128xi32, #tpu.memory_space<hbm>>
      %dma_start3A_80 = tpu.memref_slice %arg7[%add3A_9] : memref<8192xi32, #tpu.memory_space<hbm>> -> memref<128xi32, #tpu.memory_space<hbm>>
      tpu.enqueue_dma source(%dma_start3A_80 : memref<128xi32, #tpu.memory_space<hbm>>) target(%arg12 : memref<128xi32, #tpu.memory_space<vmem>>) target_semaphore(%run_scoped3A : memref<!tpu.dma_semaphore, #tpu.memory_space<semaphore_mem>>)
      %dma_wait3A = tpu.memref_slice %arg7[%add3A_9] : memref<8192xi32, #tpu.memory_space<hbm>> -> memref<128xi32, #tpu.memory_space<hbm>>
      %dma_wait3A_81 = tpu.memref_slice %arg7[%add3A_9] : memref<8192xi32, #tpu.memory_space<hbm>> -> memref<128xi32, #tpu.memory_space<hbm>>
      tpu.wait_dma2 semaphore(%run_scoped3A : memref<!tpu.dma_semaphore, #tpu.memory_space<semaphore_mem>>) src(%dma_wait3A_81 : memref<128xi32, #tpu.memory_space<hbm>>) dst(%arg12 : memref<128xi32, #tpu.memory_space<vmem>>)
      tpu.yield
    }) : () -> ()
    "tpu.region"() ({
      %run_scoped3A = tpu.sem_alloc : memref<!tpu.dma_semaphore, #tpu.memory_space<semaphore_mem>>
      tpu.enqueue_dma source(%arg8 : memref<16xf32, #tpu.memory_space<hbm>>) target(%arg13 : memref<16xf32, #tpu.memory_space<vmem>>) target_semaphore(%run_scoped3A : memref<!tpu.dma_semaphore, #tpu.memory_space<semaphore_mem>>)
      tpu.wait_dma2 semaphore(%run_scoped3A : memref<!tpu.dma_semaphore, #tpu.memory_space<semaphore_mem>>) src(%arg8 : memref<16xf32, #tpu.memory_space<hbm>>) dst(%arg13 : memref<16xf32, #tpu.memory_space<vmem>>)
      tpu.yield
    }) : () -> ()
    %get3A = arith.constant 0 : index
    %get3A_10 = tpu.vector_load %arg13[%get3A] {strides = array<i32>} : memref<16xf32, #tpu.memory_space<vmem>>, vector<16xf32>,
    %eq3A = vector.broadcast %add3A_0 : i32 to vector<16xi32>
    %eq3A_11 = arith.cmpi eq, %iota3A, %eq3A : vector<16xi32>
    %jit3A = arith.constant 0.000000e+00 : f32
    %broadcast_in_dim3A = vector.broadcast %jit3A : f32 to vector<16xf32>
    %select_n3A = arith.select %eq3A_11, %get3A_10, %broadcast_in_dim3A : vector<16xi1>, vector<16xf32>
    %reduce_sum3A = arith.constant true
    %reduce_sum3A_12 = vector.broadcast %reduce_sum3A : i1 to vector<16xi1>
    %reduce_sum3A_13 = tpu.scan <sum>, %select_n3A masked %reduce_sum3A_12 : vector<16xf32>, vector<16xi1> -> vector<16xf32>
    %reduce_sum3A_14 = vector.extract %reduce_sum3A_13[15] : f32 from vector<16xf32>
    %broadcast_in_dim3A_15 = vector.broadcast %reduce_sum3A_14 : f32 to vector<16xf32>
    %min3A = arith.constant 0 : i32
    %min3A_16 = arith.constant 10 : i32
    %min3A_17 = arith.minsi %min3A, %min3A_16 : i32
    %mul3A_18 = arith.constant 8 : i32
    %mul3A_19 = arith.muli %min3A_17, %mul3A_18 : i32
    %dma_start3A = tpu.memref_slice %arg11[%mul3A_19] : memref<88xi32, #tpu.memory_space<vmem>> -> memref<8xi32, #tpu.memory_space<vmem>>
    %dma_start3A_20 = arith.constant 0 : i32
    %dma_start3A_21 = arith.constant 0 : i32
    %dma_start3A_22 = tpu.memref_slice %arg3[%dma_start3A_20, %dma_start3A_21] : memref<84480x2048xf32, #tpu.memory_space<hbm>> -> memref<84480x2048xf32, #tpu.memory_space<hbm>>
    tpu.enqueue_indirect_dma source(%dma_start3A_22 : memref<84480x2048xf32, #tpu.memory_space<hbm>>) target(%arg14 : memref<8x2048xf32, #tpu.memory_space<vmem>>) offsets(%dma_start3A : memref<8xi32, #tpu.memory_space<vmem>>) semaphore(%arg24 : memref<!tpu.dma_semaphore, #tpu.memory_space<semaphore_mem>>)
    %mul3A_23 = arith.constant 8 : i32
    %mul3A_24 = arith.muli %min3A_17, %mul3A_23 : i32
    %dma_start3A_25 = tpu.memref_slice %arg11[%mul3A_24] : memref<88xi32, #tpu.memory_space<vmem>> -> memref<8xi32, #tpu.memory_space<vmem>>
    %dma_start3A_26 = arith.constant 0 : i32
    %dma_start3A_27 = arith.constant 0 : i32
    %dma_start3A_28 = tpu.memref_slice %arg4[%dma_start3A_26, %dma_start3A_27] : memref<84480x2048xf32, #tpu.memory_space<hbm>> -> memref<84480x2048xf32, #tpu.memory_space<hbm>>
    tpu.enqueue_indirect_dma source(%dma_start3A_28 : memref<84480x2048xf32, #tpu.memory_space<hbm>>) target(%arg16 : memref<8x2048xf32, #tpu.memory_space<vmem>>) offsets(%dma_start3A_25 : memref<8xi32, #tpu.memory_space<vmem>>) semaphore(%arg26 : memref<!tpu.dma_semaphore, #tpu.memory_space<semaphore_mem>>)
    %min3A_29 = arith.constant 1 : i32
    %min3A_30 = arith.constant 10 : i32
    %min3A_31 = arith.minsi %min3A_29, %min3A_30 : i32
    %mul3A_32 = arith.constant 8 : i32
    %mul3A_33 = arith.muli %min3A_31, %mul3A_32 : i32
    %dma_start3A_34 = tpu.memref_slice %arg11[%mul3A_33] : memref<88xi32, #tpu.memory_space<vmem>> -> memref<8xi32, #tpu.memory_space<vmem>>
    %dma_start3A_35 = arith.constant 0 : i32
    %dma_start3A_36 = arith.constant 0 : i32
    %dma_start3A_37 = tpu.memref_slice %arg3[%dma_start3A_35, %dma_start3A_36] : memref<84480x2048xf32, #tpu.memory_space<hbm>> -> memref<84480x2048xf32, #tpu.memory_space<hbm>>
    tpu.enqueue_indirect_dma source(%dma_start3A_37 : memref<84480x2048xf32, #tpu.memory_space<hbm>>) target(%arg15 : memref<8x2048xf32, #tpu.memory_space<vmem>>) offsets(%dma_start3A_34 : memref<8xi32, #tpu.memory_space<vmem>>) semaphore(%arg25 : memref<!tpu.dma_semaphore, #tpu.memory_space<semaphore_mem>>)
    %mul3A_38 = arith.constant 8 : i32
    %mul3A_39 = arith.muli %min3A_31, %mul3A_38 : i32
    %dma_start3A_40 = tpu.memref_slice %arg11[%mul3A_39] : memref<88xi32, #tpu.memory_space<vmem>> -> memref<8xi32, #tpu.memory_space<vmem>>
    %dma_start3A_41 = arith.constant 0 : i32
    %dma_start3A_42 = arith.constant 0 : i32
    %dma_start3A_43 = tpu.memref_slice %arg4[%dma_start3A_41, %dma_start3A_42] : memref<84480x2048xf32, #tpu.memory_space<hbm>> -> memref<84480x2048xf32, #tpu.memory_space<hbm>>
    tpu.enqueue_indirect_dma source(%dma_start3A_43 : memref<84480x2048xf32, #tpu.memory_space<hbm>>) target(%arg17 : memref<8x2048xf32, #tpu.memory_space<vmem>>) offsets(%dma_start3A_40 : memref<8xi32, #tpu.memory_space<vmem>>) semaphore(%arg27 : memref<!tpu.dma_semaphore, #tpu.memory_space<semaphore_mem>>)
    %scan3A = arith.constant 0 : i32
    %scan3A_44 = arith.constant 0 : i32
    %scan3A_45 = arith.constant 6 : i32
    %scan3A_46 = arith.addi %scan3A_44, %scan3A_45 : i32
    %scan3A_47 = arith.constant 1 : i32
    %scan3A_48 = scf.for %scan3A_79 = %scan3A_44 to %scan3A_46 step %scan3A_47 iter_args(%scan3A_80 = %scan3A) -> (i32)  : i32 {
      %mul3A_81 = arith.constant 2 : i32
      %mul3A_82 = arith.muli %mul3A_81, %scan3A_79 : i32
      %dma_wait3A = arith.constant 0 : i32
      %dma_wait3A_83 = tpu.memref_slice %arg11[%dma_wait3A] : memref<88xi32, #tpu.memory_space<vmem>> -> memref<8xi32, #tpu.memory_space<vmem>>
      %dma_wait3A_84 = arith.constant 0 : i32
      %dma_wait3A_85 = arith.constant 0 : i32
      %dma_wait3A_86 = tpu.memref_slice %arg3[%dma_wait3A_84, %dma_wait3A_85] : memref<84480x2048xf32, #tpu.memory_space<hbm>> -> memref<84480x2048xf32, #tpu.memory_space<hbm>>
      tpu.wait_indirect_dma semaphore(%arg24 : memref<!tpu.dma_semaphore, #tpu.memory_space<semaphore_mem>>) src(%dma_wait3A_86 : memref<84480x2048xf32, #tpu.memory_space<hbm>>) dst(%arg14 : memref<8x2048xf32, #tpu.memory_space<vmem>>)
      %broadcast_in_dim3A_87 = arith.constant 0.000000e+00 : f32
      %broadcast_in_dim3A_88 = vector.broadcast %broadcast_in_dim3A_87 : f32 to vector<16xf32>
      %broadcast_in_dim3A_89 = arith.constant 0.000000e+00 : f32
      %broadcast_in_dim3A_90 = vector.broadcast %broadcast_in_dim3A_89 : f32 to vector<16xf32>
      %broadcast_in_dim3A_91 = arith.constant 0.000000e+00 : f32
      %broadcast_in_dim3A_92 = vector.broadcast %broadcast_in_dim3A_91 : f32 to vector<16xf32>
      %broadcast_in_dim3A_93 = arith.constant 0.000000e+00 : f32
      %broadcast_in_dim3A_94 = vector.broadcast %broadcast_in_dim3A_93 : f32 to vector<16xf32>
      %broadcast_in_dim3A_95 = arith.constant 0.000000e+00 : f32
      %broadcast_in_dim3A_96 = vector.broadcast %broadcast_in_dim3A_95 : f32 to vector<16xf32>
      %broadcast_in_dim3A_97 = arith.constant 0.000000e+00 : f32
      %broadcast_in_dim3A_98 = vector.broadcast %broadcast_in_dim3A_97 : f32 to vector<16xf32>
      %broadcast_in_dim3A_99 = arith.constant 0.000000e+00 : f32
      %broadcast_in_dim3A_100 = vector.broadcast %broadcast_in_dim3A_99 : f32 to vector<16xf32>
      %broadcast_in_dim3A_101 = arith.constant 0.000000e+00 : f32
      %broadcast_in_dim3A_102 = vector.broadcast %broadcast_in_dim3A_101 : f32 to vector<16xf32>
      %scan3A_103 = arith.constant 0 : i32
      %scan3A_104 = arith.constant 128 : i32
      %scan3A_105 = arith.addi %scan3A_103, %scan3A_104 : i32
      %scan3A_106 = arith.constant 1 : i32
      %scan3A_107:8 = scf.for %scan3A_315 = %scan3A_103 to %scan3A_105 step %scan3A_106 iter_args(%scan3A_316 = %broadcast_in_dim3A_88, %scan3A_317 = %broadcast_in_dim3A_90, %scan3A_318 = %broadcast_in_dim3A_92, %scan3A_319 = %broadcast_in_dim3A_94, %scan3A_320 = %broadcast_in_dim3A_96, %scan3A_321 = %broadcast_in_dim3A_98, %scan3A_322 = %broadcast_in_dim3A_100, %scan3A_323 = %broadcast_in_dim3A_102) -> (vector<16xf32>, vector<16xf32>, vector<16xf32>, vector<16xf32>, vector<16xf32>, vector<16xf32>, vector<16xf32>, vector<16xf32>)  : i32 {
        %mul3A_324 = arith.constant 16 : i32
        %mul3A_325 = arith.muli %scan3A_315, %mul3A_324 : i32
        %get3A_326 = arith.index_cast %mul3A_325 : i32 to index
        %get3A_327 = tpu.vector_load %arg10[%get3A_326] {strides = array<i32>} : memref<2048xf32, #tpu.memory_space<vmem>>, vector<16xf32>,
        %mul3A_328 = arith.constant 16 : i32
        %mul3A_329 = arith.muli %scan3A_315, %mul3A_328 : i32
        %get3A_330 = arith.constant 0 : i32
        %get3A_331 = arith.index_cast %get3A_330 : i32 to index
        %get3A_332 = arith.index_cast %mul3A_329 : i32 to index
        %get3A_333 = tpu.vector_load %arg14[%get3A_331, %get3A_332] {strides = array<i32>} : memref<8x2048xf32, #tpu.memory_space<vmem>>, vector<16xf32>,
        %mul3A_334 = arith.mulf %get3A_333, %get3A_327 : vector<16xf32>
        %add3A_335 = arith.addf %scan3A_316, %mul3A_334 : vector<16xf32>
        %mul3A_336 = arith.constant 16 : i32
        %mul3A_337 = arith.muli %scan3A_315, %mul3A_336 : i32
        %get3A_338 = arith.constant 1 : i32
        %get3A_339 = arith.index_cast %get3A_338 : i32 to index
        %get3A_340 = arith.index_cast %mul3A_337 : i32 to index
        %get3A_341 = tpu.vector_load %arg14[%get3A_339, %get3A_340] {strides = array<i32>} : memref<8x2048xf32, #tpu.memory_space<vmem>>, vector<16xf32>,
        %mul3A_342 = arith.mulf %get3A_341, %get3A_327 : vector<16xf32>
        %add3A_343 = arith.addf %scan3A_317, %mul3A_342 : vector<16xf32>
        %mul3A_344 = arith.constant 16 : i32
        %mul3A_345 = arith.muli %scan3A_315, %mul3A_344 : i32
        %get3A_346 = arith.constant 2 : i32
        %get3A_347 = arith.index_cast %get3A_346 : i32 to index
        %get3A_348 = arith.index_cast %mul3A_345 : i32 to index
        %get3A_349 = tpu.vector_load %arg14[%get3A_347, %get3A_348] {strides = array<i32>} : memref<8x2048xf32, #tpu.memory_space<vmem>>, vector<16xf32>,
        %mul3A_350 = arith.mulf %get3A_349, %get3A_327 : vector<16xf32>
        %add3A_351 = arith.addf %scan3A_318, %mul3A_350 : vector<16xf32>
        %mul3A_352 = arith.constant 16 : i32
        %mul3A_353 = arith.muli %scan3A_315, %mul3A_352 : i32
        %get3A_354 = arith.constant 3 : i32
        %get3A_355 = arith.index_cast %get3A_354 : i32 to index
        %get3A_356 = arith.index_cast %mul3A_353 : i32 to index
        %get3A_357 = tpu.vector_load %arg14[%get3A_355, %get3A_356] {strides = array<i32>} : memref<8x2048xf32, #tpu.memory_space<vmem>>, vector<16xf32>,
        %mul3A_358 = arith.mulf %get3A_357, %get3A_327 : vector<16xf32>
        %add3A_359 = arith.addf %scan3A_319, %mul3A_358 : vector<16xf32>
        %mul3A_360 = arith.constant 16 : i32
        %mul3A_361 = arith.muli %scan3A_315, %mul3A_360 : i32
        %get3A_362 = arith.constant 4 : i32
        %get3A_363 = arith.index_cast %get3A_362 : i32 to index
        %get3A_364 = arith.index_cast %mul3A_361 : i32 to index
        %get3A_365 = tpu.vector_load %arg14[%get3A_363, %get3A_364] {strides = array<i32>} : memref<8x2048xf32, #tpu.memory_space<vmem>>, vector<16xf32>,
        %mul3A_366 = arith.mulf %get3A_365, %get3A_327 : vector<16xf32>
        %add3A_367 = arith.addf %scan3A_320, %mul3A_366 : vector<16xf32>
        %mul3A_368 = arith.constant 16 : i32
        %mul3A_369 = arith.muli %scan3A_315, %mul3A_368 : i32
        %get3A_370 = arith.constant 5 : i32
        %get3A_371 = arith.index_cast %get3A_370 : i32 to index
        %get3A_372 = arith.index_cast %mul3A_369 : i32 to index
        %get3A_373 = tpu.vector_load %arg14[%get3A_371, %get3A_372] {strides = array<i32>} : memref<8x2048xf32, #tpu.memory_space<vmem>>, vector<16xf32>,
        %mul3A_374 = arith.mulf %get3A_373, %get3A_327 : vector<16xf32>
        %add3A_375 = arith.addf %scan3A_321, %mul3A_374 : vector<16xf32>
        %mul3A_376 = arith.constant 16 : i32
        %mul3A_377 = arith.muli %scan3A_315, %mul3A_376 : i32
        %get3A_378 = arith.constant 6 : i32
        %get3A_379 = arith.index_cast %get3A_378 : i32 to index
        %get3A_380 = arith.index_cast %mul3A_377 : i32 to index
        %get3A_381 = tpu.vector_load %arg14[%get3A_379, %get3A_380] {strides = array<i32>} : memref<8x2048xf32, #tpu.memory_space<vmem>>, vector<16xf32>,
        %mul3A_382 = arith.mulf %get3A_381, %get3A_327 : vector<16xf32>
        %add3A_383 = arith.addf %scan3A_322, %mul3A_382 : vector<16xf32>
        %mul3A_384 = arith.constant 16 : i32
        %mul3A_385 = arith.muli %scan3A_315, %mul3A_384 : i32
        %get3A_386 = arith.constant 7 : i32
        %get3A_387 = arith.index_cast %get3A_386 : i32 to index
        %get3A_388 = arith.index_cast %mul3A_385 : i32 to index
        %get3A_389 = tpu.vector_load %arg14[%get3A_387, %get3A_388] {strides = array<i32>} : memref<8x2048xf32, #tpu.memory_space<vmem>>, vector<16xf32>,
        %mul3A_390 = arith.mulf %get3A_389, %get3A_327 : vector<16xf32>
        %add3A_391 = arith.addf %scan3A_323, %mul3A_390 : vector<16xf32>
        scf.yield %add3A_335, %add3A_343, %add3A_351, %add3A_359, %add3A_367, %add3A_375, %add3A_383, %add3A_391 : vector<16xf32>, vector<16xf32>, vector<16xf32>, vector<16xf32>, vector<16xf32>, vector<16xf32>, vector<16xf32>, vector<16xf32>
      }
      %scan3A_108 = arith.constant 128 : i32
      %reduce_sum3A_109 = arith.constant true
      %reduce_sum3A_110 = vector.broadcast %reduce_sum3A_109 : i1 to vector<16xi1>
      %reduce_sum3A_111 = tpu.scan <sum>, %scan3A_107#0 masked %reduce_sum3A_110 : vector<16xf32>, vector<16xi1> -> vector<16xf32>
      %reduce_sum3A_112 = vector.extract %reduce_sum3A_111[15] : f32 from vector<16xf32>
      %reduce_sum3A_113 = arith.constant true
      %reduce_sum3A_114 = vector.broadcast %reduce_sum3A_113 : i1 to vector<16xi1>
      %reduce_sum3A_115 = tpu.scan <sum>, %scan3A_107#1 masked %reduce_sum3A_114 : vector<16xf32>, vector<16xi1> -> vector<16xf32>
      %reduce_sum3A_116 = vector.extract %reduce_sum3A_115[15] : f32 from vector<16xf32>
      %reduce_sum3A_117 = arith.constant true
      %reduce_sum3A_118 = vector.broadcast %reduce_sum3A_117 : i1 to vector<16xi1>
      %reduce_sum3A_119 = tpu.scan <sum>, %scan3A_107#2 masked %reduce_sum3A_118 : vector<16xf32>, vector<16xi1> -> vector<16xf32>
      %reduce_sum3A_120 = vector.extract %reduce_sum3A_119[15] : f32 from vector<16xf32>
      %reduce_sum3A_121 = arith.constant true
      %reduce_sum3A_122 = vector.broadcast %reduce_sum3A_121 : i1 to vector<16xi1>
      %reduce_sum3A_123 = tpu.scan <sum>, %scan3A_107#3 masked %reduce_sum3A_122 : vector<16xf32>, vector<16xi1> -> vector<16xf32>
      %reduce_sum3A_124 = vector.extract %reduce_sum3A_123[15] : f32 from vector<16xf32>
      %reduce_sum3A_125 = arith.constant true
      %reduce_sum3A_126 = vector.broadcast %reduce_sum3A_125 : i1 to vector<16xi1>
      %reduce_sum3A_127 = tpu.scan <sum>, %scan3A_107#4 masked %reduce_sum3A_126 : vector<16xf32>, vector<16xi1> -> vector<16xf32>
      %reduce_sum3A_128 = vector.extract %reduce_sum3A_127[15] : f32 from vector<16xf32>
      %reduce_sum3A_129 = arith.constant true
      %reduce_sum3A_130 = vector.broadcast %reduce_sum3A_129 : i1 to vector<16xi1>
      %reduce_sum3A_131 = tpu.scan <sum>, %scan3A_107#5 masked %reduce_sum3A_130 : vector<16xf32>, vector<16xi1> -> vector<16xf32>
      %reduce_sum3A_132 = vector.extract %reduce_sum3A_131[15] : f32 from vector<16xf32>
      %reduce_sum3A_133 = arith.constant true
      %reduce_sum3A_134 = vector.broadcast %reduce_sum3A_133 : i1 to vector<16xi1>
      %reduce_sum3A_135 = tpu.scan <sum>, %scan3A_107#6 masked %reduce_sum3A_134 : vector<16xf32>, vector<16xi1> -> vector<16xf32>
      %reduce_sum3A_136 = vector.extract %reduce_sum3A_135[15] : f32 from vector<16xf32>
      %reduce_sum3A_137 = arith.constant true
      %reduce_sum3A_138 = vector.broadcast %reduce_sum3A_137 : i1 to vector<16xi1>
      %reduce_sum3A_139 = tpu.scan <sum>, %scan3A_107#7 masked %reduce_sum3A_138 : vector<16xf32>, vector<16xi1> -> vector<16xf32>
      %reduce_sum3A_140 = vector.extract %reduce_sum3A_139[15] : f32 from vector<16xf32>
      %dma_wait3A_141 = arith.constant 0 : i32
      %dma_wait3A_142 = tpu.memref_slice %arg11[%dma_wait3A_141] : memref<88xi32, #tpu.memory_space<vmem>> -> memref<8xi32, #tpu.memory_space<vmem>>
      %dma_wait3A_143 = arith.constant 0 : i32
      %dma_wait3A_144 = arith.constant 0 : i32
      %dma_wait3A_145 = tpu.memref_slice %arg4[%dma_wait3A_143, %dma_wait3A_144] : memref<84480x2048xf32, #tpu.memory_space<hbm>> -> memref<84480x2048xf32, #tpu.memory_space<hbm>>
      tpu.wait_indirect_dma semaphore(%arg26 : memref<!tpu.dma_semaphore, #tpu.memory_space<semaphore_mem>>) src(%dma_wait3A_145 : memref<84480x2048xf32, #tpu.memory_space<hbm>>) dst(%arg16 : memref<8x2048xf32, #tpu.memory_space<vmem>>)
      %broadcast_in_dim3A_146 = arith.constant 0.000000e+00 : f32
      %broadcast_in_dim3A_147 = vector.broadcast %broadcast_in_dim3A_146 : f32 to vector<16xf32>
      %broadcast_in_dim3A_148 = arith.constant 0.000000e+00 : f32
      %broadcast_in_dim3A_149 = vector.broadcast %broadcast_in_dim3A_148 : f32 to vector<16xf32>
      %broadcast_in_dim3A_150 = arith.constant 0.000000e+00 : f32
      %broadcast_in_dim3A_151 = vector.broadcast %broadcast_in_dim3A_150 : f32 to vector<16xf32>
      %broadcast_in_dim3A_152 = arith.constant 0.000000e+00 : f32
      %broadcast_in_dim3A_153 = vector.broadcast %broadcast_in_dim3A_152 : f32 to vector<16xf32>
      %broadcast_in_dim3A_154 = arith.constant 0.000000e+00 : f32
      %broadcast_in_dim3A_155 = vector.broadcast %broadcast_in_dim3A_154 : f32 to vector<16xf32>
      %broadcast_in_dim3A_156 = arith.constant 0.000000e+00 : f32
      %broadcast_in_dim3A_157 = vector.broadcast %broadcast_in_dim3A_156 : f32 to vector<16xf32>
      %broadcast_in_dim3A_158 = arith.constant 0.000000e+00 : f32
      %broadcast_in_dim3A_159 = vector.broadcast %broadcast_in_dim3A_158 : f32 to vector<16xf32>
      %broadcast_in_dim3A_160 = arith.constant 0.000000e+00 : f32
      %broadcast_in_dim3A_161 = vector.broadcast %broadcast_in_dim3A_160 : f32 to vector<16xf32>
      %scan3A_162 = arith.constant 0 : i32
      %scan3A_163 = arith.constant 128 : i32
      %scan3A_164 = arith.addi %scan3A_162, %scan3A_163 : i32
      %scan3A_165 = arith.constant 1 : i32
      %scan3A_166:8 = scf.for %scan3A_315 = %scan3A_162 to %scan3A_164 step %scan3A_165 iter_args(%scan3A_316 = %broadcast_in_dim3A_147, %scan3A_317 = %broadcast_in_dim3A_149, %scan3A_318 = %broadcast_in_dim3A_151, %scan3A_319 = %broadcast_in_dim3A_153, %scan3A_320 = %broadcast_in_dim3A_155, %scan3A_321 = %broadcast_in_dim3A_157, %scan3A_322 = %broadcast_in_dim3A_159, %scan3A_323 = %broadcast_in_dim3A_161) -> (vector<16xf32>, vector<16xf32>, vector<16xf32>, vector<16xf32>, vector<16xf32>, vector<16xf32>, vector<16xf32>, vector<16xf32>)  : i32 {
        %mul3A_324 = arith.constant 16 : i32
        %mul3A_325 = arith.muli %scan3A_315, %mul3A_324 : i32
        %get3A_326 = arith.index_cast %mul3A_325 : i32 to index
        %get3A_327 = tpu.vector_load %arg10[%get3A_326] {strides = array<i32>} : memref<2048xf32, #tpu.memory_space<vmem>>, vector<16xf32>,
        %mul3A_328 = arith.constant 16 : i32
        %mul3A_329 = arith.muli %scan3A_315, %mul3A_328 : i32
        %get3A_330 = arith.constant 0 : i32
        %get3A_331 = arith.index_cast %get3A_330 : i32 to index
        %get3A_332 = arith.index_cast %mul3A_329 : i32 to index
        %get3A_333 = tpu.vector_load %arg16[%get3A_331, %get3A_332] {strides = array<i32>} : memref<8x2048xf32, #tpu.memory_space<vmem>>, vector<16xf32>,
        %mul3A_334 = arith.mulf %get3A_333, %get3A_327 : vector<16xf32>
        %add3A_335 = arith.addf %scan3A_316, %mul3A_334 : vector<16xf32>
        %mul3A_336 = arith.constant 16 : i32
        %mul3A_337 = arith.muli %scan3A_315, %mul3A_336 : i32
        %get3A_338 = arith.constant 1 : i32
        %get3A_339 = arith.index_cast %get3A_338 : i32 to index
        %get3A_340 = arith.index_cast %mul3A_337 : i32 to index
        %get3A_341 = tpu.vector_load %arg16[%get3A_339, %get3A_340] {strides = array<i32>} : memref<8x2048xf32, #tpu.memory_space<vmem>>, vector<16xf32>,
        %mul3A_342 = arith.mulf %get3A_341, %get3A_327 : vector<16xf32>
        %add3A_343 = arith.addf %scan3A_317, %mul3A_342 : vector<16xf32>
        %mul3A_344 = arith.constant 16 : i32
        %mul3A_345 = arith.muli %scan3A_315, %mul3A_344 : i32
        %get3A_346 = arith.constant 2 : i32
        %get3A_347 = arith.index_cast %get3A_346 : i32 to index
        %get3A_348 = arith.index_cast %mul3A_345 : i32 to index
        %get3A_349 = tpu.vector_load %arg16[%get3A_347, %get3A_348] {strides = array<i32>} : memref<8x2048xf32, #tpu.memory_space<vmem>>, vector<16xf32>,
        %mul3A_350 = arith.mulf %get3A_349, %get3A_327 : vector<16xf32>
        %add3A_351 = arith.addf %scan3A_318, %mul3A_350 : vector<16xf32>
        %mul3A_352 = arith.constant 16 : i32
        %mul3A_353 = arith.muli %scan3A_315, %mul3A_352 : i32
        %get3A_354 = arith.constant 3 : i32
        %get3A_355 = arith.index_cast %get3A_354 : i32 to index
        %get3A_356 = arith.index_cast %mul3A_353 : i32 to index
        %get3A_357 = tpu.vector_load %arg16[%get3A_355, %get3A_356] {strides = array<i32>} : memref<8x2048xf32, #tpu.memory_space<vmem>>, vector<16xf32>,
        %mul3A_358 = arith.mulf %get3A_357, %get3A_327 : vector<16xf32>
        %add3A_359 = arith.addf %scan3A_319, %mul3A_358 : vector<16xf32>
        %mul3A_360 = arith.constant 16 : i32
        %mul3A_361 = arith.muli %scan3A_315, %mul3A_360 : i32
        %get3A_362 = arith.constant 4 : i32
        %get3A_363 = arith.index_cast %get3A_362 : i32 to index
        %get3A_364 = arith.index_cast %mul3A_361 : i32 to index
        %get3A_365 = tpu.vector_load %arg16[%get3A_363, %get3A_364] {strides = array<i32>} : memref<8x2048xf32, #tpu.memory_space<vmem>>, vector<16xf32>,
        %mul3A_366 = arith.mulf %get3A_365, %get3A_327 : vector<16xf32>
        %add3A_367 = arith.addf %scan3A_320, %mul3A_366 : vector<16xf32>
        %mul3A_368 = arith.constant 16 : i32
        %mul3A_369 = arith.muli %scan3A_315, %mul3A_368 : i32
        %get3A_370 = arith.constant 5 : i32
        %get3A_371 = arith.index_cast %get3A_370 : i32 to index
        %get3A_372 = arith.index_cast %mul3A_369 : i32 to index
        %get3A_373 = tpu.vector_load %arg16[%get3A_371, %get3A_372] {strides = array<i32>} : memref<8x2048xf32, #tpu.memory_space<vmem>>, vector<16xf32>,
        %mul3A_374 = arith.mulf %get3A_373, %get3A_327 : vector<16xf32>
        %add3A_375 = arith.addf %scan3A_321, %mul3A_374 : vector<16xf32>
        %mul3A_376 = arith.constant 16 : i32
        %mul3A_377 = arith.muli %scan3A_315, %mul3A_376 : i32
        %get3A_378 = arith.constant 6 : i32
        %get3A_379 = arith.index_cast %get3A_378 : i32 to index
        %get3A_380 = arith.index_cast %mul3A_377 : i32 to index
        %get3A_381 = tpu.vector_load %arg16[%get3A_379, %get3A_380] {strides = array<i32>} : memref<8x2048xf32, #tpu.memory_space<vmem>>, vector<16xf32>,
        %mul3A_382 = arith.mulf %get3A_381, %get3A_327 : vector<16xf32>
        %add3A_383 = arith.addf %scan3A_322, %mul3A_382 : vector<16xf32>
        %mul3A_384 = arith.constant 16 : i32
        %mul3A_385 = arith.muli %scan3A_315, %mul3A_384 : i32
        %get3A_386 = arith.constant 7 : i32
        %get3A_387 = arith.index_cast %get3A_386 : i32 to index
        %get3A_388 = arith.index_cast %mul3A_385 : i32 to index
        %get3A_389 = tpu.vector_load %arg16[%get3A_387, %get3A_388] {strides = array<i32>} : memref<8x2048xf32, #tpu.memory_space<vmem>>, vector<16xf32>,
        %mul3A_390 = arith.mulf %get3A_389, %get3A_327 : vector<16xf32>
        %add3A_391 = arith.addf %scan3A_323, %mul3A_390 : vector<16xf32>
        scf.yield %add3A_335, %add3A_343, %add3A_351, %add3A_359, %add3A_367, %add3A_375, %add3A_383, %add3A_391 : vector<16xf32>, vector<16xf32>, vector<16xf32>, vector<16xf32>, vector<16xf32>, vector<16xf32>, vector<16xf32>, vector<16xf32>
      }
      %scan3A_167 = arith.constant 128 : i32
      %reduce_sum3A_168 = arith.constant true
      %reduce_sum3A_169 = vector.broadcast %reduce_sum3A_168 : i1 to vector<16xi1>
      %reduce_sum3A_170 = tpu.scan <sum>, %scan3A_166#0 masked %reduce_sum3A_169 : vector<16xf32>, vector<16xi1> -> vector<16xf32>
      %reduce_sum3A_171 = vector.extract %reduce_sum3A_170[15] : f32 from vector<16xf32>
      %reduce_sum3A_172 = arith.constant true
      %reduce_sum3A_173 = vector.broadcast %reduce_sum3A_172 : i1 to vector<16xi1>
      %reduce_sum3A_174 = tpu.scan <sum>, %scan3A_166#1 masked %reduce_sum3A_173 : vector<16xf32>, vector<16xi1> -> vector<16xf32>
      %reduce_sum3A_175 = vector.extract %reduce_sum3A_174[15] : f32 from vector<16xf32>
      %reduce_sum3A_176 = arith.constant true
      %reduce_sum3A_177 = vector.broadcast %reduce_sum3A_176 : i1 to vector<16xi1>
      %reduce_sum3A_178 = tpu.scan <sum>, %scan3A_166#2 masked %reduce_sum3A_177 : vector<16xf32>, vector<16xi1> -> vector<16xf32>
      %reduce_sum3A_179 = vector.extract %reduce_sum3A_178[15] : f32 from vector<16xf32>
      %reduce_sum3A_180 = arith.constant true
      %reduce_sum3A_181 = vector.broadcast %reduce_sum3A_180 : i1 to vector<16xi1>
      %reduce_sum3A_182 = tpu.scan <sum>, %scan3A_166#3 masked %reduce_sum3A_181 : vector<16xf32>, vector<16xi1> -> vector<16xf32>
      %reduce_sum3A_183 = vector.extract %reduce_sum3A_182[15] : f32 from vector<16xf32>
      %reduce_sum3A_184 = arith.constant true
      %reduce_sum3A_185 = vector.broadcast %reduce_sum3A_184 : i1 to vector<16xi1>
      %reduce_sum3A_186 = tpu.scan <sum>, %scan3A_166#4 masked %reduce_sum3A_185 : vector<16xf32>, vector<16xi1> -> vector<16xf32>
      %reduce_sum3A_187 = vector.extract %reduce_sum3A_186[15] : f32 from vector<16xf32>
      %reduce_sum3A_188 = arith.constant true
      %reduce_sum3A_189 = vector.broadcast %reduce_sum3A_188 : i1 to vector<16xi1>
      %reduce_sum3A_190 = tpu.scan <sum>, %scan3A_166#5 masked %reduce_sum3A_189 : vector<16xf32>, vector<16xi1> -> vector<16xf32>
      %reduce_sum3A_191 = vector.extract %reduce_sum3A_190[15] : f32 from vector<16xf32>
      %reduce_sum3A_192 = arith.constant true
      %reduce_sum3A_193 = vector.broadcast %reduce_sum3A_192 : i1 to vector<16xi1>
      %reduce_sum3A_194 = tpu.scan <sum>, %scan3A_166#6 masked %reduce_sum3A_193 : vector<16xf32>, vector<16xi1> -> vector<16xf32>
      %reduce_sum3A_195 = vector.extract %reduce_sum3A_194[15] : f32 from vector<16xf32>
      %reduce_sum3A_196 = arith.constant true
      %reduce_sum3A_197 = vector.broadcast %reduce_sum3A_196 : i1 to vector<16xi1>
      %reduce_sum3A_198 = tpu.scan <sum>, %scan3A_166#7 masked %reduce_sum3A_197 : vector<16xf32>, vector<16xi1> -> vector<16xf32>
      %reduce_sum3A_199 = vector.extract %reduce_sum3A_198[15] : f32 from vector<16xf32>
      %add3A_200 = arith.constant 2 : i32
      %add3A_201 = arith.addi %mul3A_82, %add3A_200 : i32
      %min3A_202 = arith.constant 10 : i32
      %min3A_203 = arith.minsi %add3A_201, %min3A_202 : i32
      %lt3A = arith.constant 11 : i32
      %lt3A_204 = arith.cmpi slt, %add3A_201, %lt3A : i32
      %convert_element_type3A = arith.extui %lt3A_204 : i1 to i32
      %cond3A = arith.constant 0 : i32
      %cond3A_205 = arith.cmpi ne, %convert_element_type3A, %cond3A : i32
      scf.if %cond3A_205 {
        %mul3A_315 = arith.constant 8 : i32
        %mul3A_316 = arith.muli %min3A_203, %mul3A_315 : i32
        %dma_start3A_317 = tpu.memref_slice %arg11[%mul3A_316] : memref<88xi32, #tpu.memory_space<vmem>> -> memref<8xi32, #tpu.memory_space<vmem>>
        %dma_start3A_318 = arith.constant 0 : i32
        %dma_start3A_319 = arith.constant 0 : i32
        %dma_start3A_320 = tpu.memref_slice %arg3[%dma_start3A_318, %dma_start3A_319] : memref<84480x2048xf32, #tpu.memory_space<hbm>> -> memref<84480x2048xf32, #tpu.memory_space<hbm>>
        tpu.enqueue_indirect_dma source(%dma_start3A_320 : memref<84480x2048xf32, #tpu.memory_space<hbm>>) target(%arg14 : memref<8x2048xf32, #tpu.memory_space<vmem>>) offsets(%dma_start3A_317 : memref<8xi32, #tpu.memory_space<vmem>>) semaphore(%arg24 : memref<!tpu.dma_semaphore, #tpu.memory_space<semaphore_mem>>)
        %mul3A_321 = arith.constant 8 : i32
        %mul3A_322 = arith.muli %min3A_203, %mul3A_321 : i32
        %dma_start3A_323 = tpu.memref_slice %arg11[%mul3A_322] : memref<88xi32, #tpu.memory_space<vmem>> -> memref<8xi32, #tpu.memory_space<vmem>>
        %dma_start3A_324 = arith.constant 0 : i32
        %dma_start3A_325 = arith.constant 0 : i32
        %dma_start3A_326 = tpu.memref_slice %arg4[%dma_start3A_324, %dma_start3A_325] : memref<84480x2048xf32, #tpu.memory_space<hbm>> -> memref<84480x2048xf32, #tpu.memory_space<hbm>>
        tpu.enqueue_indirect_dma source(%dma_start3A_326 : memref<84480x2048xf32, #tpu.memory_space<hbm>>) target(%arg16 : memref<8x2048xf32, #tpu.memory_space<vmem>>) offsets(%dma_start3A_323 : memref<8xi32, #tpu.memory_space<vmem>>) semaphore(%arg26 : memref<!tpu.dma_semaphore, #tpu.memory_space<semaphore_mem>>)
      } else {
      }
      %broadcast_in_dim3A_206 = arith.constant 0.000000e+00 : f32
      %broadcast_in_dim3A_207 = vector.broadcast %broadcast_in_dim3A_206 : f32 to vector<16xf32>
      %eq3A_208 = arith.constant 0 : i32
      %eq3A_209 = vector.broadcast %eq3A_208 : i32 to vector<16xi32>
      %eq3A_210 = arith.cmpi eq, %iota3A, %eq3A_209 : vector<16xi32>
      %broadcast_in_dim3A_211 = vector.broadcast %reduce_sum3A_112 : f32 to vector<16xf32>
      %select_n3A_212 = arith.select %eq3A_210, %broadcast_in_dim3A_211, %broadcast_in_dim3A_207 : vector<16xi1>, vector<16xf32>
      %eq3A_213 = arith.constant 1 : i32
      %eq3A_214 = vector.broadcast %eq3A_213 : i32 to vector<16xi32>
      %eq3A_215 = arith.cmpi eq, %iota3A, %eq3A_214 : vector<16xi32>
      %broadcast_in_dim3A_216 = vector.broadcast %reduce_sum3A_116 : f32 to vector<16xf32>
      %select_n3A_217 = arith.select %eq3A_215, %broadcast_in_dim3A_216, %select_n3A_212 : vector<16xi1>, vector<16xf32>
      %eq3A_218 = arith.constant 2 : i32
      %eq3A_219 = vector.broadcast %eq3A_218 : i32 to vector<16xi32>
      %eq3A_220 = arith.cmpi eq, %iota3A, %eq3A_219 : vector<16xi32>
      %broadcast_in_dim3A_221 = vector.broadcast %reduce_sum3A_120 : f32 to vector<16xf32>
      %select_n3A_222 = arith.select %eq3A_220, %broadcast_in_dim3A_221, %select_n3A_217 : vector<16xi1>, vector<16xf32>
      %eq3A_223 = arith.constant 3 : i32
      %eq3A_224 = vector.broadcast %eq3A_223 : i32 to vector<16xi32>
      %eq3A_225 = arith.cmpi eq, %iota3A, %eq3A_224 : vector<16xi32>
      %broadcast_in_dim3A_226 = vector.broadcast %reduce_sum3A_124 : f32 to vector<16xf32>
      %select_n3A_227 = arith.select %eq3A_225, %broadcast_in_dim3A_226, %select_n3A_222 : vector<16xi1>, vector<16xf32>
      %eq3A_228 = arith.constant 4 : i32
      %eq3A_229 = vector.broadcast %eq3A_228 : i32 to vector<16xi32>
      %eq3A_230 = arith.cmpi eq, %iota3A, %eq3A_229 : vector<16xi32>
      %broadcast_in_dim3A_231 = vector.broadcast %reduce_sum3A_128 : f32 to vector<16xf32>
      %select_n3A_232 = arith.select %eq3A_230, %broadcast_in_dim3A_231, %select_n3A_227 : vector<16xi1>, vector<16xf32>
      %eq3A_233 = arith.constant 5 : i32
      %eq3A_234 = vector.broadcast %eq3A_233 : i32 to vector<16xi32>
      %eq3A_235 = arith.cmpi eq, %iota3A, %eq3A_234 : vector<16xi32>
      %broadcast_in_dim3A_236 = vector.broadcast %reduce_sum3A_132 : f32 to vector<16xf32>
      %select_n3A_237 = arith.select %eq3A_235, %broadcast_in_dim3A_236, %select_n3A_232 : vector<16xi1>, vector<16xf32>
      %eq3A_238 = arith.constant 6 : i32
      %eq3A_239 = vector.broadcast %eq3A_238 : i32 to vector<16xi32>
      %eq3A_240 = arith.cmpi eq, %iota3A, %eq3A_239 : vector<16xi32>
      %broadcast_in_dim3A_241 = vector.broadcast %reduce_sum3A_136 : f32 to vector<16xf32>
      %select_n3A_242 = arith.select %eq3A_240, %broadcast_in_dim3A_241, %select_n3A_237 : vector<16xi1>, vector<16xf32>
      %eq3A_243 = arith.constant 7 : i32
      %eq3A_244 = vector.broadcast %eq3A_243 : i32 to vector<16xi32>
      %eq3A_245 = arith.cmpi eq, %iota3A, %eq3A_244 : vector<16xi32>
      %broadcast_in_dim3A_246 = vector.broadcast %reduce_sum3A_140 : f32 to vector<16xf32>
      %select_n3A_247 = arith.select %eq3A_245, %broadcast_in_dim3A_246, %select_n3A_242 : vector<16xi1>, vector<16xf32>
      %broadcast_in_dim3A_248 = arith.constant 0.000000e+00 : f32
      %broadcast_in_dim3A_249 = vector.broadcast %broadcast_in_dim3A_248 : f32 to vector<16xf32>
      %eq3A_250 = arith.constant 0 : i32
      %eq3A_251 = vector.broadcast %eq3A_250 : i32 to vector<16xi32>
      %eq3A_252 = arith.cmpi eq, %iota3A, %eq3A_251 : vector<16xi32>
      %broadcast_in_dim3A_253 = vector.broadcast %reduce_sum3A_171 : f32 to vector<16xf32>
      %select_n3A_254 = arith.select %eq3A_252, %broadcast_in_dim3A_253, %broadcast_in_dim3A_249 : vector<16xi1>, vector<16xf32>
      %eq3A_255 = arith.constant 1 : i32
      %eq3A_256 = vector.broadcast %eq3A_255 : i32 to vector<16xi32>
      %eq3A_257 = arith.cmpi eq, %iota3A, %eq3A_256 : vector<16xi32>
      %broadcast_in_dim3A_258 = vector.broadcast %reduce_sum3A_175 : f32 to vector<16xf32>
      %select_n3A_259 = arith.select %eq3A_257, %broadcast_in_dim3A_258, %select_n3A_254 : vector<16xi1>, vector<16xf32>
      %eq3A_260 = arith.constant 2 : i32
      %eq3A_261 = vector.broadcast %eq3A_260 : i32 to vector<16xi32>
      %eq3A_262 = arith.cmpi eq, %iota3A, %eq3A_261 : vector<16xi32>
      %broadcast_in_dim3A_263 = vector.broadcast %reduce_sum3A_179 : f32 to vector<16xf32>
      %select_n3A_264 = arith.select %eq3A_262, %broadcast_in_dim3A_263, %select_n3A_259 : vector<16xi1>, vector<16xf32>
      %eq3A_265 = arith.constant 3 : i32
      %eq3A_266 = vector.broadcast %eq3A_265 : i32 to vector<16xi32>
      %eq3A_267 = arith.cmpi eq, %iota3A, %eq3A_266 : vector<16xi32>
      %broadcast_in_dim3A_268 = vector.broadcast %reduce_sum3A_183 : f32 to vector<16xf32>
      %select_n3A_269 = arith.select %eq3A_267, %broadcast_in_dim3A_268, %select_n3A_264 : vector<16xi1>, vector<16xf32>
      %eq3A_270 = arith.constant 4 : i32
      %eq3A_271 = vector.broadcast %eq3A_270 : i32 to vector<16xi32>
      %eq3A_272 = arith.cmpi eq, %iota3A, %eq3A_271 : vector<16xi32>
      %broadcast_in_dim3A_273 = vector.broadcast %reduce_sum3A_187 : f32 to vector<16xf32>
      %select_n3A_274 = arith.select %eq3A_272, %broadcast_in_dim3A_273, %select_n3A_269 : vector<16xi1>, vector<16xf32>
      %eq3A_275 = arith.constant 5 : i32
      %eq3A_276 = vector.broadcast %eq3A_275 : i32 to vector<16xi32>
      %eq3A_277 = arith.cmpi eq, %iota3A, %eq3A_276 : vector<16xi32>
      %broadcast_in_dim3A_278 = vector.broadcast %reduce_sum3A_191 : f32 to vector<16xf32>
      %select_n3A_279 = arith.select %eq3A_277, %broadcast_in_dim3A_278, %select_n3A_274 : vector<16xi1>, vector<16xf32>
      %eq3A_280 = arith.constant 6 : i32
      %eq3A_281 = vector.broadcast %eq3A_280 : i32 to vector<16xi32>
      %eq3A_282 = arith.cmpi eq, %iota3A, %eq3A_281 : vector<16xi32>
      %broadcast_in_dim3A_283 = vector.broadcast %reduce_sum3A_195 : f32 to vector<16xf32>
      %select_n3A_284 = arith.select %eq3A_282, %broadcast_in_dim3A_283, %select_n3A_279 : vector<16xi1>, vector<16xf32>
      %eq3A_285 = arith.constant 7 : i32
      %eq3A_286 = vector.broadcast %eq3A_285 : i32 to vector<16xi32>
      %eq3A_287 = arith.cmpi eq, %iota3A, %eq3A_286 : vector<16xi32>
      %broadcast_in_dim3A_288 = vector.broadcast %reduce_sum3A_199 : f32 to vector<16xf32>
      %select_n3A_289 = arith.select %eq3A_287, %broadcast_in_dim3A_288, %select_n3A_284 : vector<16xi1>, vector<16xf32>
      %mul3A_290 = arith.constant 2 : i32
      %mul3A_291 = arith.muli %mul3A_290, %scan3A_79 : i32
      %mul3A_292 = arith.constant 8 : i32
      %mul3A_293 = arith.muli %mul3A_291, %mul3A_292 : i32
      %neg3A = arith.constant 0.000000e+00 : f32
      %neg3A_294 = vector.broadcast %neg3A : f32 to vector<16xf32>
      %neg3A_295 = arith.subf %neg3A_294, %select_n3A_247 : vector<16xf32>
      %exp3A = math.exp %neg3A_295 : vector<16xf32>
      %add3A_296 = arith.constant 1.000000e+00 : f32
      %add3A_297 = vector.broadcast %add3A_296 : f32 to vector<16xf32>
      %add3A_298 = arith.addf %add3A_297, %exp3A : vector<16xf32>
      %div3A = arith.constant 1.000000e+00 : f32
      %div3A_299 = vector.broadcast %div3A : f32 to vector<16xf32>
      %div3A_300 = arith.divf %div3A_299, %add3A_298 : vector<16xf32>
      %mul3A_301 = arith.mulf %select_n3A_247, %div3A_300 : vector<16xf32>
      %mul3A_302 = arith.mulf %mul3A_301, %select_n3A_289 : vector<16xf32>
      %mul3A_303 = arith.mulf %mul3A_302, %broadcast_in_dim3A_15 : vector<16xf32>
      %swap3A = arith.index_cast %mul3A_293 : i32 to index
      %swap3A_304 = tpu.vector_load %arg20[%swap3A] {strides = array<i32>} : memref<96xf32, #tpu.memory_space<vmem>>, vector<16xf32>,
      tpu.vector_store %arg20[%swap3A], %mul3A_303 {strides = array<i32>} : memref<96xf32, #tpu.memory_space<vmem>>, vector<16xf32>,
      %mul3A_305 = arith.constant 2 : i32
      %mul3A_306 = arith.muli %mul3A_305, %scan3A_79 : i32
      %add3A_307 = arith.constant 1 : i32
      %add3A_308 = arith.addi %mul3A_306, %add3A_307 : i32
      %lt3A_309 = arith.constant 11 : i32
      %lt3A_310 = arith.cmpi slt, %add3A_308, %lt3A_309 : i32
      %convert_element_type3A_311 = arith.extui %lt3A_310 : i1 to i32
      %cond3A_312 = arith.constant 0 : i32
      %cond3A_313 = arith.cmpi ne, %convert_element_type3A_311, %cond3A_312 : i32
      scf.if %cond3A_313 {
        %mul3A_315 = arith.constant 2 : i32
        %mul3A_316 = arith.muli %mul3A_315, %scan3A_79 : i32
        %add3A_317 = arith.constant 1 : i32
        %add3A_318 = arith.addi %mul3A_316, %add3A_317 : i32
        %dma_wait3A_319 = arith.constant 0 : i32
        %dma_wait3A_320 = tpu.memref_slice %arg11[%dma_wait3A_319] : memref<88xi32, #tpu.memory_space<vmem>> -> memref<8xi32, #tpu.memory_space<vmem>>
        %dma_wait3A_321 = arith.constant 0 : i32
        %dma_wait3A_322 = arith.constant 0 : i32
        %dma_wait3A_323 = tpu.memref_slice %arg3[%dma_wait3A_321, %dma_wait3A_322] : memref<84480x2048xf32, #tpu.memory_space<hbm>> -> memref<84480x2048xf32, #tpu.memory_space<hbm>>
        tpu.wait_indirect_dma semaphore(%arg25 : memref<!tpu.dma_semaphore, #tpu.memory_space<semaphore_mem>>) src(%dma_wait3A_323 : memref<84480x2048xf32, #tpu.memory_space<hbm>>) dst(%arg15 : memref<8x2048xf32, #tpu.memory_space<vmem>>)
        %broadcast_in_dim3A_324 = arith.constant 0.000000e+00 : f32
        %broadcast_in_dim3A_325 = vector.broadcast %broadcast_in_dim3A_324 : f32 to vector<16xf32>
        %broadcast_in_dim3A_326 = arith.constant 0.000000e+00 : f32
        %broadcast_in_dim3A_327 = vector.broadcast %broadcast_in_dim3A_326 : f32 to vector<16xf32>
        %broadcast_in_dim3A_328 = arith.constant 0.000000e+00 : f32
        %broadcast_in_dim3A_329 = vector.broadcast %broadcast_in_dim3A_328 : f32 to vector<16xf32>
        %broadcast_in_dim3A_330 = arith.constant 0.000000e+00 : f32
        %broadcast_in_dim3A_331 = vector.broadcast %broadcast_in_dim3A_330 : f32 to vector<16xf32>
        %broadcast_in_dim3A_332 = arith.constant 0.000000e+00 : f32
        %broadcast_in_dim3A_333 = vector.broadcast %broadcast_in_dim3A_332 : f32 to vector<16xf32>
        %broadcast_in_dim3A_334 = arith.constant 0.000000e+00 : f32
        %broadcast_in_dim3A_335 = vector.broadcast %broadcast_in_dim3A_334 : f32 to vector<16xf32>
        %broadcast_in_dim3A_336 = arith.constant 0.000000e+00 : f32
        %broadcast_in_dim3A_337 = vector.broadcast %broadcast_in_dim3A_336 : f32 to vector<16xf32>
        %broadcast_in_dim3A_338 = arith.constant 0.000000e+00 : f32
        %broadcast_in_dim3A_339 = vector.broadcast %broadcast_in_dim3A_338 : f32 to vector<16xf32>
        %scan3A_340 = arith.constant 0 : i32
        %scan3A_341 = arith.constant 128 : i32
        %scan3A_342 = arith.addi %scan3A_340, %scan3A_341 : i32
        %scan3A_343 = arith.constant 1 : i32
        %scan3A_344:8 = scf.for %scan3A_553 = %scan3A_340 to %scan3A_342 step %scan3A_343 iter_args(%scan3A_554 = %broadcast_in_dim3A_325, %scan3A_555 = %broadcast_in_dim3A_327, %scan3A_556 = %broadcast_in_dim3A_329, %scan3A_557 = %broadcast_in_dim3A_331, %scan3A_558 = %broadcast_in_dim3A_333, %scan3A_559 = %broadcast_in_dim3A_335, %scan3A_560 = %broadcast_in_dim3A_337, %scan3A_561 = %broadcast_in_dim3A_339) -> (vector<16xf32>, vector<16xf32>, vector<16xf32>, vector<16xf32>, vector<16xf32>, vector<16xf32>, vector<16xf32>, vector<16xf32>)  : i32 {
          %mul3A_562 = arith.constant 16 : i32
          %mul3A_563 = arith.muli %scan3A_553, %mul3A_562 : i32
          %get3A_564 = arith.index_cast %mul3A_563 : i32 to index
          %get3A_565 = tpu.vector_load %arg10[%get3A_564] {strides = array<i32>} : memref<2048xf32, #tpu.memory_space<vmem>>, vector<16xf32>,
          %mul3A_566 = arith.constant 16 : i32
          %mul3A_567 = arith.muli %scan3A_553, %mul3A_566 : i32
          %get3A_568 = arith.constant 0 : i32
          %get3A_569 = arith.index_cast %get3A_568 : i32 to index
          %get3A_570 = arith.index_cast %mul3A_567 : i32 to index
          %get3A_571 = tpu.vector_load %arg15[%get3A_569, %get3A_570] {strides = array<i32>} : memref<8x2048xf32, #tpu.memory_space<vmem>>, vector<16xf32>,
          %mul3A_572 = arith.mulf %get3A_571, %get3A_565 : vector<16xf32>
          %add3A_573 = arith.addf %scan3A_554, %mul3A_572 : vector<16xf32>
          %mul3A_574 = arith.constant 16 : i32
          %mul3A_575 = arith.muli %scan3A_553, %mul3A_574 : i32
          %get3A_576 = arith.constant 1 : i32
          %get3A_577 = arith.index_cast %get3A_576 : i32 to index
          %get3A_578 = arith.index_cast %mul3A_575 : i32 to index
          %get3A_579 = tpu.vector_load %arg15[%get3A_577, %get3A_578] {strides = array<i32>} : memref<8x2048xf32, #tpu.memory_space<vmem>>, vector<16xf32>,
          %mul3A_580 = arith.mulf %get3A_579, %get3A_565 : vector<16xf32>
          %add3A_581 = arith.addf %scan3A_555, %mul3A_580 : vector<16xf32>
          %mul3A_582 = arith.constant 16 : i32
          %mul3A_583 = arith.muli %scan3A_553, %mul3A_582 : i32
          %get3A_584 = arith.constant 2 : i32
          %get3A_585 = arith.index_cast %get3A_584 : i32 to index
          %get3A_586 = arith.index_cast %mul3A_583 : i32 to index
          %get3A_587 = tpu.vector_load %arg15[%get3A_585, %get3A_586] {strides = array<i32>} : memref<8x2048xf32, #tpu.memory_space<vmem>>, vector<16xf32>,
          %mul3A_588 = arith.mulf %get3A_587, %get3A_565 : vector<16xf32>
          %add3A_589 = arith.addf %scan3A_556, %mul3A_588 : vector<16xf32>
          %mul3A_590 = arith.constant 16 : i32
          %mul3A_591 = arith.muli %scan3A_553, %mul3A_590 : i32
          %get3A_592 = arith.constant 3 : i32
          %get3A_593 = arith.index_cast %get3A_592 : i32 to index
          %get3A_594 = arith.index_cast %mul3A_591 : i32 to index
          %get3A_595 = tpu.vector_load %arg15[%get3A_593, %get3A_594] {strides = array<i32>} : memref<8x2048xf32, #tpu.memory_space<vmem>>, vector<16xf32>,
          %mul3A_596 = arith.mulf %get3A_595, %get3A_565 : vector<16xf32>
          %add3A_597 = arith.addf %scan3A_557, %mul3A_596 : vector<16xf32>
          %mul3A_598 = arith.constant 16 : i32
          %mul3A_599 = arith.muli %scan3A_553, %mul3A_598 : i32
          %get3A_600 = arith.constant 4 : i32
          %get3A_601 = arith.index_cast %get3A_600 : i32 to index
          %get3A_602 = arith.index_cast %mul3A_599 : i32 to index
          %get3A_603 = tpu.vector_load %arg15[%get3A_601, %get3A_602] {strides = array<i32>} : memref<8x2048xf32, #tpu.memory_space<vmem>>, vector<16xf32>,
          %mul3A_604 = arith.mulf %get3A_603, %get3A_565 : vector<16xf32>
          %add3A_605 = arith.addf %scan3A_558, %mul3A_604 : vector<16xf32>
          %mul3A_606 = arith.constant 16 : i32
          %mul3A_607 = arith.muli %scan3A_553, %mul3A_606 : i32
          %get3A_608 = arith.constant 5 : i32
          %get3A_609 = arith.index_cast %get3A_608 : i32 to index
          %get3A_610 = arith.index_cast %mul3A_607 : i32 to index
          %get3A_611 = tpu.vector_load %arg15[%get3A_609, %get3A_610] {strides = array<i32>} : memref<8x2048xf32, #tpu.memory_space<vmem>>, vector<16xf32>,
          %mul3A_612 = arith.mulf %get3A_611, %get3A_565 : vector<16xf32>
          %add3A_613 = arith.addf %scan3A_559, %mul3A_612 : vector<16xf32>
          %mul3A_614 = arith.constant 16 : i32
          %mul3A_615 = arith.muli %scan3A_553, %mul3A_614 : i32
          %get3A_616 = arith.constant 6 : i32
          %get3A_617 = arith.index_cast %get3A_616 : i32 to index
          %get3A_618 = arith.index_cast %mul3A_615 : i32 to index
          %get3A_619 = tpu.vector_load %arg15[%get3A_617, %get3A_618] {strides = array<i32>} : memref<8x2048xf32, #tpu.memory_space<vmem>>, vector<16xf32>,
          %mul3A_620 = arith.mulf %get3A_619, %get3A_565 : vector<16xf32>
          %add3A_621 = arith.addf %scan3A_560, %mul3A_620 : vector<16xf32>
          %mul3A_622 = arith.constant 16 : i32
          %mul3A_623 = arith.muli %scan3A_553, %mul3A_622 : i32
          %get3A_624 = arith.constant 7 : i32
          %get3A_625 = arith.index_cast %get3A_624 : i32 to index
          %get3A_626 = arith.index_cast %mul3A_623 : i32 to index
          %get3A_627 = tpu.vector_load %arg15[%get3A_625, %get3A_626] {strides = array<i32>} : memref<8x2048xf32, #tpu.memory_space<vmem>>, vector<16xf32>,
          %mul3A_628 = arith.mulf %get3A_627, %get3A_565 : vector<16xf32>
          %add3A_629 = arith.addf %scan3A_561, %mul3A_628 : vector<16xf32>
          scf.yield %add3A_573, %add3A_581, %add3A_589, %add3A_597, %add3A_605, %add3A_613, %add3A_621, %add3A_629 : vector<16xf32>, vector<16xf32>, vector<16xf32>, vector<16xf32>, vector<16xf32>, vector<16xf32>, vector<16xf32>, vector<16xf32>
        }
        %scan3A_345 = arith.constant 128 : i32
        %reduce_sum3A_346 = arith.constant true
        %reduce_sum3A_347 = vector.broadcast %reduce_sum3A_346 : i1 to vector<16xi1>
        %reduce_sum3A_348 = tpu.scan <sum>, %scan3A_344#0 masked %reduce_sum3A_347 : vector<16xf32>, vector<16xi1> -> vector<16xf32>
        %reduce_sum3A_349 = vector.extract %reduce_sum3A_348[15] : f32 from vector<16xf32>
        %reduce_sum3A_350 = arith.constant true
        %reduce_sum3A_351 = vector.broadcast %reduce_sum3A_350 : i1 to vector<16xi1>
        %reduce_sum3A_352 = tpu.scan <sum>, %scan3A_344#1 masked %reduce_sum3A_351 : vector<16xf32>, vector<16xi1> -> vector<16xf32>
        %reduce_sum3A_353 = vector.extract %reduce_sum3A_352[15] : f32 from vector<16xf32>
        %reduce_sum3A_354 = arith.constant true
        %reduce_sum3A_355 = vector.broadcast %reduce_sum3A_354 : i1 to vector<16xi1>
        %reduce_sum3A_356 = tpu.scan <sum>, %scan3A_344#2 masked %reduce_sum3A_355 : vector<16xf32>, vector<16xi1> -> vector<16xf32>
        %reduce_sum3A_357 = vector.extract %reduce_sum3A_356[15] : f32 from vector<16xf32>
        %reduce_sum3A_358 = arith.constant true
        %reduce_sum3A_359 = vector.broadcast %reduce_sum3A_358 : i1 to vector<16xi1>
        %reduce_sum3A_360 = tpu.scan <sum>, %scan3A_344#3 masked %reduce_sum3A_359 : vector<16xf32>, vector<16xi1> -> vector<16xf32>
        %reduce_sum3A_361 = vector.extract %reduce_sum3A_360[15] : f32 from vector<16xf32>
        %reduce_sum3A_362 = arith.constant true
        %reduce_sum3A_363 = vector.broadcast %reduce_sum3A_362 : i1 to vector<16xi1>
        %reduce_sum3A_364 = tpu.scan <sum>, %scan3A_344#4 masked %reduce_sum3A_363 : vector<16xf32>, vector<16xi1> -> vector<16xf32>
        %reduce_sum3A_365 = vector.extract %reduce_sum3A_364[15] : f32 from vector<16xf32>
        %reduce_sum3A_366 = arith.constant true
        %reduce_sum3A_367 = vector.broadcast %reduce_sum3A_366 : i1 to vector<16xi1>
        %reduce_sum3A_368 = tpu.scan <sum>, %scan3A_344#5 masked %reduce_sum3A_367 : vector<16xf32>, vector<16xi1> -> vector<16xf32>
        %reduce_sum3A_369 = vector.extract %reduce_sum3A_368[15] : f32 from vector<16xf32>
        %reduce_sum3A_370 = arith.constant true
        %reduce_sum3A_371 = vector.broadcast %reduce_sum3A_370 : i1 to vector<16xi1>
        %reduce_sum3A_372 = tpu.scan <sum>, %scan3A_344#6 masked %reduce_sum3A_371 : vector<16xf32>, vector<16xi1> -> vector<16xf32>
        %reduce_sum3A_373 = vector.extract %reduce_sum3A_372[15] : f32 from vector<16xf32>
        %reduce_sum3A_374 = arith.constant true
        %reduce_sum3A_375 = vector.broadcast %reduce_sum3A_374 : i1 to vector<16xi1>
        %reduce_sum3A_376 = tpu.scan <sum>, %scan3A_344#7 masked %reduce_sum3A_375 : vector<16xf32>, vector<16xi1> -> vector<16xf32>
        %reduce_sum3A_377 = vector.extract %reduce_sum3A_376[15] : f32 from vector<16xf32>
        %dma_wait3A_378 = arith.constant 0 : i32
        %dma_wait3A_379 = tpu.memref_slice %arg11[%dma_wait3A_378] : memref<88xi32, #tpu.memory_space<vmem>> -> memref<8xi32, #tpu.memory_space<vmem>>
        %dma_wait3A_380 = arith.constant 0 : i32
        %dma_wait3A_381 = arith.constant 0 : i32
        %dma_wait3A_382 = tpu.memref_slice %arg4[%dma_wait3A_380, %dma_wait3A_381] : memref<84480x2048xf32, #tpu.memory_space<hbm>> -> memref<84480x2048xf32, #tpu.memory_space<hbm>>
        tpu.wait_indirect_dma semaphore(%arg27 : memref<!tpu.dma_semaphore, #tpu.memory_space<semaphore_mem>>) src(%dma_wait3A_382 : memref<84480x2048xf32, #tpu.memory_space<hbm>>) dst(%arg17 : memref<8x2048xf32, #tpu.memory_space<vmem>>)
        %broadcast_in_dim3A_383 = arith.constant 0.000000e+00 : f32
        %broadcast_in_dim3A_384 = vector.broadcast %broadcast_in_dim3A_383 : f32 to vector<16xf32>
        %broadcast_in_dim3A_385 = arith.constant 0.000000e+00 : f32
        %broadcast_in_dim3A_386 = vector.broadcast %broadcast_in_dim3A_385 : f32 to vector<16xf32>
        %broadcast_in_dim3A_387 = arith.constant 0.000000e+00 : f32
        %broadcast_in_dim3A_388 = vector.broadcast %broadcast_in_dim3A_387 : f32 to vector<16xf32>
        %broadcast_in_dim3A_389 = arith.constant 0.000000e+00 : f32
        %broadcast_in_dim3A_390 = vector.broadcast %broadcast_in_dim3A_389 : f32 to vector<16xf32>
        %broadcast_in_dim3A_391 = arith.constant 0.000000e+00 : f32
        %broadcast_in_dim3A_392 = vector.broadcast %broadcast_in_dim3A_391 : f32 to vector<16xf32>
        %broadcast_in_dim3A_393 = arith.constant 0.000000e+00 : f32
        %broadcast_in_dim3A_394 = vector.broadcast %broadcast_in_dim3A_393 : f32 to vector<16xf32>
        %broadcast_in_dim3A_395 = arith.constant 0.000000e+00 : f32
        %broadcast_in_dim3A_396 = vector.broadcast %broadcast_in_dim3A_395 : f32 to vector<16xf32>
        %broadcast_in_dim3A_397 = arith.constant 0.000000e+00 : f32
        %broadcast_in_dim3A_398 = vector.broadcast %broadcast_in_dim3A_397 : f32 to vector<16xf32>
        %scan3A_399 = arith.constant 0 : i32
        %scan3A_400 = arith.constant 128 : i32
        %scan3A_401 = arith.addi %scan3A_399, %scan3A_400 : i32
        %scan3A_402 = arith.constant 1 : i32
        %scan3A_403:8 = scf.for %scan3A_553 = %scan3A_399 to %scan3A_401 step %scan3A_402 iter_args(%scan3A_554 = %broadcast_in_dim3A_384, %scan3A_555 = %broadcast_in_dim3A_386, %scan3A_556 = %broadcast_in_dim3A_388, %scan3A_557 = %broadcast_in_dim3A_390, %scan3A_558 = %broadcast_in_dim3A_392, %scan3A_559 = %broadcast_in_dim3A_394, %scan3A_560 = %broadcast_in_dim3A_396, %scan3A_561 = %broadcast_in_dim3A_398) -> (vector<16xf32>, vector<16xf32>, vector<16xf32>, vector<16xf32>, vector<16xf32>, vector<16xf32>, vector<16xf32>, vector<16xf32>)  : i32 {
          %mul3A_562 = arith.constant 16 : i32
          %mul3A_563 = arith.muli %scan3A_553, %mul3A_562 : i32
          %get3A_564 = arith.index_cast %mul3A_563 : i32 to index
          %get3A_565 = tpu.vector_load %arg10[%get3A_564] {strides = array<i32>} : memref<2048xf32, #tpu.memory_space<vmem>>, vector<16xf32>,
          %mul3A_566 = arith.constant 16 : i32
          %mul3A_567 = arith.muli %scan3A_553, %mul3A_566 : i32
          %get3A_568 = arith.constant 0 : i32
          %get3A_569 = arith.index_cast %get3A_568 : i32 to index
          %get3A_570 = arith.index_cast %mul3A_567 : i32 to index
          %get3A_571 = tpu.vector_load %arg17[%get3A_569, %get3A_570] {strides = array<i32>} : memref<8x2048xf32, #tpu.memory_space<vmem>>, vector<16xf32>,
          %mul3A_572 = arith.mulf %get3A_571, %get3A_565 : vector<16xf32>
          %add3A_573 = arith.addf %scan3A_554, %mul3A_572 : vector<16xf32>
          %mul3A_574 = arith.constant 16 : i32
          %mul3A_575 = arith.muli %scan3A_553, %mul3A_574 : i32
          %get3A_576 = arith.constant 1 : i32
          %get3A_577 = arith.index_cast %get3A_576 : i32 to index
          %get3A_578 = arith.index_cast %mul3A_575 : i32 to index
          %get3A_579 = tpu.vector_load %arg17[%get3A_577, %get3A_578] {strides = array<i32>} : memref<8x2048xf32, #tpu.memory_space<vmem>>, vector<16xf32>,
          %mul3A_580 = arith.mulf %get3A_579, %get3A_565 : vector<16xf32>
          %add3A_581 = arith.addf %scan3A_555, %mul3A_580 : vector<16xf32>
          %mul3A_582 = arith.constant 16 : i32
          %mul3A_583 = arith.muli %scan3A_553, %mul3A_582 : i32
          %get3A_584 = arith.constant 2 : i32
          %get3A_585 = arith.index_cast %get3A_584 : i32 to index
          %get3A_586 = arith.index_cast %mul3A_583 : i32 to index
          %get3A_587 = tpu.vector_load %arg17[%get3A_585, %get3A_586] {strides = array<i32>} : memref<8x2048xf32, #tpu.memory_space<vmem>>, vector<16xf32>,
          %mul3A_588 = arith.mulf %get3A_587, %get3A_565 : vector<16xf32>
          %add3A_589 = arith.addf %scan3A_556, %mul3A_588 : vector<16xf32>
          %mul3A_590 = arith.constant 16 : i32
          %mul3A_591 = arith.muli %scan3A_553, %mul3A_590 : i32
          %get3A_592 = arith.constant 3 : i32
          %get3A_593 = arith.index_cast %get3A_592 : i32 to index
          %get3A_594 = arith.index_cast %mul3A_591 : i32 to index
          %get3A_595 = tpu.vector_load %arg17[%get3A_593, %get3A_594] {strides = array<i32>} : memref<8x2048xf32, #tpu.memory_space<vmem>>, vector<16xf32>,
          %mul3A_596 = arith.mulf %get3A_595, %get3A_565 : vector<16xf32>
          %add3A_597 = arith.addf %scan3A_557, %mul3A_596 : vector<16xf32>
          %mul3A_598 = arith.constant 16 : i32
          %mul3A_599 = arith.muli %scan3A_553, %mul3A_598 : i32
          %get3A_600 = arith.constant 4 : i32
          %get3A_601 = arith.index_cast %get3A_600 : i32 to index
          %get3A_602 = arith.index_cast %mul3A_599 : i32 to index
          %get3A_603 = tpu.vector_load %arg17[%get3A_601, %get3A_602] {strides = array<i32>} : memref<8x2048xf32, #tpu.memory_space<vmem>>, vector<16xf32>,
          %mul3A_604 = arith.mulf %get3A_603, %get3A_565 : vector<16xf32>
          %add3A_605 = arith.addf %scan3A_558, %mul3A_604 : vector<16xf32>
          %mul3A_606 = arith.constant 16 : i32
          %mul3A_607 = arith.muli %scan3A_553, %mul3A_606 : i32
          %get3A_608 = arith.constant 5 : i32
          %get3A_609 = arith.index_cast %get3A_608 : i32 to index
          %get3A_610 = arith.index_cast %mul3A_607 : i32 to index
          %get3A_611 = tpu.vector_load %arg17[%get3A_609, %get3A_610] {strides = array<i32>} : memref<8x2048xf32, #tpu.memory_space<vmem>>, vector<16xf32>,
          %mul3A_612 = arith.mulf %get3A_611, %get3A_565 : vector<16xf32>
          %add3A_613 = arith.addf %scan3A_559, %mul3A_612 : vector<16xf32>
          %mul3A_614 = arith.constant 16 : i32
          %mul3A_615 = arith.muli %scan3A_553, %mul3A_614 : i32
          %get3A_616 = arith.constant 6 : i32
          %get3A_617 = arith.index_cast %get3A_616 : i32 to index
          %get3A_618 = arith.index_cast %mul3A_615 : i32 to index
          %get3A_619 = tpu.vector_load %arg17[%get3A_617, %get3A_618] {strides = array<i32>} : memref<8x2048xf32, #tpu.memory_space<vmem>>, vector<16xf32>,
          %mul3A_620 = arith.mulf %get3A_619, %get3A_565 : vector<16xf32>
          %add3A_621 = arith.addf %scan3A_560, %mul3A_620 : vector<16xf32>
          %mul3A_622 = arith.constant 16 : i32
          %mul3A_623 = arith.muli %scan3A_553, %mul3A_622 : i32
          %get3A_624 = arith.constant 7 : i32
          %get3A_625 = arith.index_cast %get3A_624 : i32 to index
          %get3A_626 = arith.index_cast %mul3A_623 : i32 to index
          %get3A_627 = tpu.vector_load %arg17[%get3A_625, %get3A_626] {strides = array<i32>} : memref<8x2048xf32, #tpu.memory_space<vmem>>, vector<16xf32>,
          %mul3A_628 = arith.mulf %get3A_627, %get3A_565 : vector<16xf32>
          %add3A_629 = arith.addf %scan3A_561, %mul3A_628 : vector<16xf32>
          scf.yield %add3A_573, %add3A_581, %add3A_589, %add3A_597, %add3A_605, %add3A_613, %add3A_621, %add3A_629 : vector<16xf32>, vector<16xf32>, vector<16xf32>, vector<16xf32>, vector<16xf32>, vector<16xf32>, vector<16xf32>, vector<16xf32>
        }
        %scan3A_404 = arith.constant 128 : i32
        %reduce_sum3A_405 = arith.constant true
        %reduce_sum3A_406 = vector.broadcast %reduce_sum3A_405 : i1 to vector<16xi1>
        %reduce_sum3A_407 = tpu.scan <sum>, %scan3A_403#0 masked %reduce_sum3A_406 : vector<16xf32>, vector<16xi1> -> vector<16xf32>
        %reduce_sum3A_408 = vector.extract %reduce_sum3A_407[15] : f32 from vector<16xf32>
        %reduce_sum3A_409 = arith.constant true
        %reduce_sum3A_410 = vector.broadcast %reduce_sum3A_409 : i1 to vector<16xi1>
        %reduce_sum3A_411 = tpu.scan <sum>, %scan3A_403#1 masked %reduce_sum3A_410 : vector<16xf32>, vector<16xi1> -> vector<16xf32>
        %reduce_sum3A_412 = vector.extract %reduce_sum3A_411[15] : f32 from vector<16xf32>
        %reduce_sum3A_413 = arith.constant true
        %reduce_sum3A_414 = vector.broadcast %reduce_sum3A_413 : i1 to vector<16xi1>
        %reduce_sum3A_415 = tpu.scan <sum>, %scan3A_403#2 masked %reduce_sum3A_414 : vector<16xf32>, vector<16xi1> -> vector<16xf32>
        %reduce_sum3A_416 = vector.extract %reduce_sum3A_415[15] : f32 from vector<16xf32>
        %reduce_sum3A_417 = arith.constant true
        %reduce_sum3A_418 = vector.broadcast %reduce_sum3A_417 : i1 to vector<16xi1>
        %reduce_sum3A_419 = tpu.scan <sum>, %scan3A_403#3 masked %reduce_sum3A_418 : vector<16xf32>, vector<16xi1> -> vector<16xf32>
        %reduce_sum3A_420 = vector.extract %reduce_sum3A_419[15] : f32 from vector<16xf32>
        %reduce_sum3A_421 = arith.constant true
        %reduce_sum3A_422 = vector.broadcast %reduce_sum3A_421 : i1 to vector<16xi1>
        %reduce_sum3A_423 = tpu.scan <sum>, %scan3A_403#4 masked %reduce_sum3A_422 : vector<16xf32>, vector<16xi1> -> vector<16xf32>
        %reduce_sum3A_424 = vector.extract %reduce_sum3A_423[15] : f32 from vector<16xf32>
        %reduce_sum3A_425 = arith.constant true
        %reduce_sum3A_426 = vector.broadcast %reduce_sum3A_425 : i1 to vector<16xi1>
        %reduce_sum3A_427 = tpu.scan <sum>, %scan3A_403#5 masked %reduce_sum3A_426 : vector<16xf32>, vector<16xi1> -> vector<16xf32>
        %reduce_sum3A_428 = vector.extract %reduce_sum3A_427[15] : f32 from vector<16xf32>
        %reduce_sum3A_429 = arith.constant true
        %reduce_sum3A_430 = vector.broadcast %reduce_sum3A_429 : i1 to vector<16xi1>
        %reduce_sum3A_431 = tpu.scan <sum>, %scan3A_403#6 masked %reduce_sum3A_430 : vector<16xf32>, vector<16xi1> -> vector<16xf32>
        %reduce_sum3A_432 = vector.extract %reduce_sum3A_431[15] : f32 from vector<16xf32>
        %reduce_sum3A_433 = arith.constant true
        %reduce_sum3A_434 = vector.broadcast %reduce_sum3A_433 : i1 to vector<16xi1>
        %reduce_sum3A_435 = tpu.scan <sum>, %scan3A_403#7 masked %reduce_sum3A_434 : vector<16xf32>, vector<16xi1> -> vector<16xf32>
        %reduce_sum3A_436 = vector.extract %reduce_sum3A_435[15] : f32 from vector<16xf32>
        %add3A_437 = arith.constant 2 : i32
        %add3A_438 = arith.addi %add3A_318, %add3A_437 : i32
        %min3A_439 = arith.constant 10 : i32
        %min3A_440 = arith.minsi %add3A_438, %min3A_439 : i32
        %lt3A_441 = arith.constant 11 : i32
        %lt3A_442 = arith.cmpi slt, %add3A_438, %lt3A_441 : i32
        %convert_element_type3A_443 = arith.extui %lt3A_442 : i1 to i32
        %cond3A_444 = arith.constant 0 : i32
        %cond3A_445 = arith.cmpi ne, %convert_element_type3A_443, %cond3A_444 : i32
        scf.if %cond3A_445 {
          %mul3A_553 = arith.constant 8 : i32
          %mul3A_554 = arith.muli %min3A_440, %mul3A_553 : i32
          %dma_start3A_555 = tpu.memref_slice %arg11[%mul3A_554] : memref<88xi32, #tpu.memory_space<vmem>> -> memref<8xi32, #tpu.memory_space<vmem>>
          %dma_start3A_556 = arith.constant 0 : i32
          %dma_start3A_557 = arith.constant 0 : i32
          %dma_start3A_558 = tpu.memref_slice %arg3[%dma_start3A_556, %dma_start3A_557] : memref<84480x2048xf32, #tpu.memory_space<hbm>> -> memref<84480x2048xf32, #tpu.memory_space<hbm>>
          tpu.enqueue_indirect_dma source(%dma_start3A_558 : memref<84480x2048xf32, #tpu.memory_space<hbm>>) target(%arg15 : memref<8x2048xf32, #tpu.memory_space<vmem>>) offsets(%dma_start3A_555 : memref<8xi32, #tpu.memory_space<vmem>>) semaphore(%arg25 : memref<!tpu.dma_semaphore, #tpu.memory_space<semaphore_mem>>)
          %mul3A_559 = arith.constant 8 : i32
          %mul3A_560 = arith.muli %min3A_440, %mul3A_559 : i32
          %dma_start3A_561 = tpu.memref_slice %arg11[%mul3A_560] : memref<88xi32, #tpu.memory_space<vmem>> -> memref<8xi32, #tpu.memory_space<vmem>>
          %dma_start3A_562 = arith.constant 0 : i32
          %dma_start3A_563 = arith.constant 0 : i32
          %dma_start3A_564 = tpu.memref_slice %arg4[%dma_start3A_562, %dma_start3A_563] : memref<84480x2048xf32, #tpu.memory_space<hbm>> -> memref<84480x2048xf32, #tpu.memory_space<hbm>>
          tpu.enqueue_indirect_dma source(%dma_start3A_564 : memref<84480x2048xf32, #tpu.memory_space<hbm>>) target(%arg17 : memref<8x2048xf32, #tpu.memory_space<vmem>>) offsets(%dma_start3A_561 : memref<8xi32, #tpu.memory_space<vmem>>) semaphore(%arg27 : memref<!tpu.dma_semaphore, #tpu.memory_space<semaphore_mem>>)
        } else {
        }
        %broadcast_in_dim3A_446 = arith.constant 0.000000e+00 : f32
        %broadcast_in_dim3A_447 = vector.broadcast %broadcast_in_dim3A_446 : f32 to vector<16xf32>
        %eq3A_448 = arith.constant 0 : i32
        %eq3A_449 = vector.broadcast %eq3A_448 : i32 to vector<16xi32>
        %eq3A_450 = arith.cmpi eq, %iota3A, %eq3A_449 : vector<16xi32>
        %broadcast_in_dim3A_451 = vector.broadcast %reduce_sum3A_349 : f32 to vector<16xf32>
        %select_n3A_452 = arith.select %eq3A_450, %broadcast_in_dim3A_451, %broadcast_in_dim3A_447 : vector<16xi1>, vector<16xf32>
        %eq3A_453 = arith.constant 1 : i32
        %eq3A_454 = vector.broadcast %eq3A_453 : i32 to vector<16xi32>
        %eq3A_455 = arith.cmpi eq, %iota3A, %eq3A_454 : vector<16xi32>
        %broadcast_in_dim3A_456 = vector.broadcast %reduce_sum3A_353 : f32 to vector<16xf32>
        %select_n3A_457 = arith.select %eq3A_455, %broadcast_in_dim3A_456, %select_n3A_452 : vector<16xi1>, vector<16xf32>
        %eq3A_458 = arith.constant 2 : i32
        %eq3A_459 = vector.broadcast %eq3A_458 : i32 to vector<16xi32>
        %eq3A_460 = arith.cmpi eq, %iota3A, %eq3A_459 : vector<16xi32>
        %broadcast_in_dim3A_461 = vector.broadcast %reduce_sum3A_357 : f32 to vector<16xf32>
        %select_n3A_462 = arith.select %eq3A_460, %broadcast_in_dim3A_461, %select_n3A_457 : vector<16xi1>, vector<16xf32>
        %eq3A_463 = arith.constant 3 : i32
        %eq3A_464 = vector.broadcast %eq3A_463 : i32 to vector<16xi32>
        %eq3A_465 = arith.cmpi eq, %iota3A, %eq3A_464 : vector<16xi32>
        %broadcast_in_dim3A_466 = vector.broadcast %reduce_sum3A_361 : f32 to vector<16xf32>
        %select_n3A_467 = arith.select %eq3A_465, %broadcast_in_dim3A_466, %select_n3A_462 : vector<16xi1>, vector<16xf32>
        %eq3A_468 = arith.constant 4 : i32
        %eq3A_469 = vector.broadcast %eq3A_468 : i32 to vector<16xi32>
        %eq3A_470 = arith.cmpi eq, %iota3A, %eq3A_469 : vector<16xi32>
        %broadcast_in_dim3A_471 = vector.broadcast %reduce_sum3A_365 : f32 to vector<16xf32>
        %select_n3A_472 = arith.select %eq3A_470, %broadcast_in_dim3A_471, %select_n3A_467 : vector<16xi1>, vector<16xf32>
        %eq3A_473 = arith.constant 5 : i32
        %eq3A_474 = vector.broadcast %eq3A_473 : i32 to vector<16xi32>
        %eq3A_475 = arith.cmpi eq, %iota3A, %eq3A_474 : vector<16xi32>
        %broadcast_in_dim3A_476 = vector.broadcast %reduce_sum3A_369 : f32 to vector<16xf32>
        %select_n3A_477 = arith.select %eq3A_475, %broadcast_in_dim3A_476, %select_n3A_472 : vector<16xi1>, vector<16xf32>
        %eq3A_478 = arith.constant 6 : i32
        %eq3A_479 = vector.broadcast %eq3A_478 : i32 to vector<16xi32>
        %eq3A_480 = arith.cmpi eq, %iota3A, %eq3A_479 : vector<16xi32>
        %broadcast_in_dim3A_481 = vector.broadcast %reduce_sum3A_373 : f32 to vector<16xf32>
        %select_n3A_482 = arith.select %eq3A_480, %broadcast_in_dim3A_481, %select_n3A_477 : vector<16xi1>, vector<16xf32>
        %eq3A_483 = arith.constant 7 : i32
        %eq3A_484 = vector.broadcast %eq3A_483 : i32 to vector<16xi32>
        %eq3A_485 = arith.cmpi eq, %iota3A, %eq3A_484 : vector<16xi32>
        %broadcast_in_dim3A_486 = vector.broadcast %reduce_sum3A_377 : f32 to vector<16xf32>
        %select_n3A_487 = arith.select %eq3A_485, %broadcast_in_dim3A_486, %select_n3A_482 : vector<16xi1>, vector<16xf32>
        %broadcast_in_dim3A_488 = arith.constant 0.000000e+00 : f32
        %broadcast_in_dim3A_489 = vector.broadcast %broadcast_in_dim3A_488 : f32 to vector<16xf32>
        %eq3A_490 = arith.constant 0 : i32
        %eq3A_491 = vector.broadcast %eq3A_490 : i32 to vector<16xi32>
        %eq3A_492 = arith.cmpi eq, %iota3A, %eq3A_491 : vector<16xi32>
        %broadcast_in_dim3A_493 = vector.broadcast %reduce_sum3A_408 : f32 to vector<16xf32>
        %select_n3A_494 = arith.select %eq3A_492, %broadcast_in_dim3A_493, %broadcast_in_dim3A_489 : vector<16xi1>, vector<16xf32>
        %eq3A_495 = arith.constant 1 : i32
        %eq3A_496 = vector.broadcast %eq3A_495 : i32 to vector<16xi32>
        %eq3A_497 = arith.cmpi eq, %iota3A, %eq3A_496 : vector<16xi32>
        %broadcast_in_dim3A_498 = vector.broadcast %reduce_sum3A_412 : f32 to vector<16xf32>
        %select_n3A_499 = arith.select %eq3A_497, %broadcast_in_dim3A_498, %select_n3A_494 : vector<16xi1>, vector<16xf32>
        %eq3A_500 = arith.constant 2 : i32
        %eq3A_501 = vector.broadcast %eq3A_500 : i32 to vector<16xi32>
        %eq3A_502 = arith.cmpi eq, %iota3A, %eq3A_501 : vector<16xi32>
        %broadcast_in_dim3A_503 = vector.broadcast %reduce_sum3A_416 : f32 to vector<16xf32>
        %select_n3A_504 = arith.select %eq3A_502, %broadcast_in_dim3A_503, %select_n3A_499 : vector<16xi1>, vector<16xf32>
        %eq3A_505 = arith.constant 3 : i32
        %eq3A_506 = vector.broadcast %eq3A_505 : i32 to vector<16xi32>
        %eq3A_507 = arith.cmpi eq, %iota3A, %eq3A_506 : vector<16xi32>
        %broadcast_in_dim3A_508 = vector.broadcast %reduce_sum3A_420 : f32 to vector<16xf32>
        %select_n3A_509 = arith.select %eq3A_507, %broadcast_in_dim3A_508, %select_n3A_504 : vector<16xi1>, vector<16xf32>
        %eq3A_510 = arith.constant 4 : i32
        %eq3A_511 = vector.broadcast %eq3A_510 : i32 to vector<16xi32>
        %eq3A_512 = arith.cmpi eq, %iota3A, %eq3A_511 : vector<16xi32>
        %broadcast_in_dim3A_513 = vector.broadcast %reduce_sum3A_424 : f32 to vector<16xf32>
        %select_n3A_514 = arith.select %eq3A_512, %broadcast_in_dim3A_513, %select_n3A_509 : vector<16xi1>, vector<16xf32>
        %eq3A_515 = arith.constant 5 : i32
        %eq3A_516 = vector.broadcast %eq3A_515 : i32 to vector<16xi32>
        %eq3A_517 = arith.cmpi eq, %iota3A, %eq3A_516 : vector<16xi32>
        %broadcast_in_dim3A_518 = vector.broadcast %reduce_sum3A_428 : f32 to vector<16xf32>
        %select_n3A_519 = arith.select %eq3A_517, %broadcast_in_dim3A_518, %select_n3A_514 : vector<16xi1>, vector<16xf32>
        %eq3A_520 = arith.constant 6 : i32
        %eq3A_521 = vector.broadcast %eq3A_520 : i32 to vector<16xi32>
        %eq3A_522 = arith.cmpi eq, %iota3A, %eq3A_521 : vector<16xi32>
        %broadcast_in_dim3A_523 = vector.broadcast %reduce_sum3A_432 : f32 to vector<16xf32>
        %select_n3A_524 = arith.select %eq3A_522, %broadcast_in_dim3A_523, %select_n3A_519 : vector<16xi1>, vector<16xf32>
        %eq3A_525 = arith.constant 7 : i32
        %eq3A_526 = vector.broadcast %eq3A_525 : i32 to vector<16xi32>
        %eq3A_527 = arith.cmpi eq, %iota3A, %eq3A_526 : vector<16xi32>
        %broadcast_in_dim3A_528 = vector.broadcast %reduce_sum3A_436 : f32 to vector<16xf32>
        %select_n3A_529 = arith.select %eq3A_527, %broadcast_in_dim3A_528, %select_n3A_524 : vector<16xi1>, vector<16xf32>
        %mul3A_530 = arith.constant 2 : i32
        %mul3A_531 = arith.muli %mul3A_530, %scan3A_79 : i32
        %add3A_532 = arith.constant 1 : i32
        %add3A_533 = arith.addi %mul3A_531, %add3A_532 : i32
        %mul3A_534 = arith.constant 8 : i32
        %mul3A_535 = arith.muli %add3A_533, %mul3A_534 : i32
        %min3A_536 = arith.constant 72 : i32
        %min3A_537 = arith.minsi %mul3A_535, %min3A_536 : i32
        %neg3A_538 = arith.constant 0.000000e+00 : f32
        %neg3A_539 = vector.broadcast %neg3A_538 : f32 to vector<16xf32>
        %neg3A_540 = arith.subf %neg3A_539, %select_n3A_487 : vector<16xf32>
        %exp3A_541 = math.exp %neg3A_540 : vector<16xf32>
        %add3A_542 = arith.constant 1.000000e+00 : f32
        %add3A_543 = vector.broadcast %add3A_542 : f32 to vector<16xf32>
        %add3A_544 = arith.addf %add3A_543, %exp3A_541 : vector<16xf32>
        %div3A_545 = arith.constant 1.000000e+00 : f32
        %div3A_546 = vector.broadcast %div3A_545 : f32 to vector<16xf32>
        %div3A_547 = arith.divf %div3A_546, %add3A_544 : vector<16xf32>
        %mul3A_548 = arith.mulf %select_n3A_487, %div3A_547 : vector<16xf32>
        %mul3A_549 = arith.mulf %mul3A_548, %select_n3A_529 : vector<16xf32>
        %mul3A_550 = arith.mulf %mul3A_549, %broadcast_in_dim3A_15 : vector<16xf32>
        %swap3A_551 = arith.index_cast %min3A_537 : i32 to index
        %swap3A_552 = tpu.vector_load %arg20[%swap3A_551] {strides = array<i32>} : memref<96xf32, #tpu.memory_space<vmem>>, vector<16xf32>,
        tpu.vector_store %arg20[%swap3A_551], %mul3A_550 {strides = array<i32>} : memref<96xf32, #tpu.memory_space<vmem>>, vector<16xf32>,
      } else {
      }
      %scan3A_314 = arith.constant 0 : i32
      scf.yield %scan3A_314 : i32
    }
    %scan3A_49 = arith.constant 6 : i32
    %mul3A_50 = arith.constant 88 : i32
    %mul3A_51 = arith.muli %arg1, %mul3A_50 : i32
    "tpu.region"() ({
      %run_scoped3A = tpu.sem_alloc : memref<!tpu.dma_semaphore, #tpu.memory_space<semaphore_mem>>
      %dma_start3A_79 = arith.constant 0 : i32
      %dma_start3A_80 = tpu.memref_slice %arg20[%dma_start3A_79] : memref<96xf32, #tpu.memory_space<vmem>> -> memref<88xf32, #tpu.memory_space<vmem>>
      %dma_start3A_81 = tpu.memref_slice %arg23[%mul3A_51] : memref<1408xf32, #tpu.memory_space<vmem_shared>> -> memref<88xf32, #tpu.memory_space<vmem_shared>>
      %dma_start3A_82 = tpu.memref_slice %arg23[%mul3A_51] : memref<1408xf32, #tpu.memory_space<vmem_shared>> -> memref<88xf32, #tpu.memory_space<vmem_shared>>
      %dma_start3A_83 = arith.constant 0 : i32
      %dma_start3A_84 = tpu.memref_slice %arg20[%dma_start3A_83] : memref<96xf32, #tpu.memory_space<vmem>> -> memref<88xf32, #tpu.memory_space<vmem>>
      tpu.enqueue_dma source(%dma_start3A_84 : memref<88xf32, #tpu.memory_space<vmem>>) target(%dma_start3A_82 : memref<88xf32, #tpu.memory_space<vmem_shared>>) target_semaphore(%run_scoped3A : memref<!tpu.dma_semaphore, #tpu.memory_space<semaphore_mem>>)
      %dma_wait3A = arith.constant 0 : i32
      %dma_wait3A_85 = tpu.memref_slice %arg20[%dma_wait3A] : memref<96xf32, #tpu.memory_space<vmem>> -> memref<88xf32, #tpu.memory_space<vmem>>
      %dma_wait3A_86 = tpu.memref_slice %arg23[%mul3A_51] : memref<1408xf32, #tpu.memory_space<vmem_shared>> -> memref<88xf32, #tpu.memory_space<vmem_shared>>
      %dma_wait3A_87 = tpu.memref_slice %arg23[%mul3A_51] : memref<1408xf32, #tpu.memory_space<vmem_shared>> -> memref<88xf32, #tpu.memory_space<vmem_shared>>
      %dma_wait3A_88 = arith.constant 0 : i32
      %dma_wait3A_89 = tpu.memref_slice %arg20[%dma_wait3A_88] : memref<96xf32, #tpu.memory_space<vmem>> -> memref<88xf32, #tpu.memory_space<vmem>>
      tpu.wait_dma2 semaphore(%run_scoped3A : memref<!tpu.dma_semaphore, #tpu.memory_space<semaphore_mem>>) src(%dma_wait3A_89 : memref<88xf32, #tpu.memory_space<vmem>>) dst(%dma_wait3A_87 : memref<88xf32, #tpu.memory_space<vmem_shared>>)
      tpu.yield
    }) : () -> ()
    %barrier3A = arith.constant 0 : index
    tpu.barrier barrier_id(%barrier3A)
    "tpu.region"() ({
      %run_scoped3A = tpu.sem_alloc : memref<!tpu.dma_semaphore, #tpu.memory_space<semaphore_mem>>
      tpu.enqueue_dma source(%arg23 : memref<1408xf32, #tpu.memory_space<vmem_shared>>) target(%arg21 : memref<1408xf32, #tpu.memory_space<vmem>>) target_semaphore(%run_scoped3A : memref<!tpu.dma_semaphore, #tpu.memory_space<semaphore_mem>>)
      tpu.wait_dma2 semaphore(%run_scoped3A : memref<!tpu.dma_semaphore, #tpu.memory_space<semaphore_mem>>) src(%arg23 : memref<1408xf32, #tpu.memory_space<vmem_shared>>) dst(%arg21 : memref<1408xf32, #tpu.memory_space<vmem>>)
      tpu.yield
    }) : () -> ()
    %min3A_52 = arith.constant 0 : i32
    %min3A_53 = arith.constant 15 : i32
    %min3A_54 = arith.minsi %min3A_52, %min3A_53 : i32
    %mul3A_55 = arith.constant 8 : i32
    %mul3A_56 = arith.muli %min3A_54, %mul3A_55 : i32
    %dma_start3A_57 = tpu.memref_slice %arg12[%mul3A_56] : memref<128xi32, #tpu.memory_space<vmem>> -> memref<8xi32, #tpu.memory_space<vmem>>
    %dma_start3A_58 = arith.constant 0 : i32
    %dma_start3A_59 = arith.constant 0 : i32
    %dma_start3A_60 = tpu.memref_slice %arg5[%dma_start3A_58, %dma_start3A_59] : memref<122880x1408xf32, #tpu.memory_space<hbm>> -> memref<122880x1408xf32, #tpu.memory_space<hbm>>
    tpu.enqueue_indirect_dma source(%dma_start3A_60 : memref<122880x1408xf32, #tpu.memory_space<hbm>>) target(%arg18 : memref<8x1408xf32, #tpu.memory_space<vmem>>) offsets(%dma_start3A_57 : memref<8xi32, #tpu.memory_space<vmem>>) semaphore(%arg24 : memref<!tpu.dma_semaphore, #tpu.memory_space<semaphore_mem>>)
    %min3A_61 = arith.constant 1 : i32
    %min3A_62 = arith.constant 15 : i32
    %min3A_63 = arith.minsi %min3A_61, %min3A_62 : i32
    %mul3A_64 = arith.constant 8 : i32
    %mul3A_65 = arith.muli %min3A_63, %mul3A_64 : i32
    %dma_start3A_66 = tpu.memref_slice %arg12[%mul3A_65] : memref<128xi32, #tpu.memory_space<vmem>> -> memref<8xi32, #tpu.memory_space<vmem>>
    %dma_start3A_67 = arith.constant 0 : i32
    %dma_start3A_68 = arith.constant 0 : i32
    %dma_start3A_69 = tpu.memref_slice %arg5[%dma_start3A_67, %dma_start3A_68] : memref<122880x1408xf32, #tpu.memory_space<hbm>> -> memref<122880x1408xf32, #tpu.memory_space<hbm>>
    tpu.enqueue_indirect_dma source(%dma_start3A_69 : memref<122880x1408xf32, #tpu.memory_space<hbm>>) target(%arg19 : memref<8x1408xf32, #tpu.memory_space<vmem>>) offsets(%dma_start3A_66 : memref<8xi32, #tpu.memory_space<vmem>>) semaphore(%arg25 : memref<!tpu.dma_semaphore, #tpu.memory_space<semaphore_mem>>)
    %scan3A_70 = arith.constant 0 : i32
    %scan3A_71 = arith.constant 0 : i32
    %scan3A_72 = arith.constant 8 : i32
    %scan3A_73 = arith.addi %scan3A_71, %scan3A_72 : i32
    %scan3A_74 = arith.constant 1 : i32
    %scan3A_75 = scf.for %scan3A_79 = %scan3A_71 to %scan3A_73 step %scan3A_74 iter_args(%scan3A_80 = %scan3A_70) -> (i32)  : i32 {
      %mul3A_81 = arith.constant 2 : i32
      %mul3A_82 = arith.muli %mul3A_81, %scan3A_79 : i32
      %add3A_83 = arith.constant 0 : i32
      %add3A_84 = arith.addi %mul3A_82, %add3A_83 : i32
      %dma_wait3A = arith.constant 0 : i32
      %dma_wait3A_85 = tpu.memref_slice %arg12[%dma_wait3A] : memref<128xi32, #tpu.memory_space<vmem>> -> memref<8xi32, #tpu.memory_space<vmem>>
      %dma_wait3A_86 = arith.constant 0 : i32
      %dma_wait3A_87 = arith.constant 0 : i32
      %dma_wait3A_88 = tpu.memref_slice %arg5[%dma_wait3A_86, %dma_wait3A_87] : memref<122880x1408xf32, #tpu.memory_space<hbm>> -> memref<122880x1408xf32, #tpu.memory_space<hbm>>
      tpu.wait_indirect_dma semaphore(%arg24 : memref<!tpu.dma_semaphore, #tpu.memory_space<semaphore_mem>>) src(%dma_wait3A_88 : memref<122880x1408xf32, #tpu.memory_space<hbm>>) dst(%arg18 : memref<8x1408xf32, #tpu.memory_space<vmem>>)
      %broadcast_in_dim3A_89 = arith.constant 0.000000e+00 : f32
      %broadcast_in_dim3A_90 = vector.broadcast %broadcast_in_dim3A_89 : f32 to vector<16xf32>
      %broadcast_in_dim3A_91 = arith.constant 0.000000e+00 : f32
      %broadcast_in_dim3A_92 = vector.broadcast %broadcast_in_dim3A_91 : f32 to vector<16xf32>
      %broadcast_in_dim3A_93 = arith.constant 0.000000e+00 : f32
      %broadcast_in_dim3A_94 = vector.broadcast %broadcast_in_dim3A_93 : f32 to vector<16xf32>
      %broadcast_in_dim3A_95 = arith.constant 0.000000e+00 : f32
      %broadcast_in_dim3A_96 = vector.broadcast %broadcast_in_dim3A_95 : f32 to vector<16xf32>
      %broadcast_in_dim3A_97 = arith.constant 0.000000e+00 : f32
      %broadcast_in_dim3A_98 = vector.broadcast %broadcast_in_dim3A_97 : f32 to vector<16xf32>
      %broadcast_in_dim3A_99 = arith.constant 0.000000e+00 : f32
      %broadcast_in_dim3A_100 = vector.broadcast %broadcast_in_dim3A_99 : f32 to vector<16xf32>
      %broadcast_in_dim3A_101 = arith.constant 0.000000e+00 : f32
      %broadcast_in_dim3A_102 = vector.broadcast %broadcast_in_dim3A_101 : f32 to vector<16xf32>
      %broadcast_in_dim3A_103 = arith.constant 0.000000e+00 : f32
      %broadcast_in_dim3A_104 = vector.broadcast %broadcast_in_dim3A_103 : f32 to vector<16xf32>
      %scan3A_105 = arith.constant 0 : i32
      %scan3A_106 = arith.constant 88 : i32
      %scan3A_107 = arith.addi %scan3A_105, %scan3A_106 : i32
      %scan3A_108 = arith.constant 1 : i32
      %scan3A_109:8 = scf.for %scan3A_307 = %scan3A_105 to %scan3A_107 step %scan3A_108 iter_args(%scan3A_308 = %broadcast_in_dim3A_90, %scan3A_309 = %broadcast_in_dim3A_92, %scan3A_310 = %broadcast_in_dim3A_94, %scan3A_311 = %broadcast_in_dim3A_96, %scan3A_312 = %broadcast_in_dim3A_98, %scan3A_313 = %broadcast_in_dim3A_100, %scan3A_314 = %broadcast_in_dim3A_102, %scan3A_315 = %broadcast_in_dim3A_104) -> (vector<16xf32>, vector<16xf32>, vector<16xf32>, vector<16xf32>, vector<16xf32>, vector<16xf32>, vector<16xf32>, vector<16xf32>)  : i32 {
        %mul3A_316 = arith.constant 16 : i32
        %mul3A_317 = arith.muli %scan3A_307, %mul3A_316 : i32
        %get3A_318 = arith.index_cast %mul3A_317 : i32 to index
        %get3A_319 = tpu.vector_load %arg21[%get3A_318] {strides = array<i32>} : memref<1408xf32, #tpu.memory_space<vmem>>, vector<16xf32>,
        %mul3A_320 = arith.constant 16 : i32
        %mul3A_321 = arith.muli %scan3A_307, %mul3A_320 : i32
        %get3A_322 = arith.constant 0 : i32
        %get3A_323 = arith.index_cast %get3A_322 : i32 to index
        %get3A_324 = arith.index_cast %mul3A_321 : i32 to index
        %get3A_325 = tpu.vector_load %arg18[%get3A_323, %get3A_324] {strides = array<i32>} : memref<8x1408xf32, #tpu.memory_space<vmem>>, vector<16xf32>,
        %mul3A_326 = arith.mulf %get3A_325, %get3A_319 : vector<16xf32>
        %add3A_327 = arith.addf %scan3A_308, %mul3A_326 : vector<16xf32>
        %mul3A_328 = arith.constant 16 : i32
        %mul3A_329 = arith.muli %scan3A_307, %mul3A_328 : i32
        %get3A_330 = arith.constant 1 : i32
        %get3A_331 = arith.index_cast %get3A_330 : i32 to index
        %get3A_332 = arith.index_cast %mul3A_329 : i32 to index
        %get3A_333 = tpu.vector_load %arg18[%get3A_331, %get3A_332] {strides = array<i32>} : memref<8x1408xf32, #tpu.memory_space<vmem>>, vector<16xf32>,
        %mul3A_334 = arith.mulf %get3A_333, %get3A_319 : vector<16xf32>
        %add3A_335 = arith.addf %scan3A_309, %mul3A_334 : vector<16xf32>
        %mul3A_336 = arith.constant 16 : i32
        %mul3A_337 = arith.muli %scan3A_307, %mul3A_336 : i32
        %get3A_338 = arith.constant 2 : i32
        %get3A_339 = arith.index_cast %get3A_338 : i32 to index
        %get3A_340 = arith.index_cast %mul3A_337 : i32 to index
        %get3A_341 = tpu.vector_load %arg18[%get3A_339, %get3A_340] {strides = array<i32>} : memref<8x1408xf32, #tpu.memory_space<vmem>>, vector<16xf32>,
        %mul3A_342 = arith.mulf %get3A_341, %get3A_319 : vector<16xf32>
        %add3A_343 = arith.addf %scan3A_310, %mul3A_342 : vector<16xf32>
        %mul3A_344 = arith.constant 16 : i32
        %mul3A_345 = arith.muli %scan3A_307, %mul3A_344 : i32
        %get3A_346 = arith.constant 3 : i32
        %get3A_347 = arith.index_cast %get3A_346 : i32 to index
        %get3A_348 = arith.index_cast %mul3A_345 : i32 to index
        %get3A_349 = tpu.vector_load %arg18[%get3A_347, %get3A_348] {strides = array<i32>} : memref<8x1408xf32, #tpu.memory_space<vmem>>, vector<16xf32>,
        %mul3A_350 = arith.mulf %get3A_349, %get3A_319 : vector<16xf32>
        %add3A_351 = arith.addf %scan3A_311, %mul3A_350 : vector<16xf32>
        %mul3A_352 = arith.constant 16 : i32
        %mul3A_353 = arith.muli %scan3A_307, %mul3A_352 : i32
        %get3A_354 = arith.constant 4 : i32
        %get3A_355 = arith.index_cast %get3A_354 : i32 to index
        %get3A_356 = arith.index_cast %mul3A_353 : i32 to index
        %get3A_357 = tpu.vector_load %arg18[%get3A_355, %get3A_356] {strides = array<i32>} : memref<8x1408xf32, #tpu.memory_space<vmem>>, vector<16xf32>,
        %mul3A_358 = arith.mulf %get3A_357, %get3A_319 : vector<16xf32>
        %add3A_359 = arith.addf %scan3A_312, %mul3A_358 : vector<16xf32>
        %mul3A_360 = arith.constant 16 : i32
        %mul3A_361 = arith.muli %scan3A_307, %mul3A_360 : i32
        %get3A_362 = arith.constant 5 : i32
        %get3A_363 = arith.index_cast %get3A_362 : i32 to index
        %get3A_364 = arith.index_cast %mul3A_361 : i32 to index
        %get3A_365 = tpu.vector_load %arg18[%get3A_363, %get3A_364] {strides = array<i32>} : memref<8x1408xf32, #tpu.memory_space<vmem>>, vector<16xf32>,
        %mul3A_366 = arith.mulf %get3A_365, %get3A_319 : vector<16xf32>
        %add3A_367 = arith.addf %scan3A_313, %mul3A_366 : vector<16xf32>
        %mul3A_368 = arith.constant 16 : i32
        %mul3A_369 = arith.muli %scan3A_307, %mul3A_368 : i32
        %get3A_370 = arith.constant 6 : i32
        %get3A_371 = arith.index_cast %get3A_370 : i32 to index
        %get3A_372 = arith.index_cast %mul3A_369 : i32 to index
        %get3A_373 = tpu.vector_load %arg18[%get3A_371, %get3A_372] {strides = array<i32>} : memref<8x1408xf32, #tpu.memory_space<vmem>>, vector<16xf32>,
        %mul3A_374 = arith.mulf %get3A_373, %get3A_319 : vector<16xf32>
        %add3A_375 = arith.addf %scan3A_314, %mul3A_374 : vector<16xf32>
        %mul3A_376 = arith.constant 16 : i32
        %mul3A_377 = arith.muli %scan3A_307, %mul3A_376 : i32
        %get3A_378 = arith.constant 7 : i32
        %get3A_379 = arith.index_cast %get3A_378 : i32 to index
        %get3A_380 = arith.index_cast %mul3A_377 : i32 to index
        %get3A_381 = tpu.vector_load %arg18[%get3A_379, %get3A_380] {strides = array<i32>} : memref<8x1408xf32, #tpu.memory_space<vmem>>, vector<16xf32>,
        %mul3A_382 = arith.mulf %get3A_381, %get3A_319 : vector<16xf32>
        %add3A_383 = arith.addf %scan3A_315, %mul3A_382 : vector<16xf32>
        scf.yield %add3A_327, %add3A_335, %add3A_343, %add3A_351, %add3A_359, %add3A_367, %add3A_375, %add3A_383 : vector<16xf32>, vector<16xf32>, vector<16xf32>, vector<16xf32>, vector<16xf32>, vector<16xf32>, vector<16xf32>, vector<16xf32>
      }
      %scan3A_110 = arith.constant 88 : i32
      %reduce_sum3A_111 = arith.constant true
      %reduce_sum3A_112 = vector.broadcast %reduce_sum3A_111 : i1 to vector<16xi1>
      %reduce_sum3A_113 = tpu.scan <sum>, %scan3A_109#0 masked %reduce_sum3A_112 : vector<16xf32>, vector<16xi1> -> vector<16xf32>
      %reduce_sum3A_114 = vector.extract %reduce_sum3A_113[15] : f32 from vector<16xf32>
      %reduce_sum3A_115 = arith.constant true
      %reduce_sum3A_116 = vector.broadcast %reduce_sum3A_115 : i1 to vector<16xi1>
      %reduce_sum3A_117 = tpu.scan <sum>, %scan3A_109#1 masked %reduce_sum3A_116 : vector<16xf32>, vector<16xi1> -> vector<16xf32>
      %reduce_sum3A_118 = vector.extract %reduce_sum3A_117[15] : f32 from vector<16xf32>
      %reduce_sum3A_119 = arith.constant true
      %reduce_sum3A_120 = vector.broadcast %reduce_sum3A_119 : i1 to vector<16xi1>
      %reduce_sum3A_121 = tpu.scan <sum>, %scan3A_109#2 masked %reduce_sum3A_120 : vector<16xf32>, vector<16xi1> -> vector<16xf32>
      %reduce_sum3A_122 = vector.extract %reduce_sum3A_121[15] : f32 from vector<16xf32>
      %reduce_sum3A_123 = arith.constant true
      %reduce_sum3A_124 = vector.broadcast %reduce_sum3A_123 : i1 to vector<16xi1>
      %reduce_sum3A_125 = tpu.scan <sum>, %scan3A_109#3 masked %reduce_sum3A_124 : vector<16xf32>, vector<16xi1> -> vector<16xf32>
      %reduce_sum3A_126 = vector.extract %reduce_sum3A_125[15] : f32 from vector<16xf32>
      %reduce_sum3A_127 = arith.constant true
      %reduce_sum3A_128 = vector.broadcast %reduce_sum3A_127 : i1 to vector<16xi1>
      %reduce_sum3A_129 = tpu.scan <sum>, %scan3A_109#4 masked %reduce_sum3A_128 : vector<16xf32>, vector<16xi1> -> vector<16xf32>
      %reduce_sum3A_130 = vector.extract %reduce_sum3A_129[15] : f32 from vector<16xf32>
      %reduce_sum3A_131 = arith.constant true
      %reduce_sum3A_132 = vector.broadcast %reduce_sum3A_131 : i1 to vector<16xi1>
      %reduce_sum3A_133 = tpu.scan <sum>, %scan3A_109#5 masked %reduce_sum3A_132 : vector<16xf32>, vector<16xi1> -> vector<16xf32>
      %reduce_sum3A_134 = vector.extract %reduce_sum3A_133[15] : f32 from vector<16xf32>
      %reduce_sum3A_135 = arith.constant true
      %reduce_sum3A_136 = vector.broadcast %reduce_sum3A_135 : i1 to vector<16xi1>
      %reduce_sum3A_137 = tpu.scan <sum>, %scan3A_109#6 masked %reduce_sum3A_136 : vector<16xf32>, vector<16xi1> -> vector<16xf32>
      %reduce_sum3A_138 = vector.extract %reduce_sum3A_137[15] : f32 from vector<16xf32>
      %reduce_sum3A_139 = arith.constant true
      %reduce_sum3A_140 = vector.broadcast %reduce_sum3A_139 : i1 to vector<16xi1>
      %reduce_sum3A_141 = tpu.scan <sum>, %scan3A_109#7 masked %reduce_sum3A_140 : vector<16xf32>, vector<16xi1> -> vector<16xf32>
      %reduce_sum3A_142 = vector.extract %reduce_sum3A_141[15] : f32 from vector<16xf32>
      %add3A_143 = arith.constant 2 : i32
      %add3A_144 = arith.addi %add3A_84, %add3A_143 : i32
      %min3A_145 = arith.constant 15 : i32
      %min3A_146 = arith.minsi %add3A_144, %min3A_145 : i32
      %lt3A = arith.constant 16 : i32
      %lt3A_147 = arith.cmpi slt, %add3A_144, %lt3A : i32
      %convert_element_type3A = arith.extui %lt3A_147 : i1 to i32
      %cond3A = arith.constant 0 : i32
      %cond3A_148 = arith.cmpi ne, %convert_element_type3A, %cond3A : i32
      scf.if %cond3A_148 {
        %mul3A_307 = arith.constant 8 : i32
        %mul3A_308 = arith.muli %min3A_146, %mul3A_307 : i32
        %dma_start3A_309 = tpu.memref_slice %arg12[%mul3A_308] : memref<128xi32, #tpu.memory_space<vmem>> -> memref<8xi32, #tpu.memory_space<vmem>>
        %dma_start3A_310 = arith.constant 0 : i32
        %dma_start3A_311 = arith.constant 0 : i32
        %dma_start3A_312 = tpu.memref_slice %arg5[%dma_start3A_310, %dma_start3A_311] : memref<122880x1408xf32, #tpu.memory_space<hbm>> -> memref<122880x1408xf32, #tpu.memory_space<hbm>>
        tpu.enqueue_indirect_dma source(%dma_start3A_312 : memref<122880x1408xf32, #tpu.memory_space<hbm>>) target(%arg18 : memref<8x1408xf32, #tpu.memory_space<vmem>>) offsets(%dma_start3A_309 : memref<8xi32, #tpu.memory_space<vmem>>) semaphore(%arg24 : memref<!tpu.dma_semaphore, #tpu.memory_space<semaphore_mem>>)
      } else {
      }
      %mul3A_149 = arith.constant 2 : i32
      %mul3A_150 = arith.muli %mul3A_149, %scan3A_79 : i32
      %add3A_151 = arith.constant 1 : i32
      %add3A_152 = arith.addi %mul3A_150, %add3A_151 : i32
      %dma_wait3A_153 = arith.constant 0 : i32
      %dma_wait3A_154 = tpu.memref_slice %arg12[%dma_wait3A_153] : memref<128xi32, #tpu.memory_space<vmem>> -> memref<8xi32, #tpu.memory_space<vmem>>
      %dma_wait3A_155 = arith.constant 0 : i32
      %dma_wait3A_156 = arith.constant 0 : i32
      %dma_wait3A_157 = tpu.memref_slice %arg5[%dma_wait3A_155, %dma_wait3A_156] : memref<122880x1408xf32, #tpu.memory_space<hbm>> -> memref<122880x1408xf32, #tpu.memory_space<hbm>>
      tpu.wait_indirect_dma semaphore(%arg25 : memref<!tpu.dma_semaphore, #tpu.memory_space<semaphore_mem>>) src(%dma_wait3A_157 : memref<122880x1408xf32, #tpu.memory_space<hbm>>) dst(%arg19 : memref<8x1408xf32, #tpu.memory_space<vmem>>)
      %broadcast_in_dim3A_158 = arith.constant 0.000000e+00 : f32
      %broadcast_in_dim3A_159 = vector.broadcast %broadcast_in_dim3A_158 : f32 to vector<16xf32>
      %broadcast_in_dim3A_160 = arith.constant 0.000000e+00 : f32
      %broadcast_in_dim3A_161 = vector.broadcast %broadcast_in_dim3A_160 : f32 to vector<16xf32>
      %broadcast_in_dim3A_162 = arith.constant 0.000000e+00 : f32
      %broadcast_in_dim3A_163 = vector.broadcast %broadcast_in_dim3A_162 : f32 to vector<16xf32>
      %broadcast_in_dim3A_164 = arith.constant 0.000000e+00 : f32
      %broadcast_in_dim3A_165 = vector.broadcast %broadcast_in_dim3A_164 : f32 to vector<16xf32>
      %broadcast_in_dim3A_166 = arith.constant 0.000000e+00 : f32
      %broadcast_in_dim3A_167 = vector.broadcast %broadcast_in_dim3A_166 : f32 to vector<16xf32>
      %broadcast_in_dim3A_168 = arith.constant 0.000000e+00 : f32
      %broadcast_in_dim3A_169 = vector.broadcast %broadcast_in_dim3A_168 : f32 to vector<16xf32>
      %broadcast_in_dim3A_170 = arith.constant 0.000000e+00 : f32
      %broadcast_in_dim3A_171 = vector.broadcast %broadcast_in_dim3A_170 : f32 to vector<16xf32>
      %broadcast_in_dim3A_172 = arith.constant 0.000000e+00 : f32
      %broadcast_in_dim3A_173 = vector.broadcast %broadcast_in_dim3A_172 : f32 to vector<16xf32>
      %scan3A_174 = arith.constant 0 : i32
      %scan3A_175 = arith.constant 88 : i32
      %scan3A_176 = arith.addi %scan3A_174, %scan3A_175 : i32
      %scan3A_177 = arith.constant 1 : i32
      %scan3A_178:8 = scf.for %scan3A_307 = %scan3A_174 to %scan3A_176 step %scan3A_177 iter_args(%scan3A_308 = %broadcast_in_dim3A_159, %scan3A_309 = %broadcast_in_dim3A_161, %scan3A_310 = %broadcast_in_dim3A_163, %scan3A_311 = %broadcast_in_dim3A_165, %scan3A_312 = %broadcast_in_dim3A_167, %scan3A_313 = %broadcast_in_dim3A_169, %scan3A_314 = %broadcast_in_dim3A_171, %scan3A_315 = %broadcast_in_dim3A_173) -> (vector<16xf32>, vector<16xf32>, vector<16xf32>, vector<16xf32>, vector<16xf32>, vector<16xf32>, vector<16xf32>, vector<16xf32>)  : i32 {
        %mul3A_316 = arith.constant 16 : i32
        %mul3A_317 = arith.muli %scan3A_307, %mul3A_316 : i32
        %get3A_318 = arith.index_cast %mul3A_317 : i32 to index
        %get3A_319 = tpu.vector_load %arg21[%get3A_318] {strides = array<i32>} : memref<1408xf32, #tpu.memory_space<vmem>>, vector<16xf32>,
        %mul3A_320 = arith.constant 16 : i32
        %mul3A_321 = arith.muli %scan3A_307, %mul3A_320 : i32
        %get3A_322 = arith.constant 0 : i32
        %get3A_323 = arith.index_cast %get3A_322 : i32 to index
        %get3A_324 = arith.index_cast %mul3A_321 : i32 to index
        %get3A_325 = tpu.vector_load %arg19[%get3A_323, %get3A_324] {strides = array<i32>} : memref<8x1408xf32, #tpu.memory_space<vmem>>, vector<16xf32>,
        %mul3A_326 = arith.mulf %get3A_325, %get3A_319 : vector<16xf32>
        %add3A_327 = arith.addf %scan3A_308, %mul3A_326 : vector<16xf32>
        %mul3A_328 = arith.constant 16 : i32
        %mul3A_329 = arith.muli %scan3A_307, %mul3A_328 : i32
        %get3A_330 = arith.constant 1 : i32
        %get3A_331 = arith.index_cast %get3A_330 : i32 to index
        %get3A_332 = arith.index_cast %mul3A_329 : i32 to index
        %get3A_333 = tpu.vector_load %arg19[%get3A_331, %get3A_332] {strides = array<i32>} : memref<8x1408xf32, #tpu.memory_space<vmem>>, vector<16xf32>,
        %mul3A_334 = arith.mulf %get3A_333, %get3A_319 : vector<16xf32>
        %add3A_335 = arith.addf %scan3A_309, %mul3A_334 : vector<16xf32>
        %mul3A_336 = arith.constant 16 : i32
        %mul3A_337 = arith.muli %scan3A_307, %mul3A_336 : i32
        %get3A_338 = arith.constant 2 : i32
        %get3A_339 = arith.index_cast %get3A_338 : i32 to index
        %get3A_340 = arith.index_cast %mul3A_337 : i32 to index
        %get3A_341 = tpu.vector_load %arg19[%get3A_339, %get3A_340] {strides = array<i32>} : memref<8x1408xf32, #tpu.memory_space<vmem>>, vector<16xf32>,
        %mul3A_342 = arith.mulf %get3A_341, %get3A_319 : vector<16xf32>
        %add3A_343 = arith.addf %scan3A_310, %mul3A_342 : vector<16xf32>
        %mul3A_344 = arith.constant 16 : i32
        %mul3A_345 = arith.muli %scan3A_307, %mul3A_344 : i32
        %get3A_346 = arith.constant 3 : i32
        %get3A_347 = arith.index_cast %get3A_346 : i32 to index
        %get3A_348 = arith.index_cast %mul3A_345 : i32 to index
        %get3A_349 = tpu.vector_load %arg19[%get3A_347, %get3A_348] {strides = array<i32>} : memref<8x1408xf32, #tpu.memory_space<vmem>>, vector<16xf32>,
        %mul3A_350 = arith.mulf %get3A_349, %get3A_319 : vector<16xf32>
        %add3A_351 = arith.addf %scan3A_311, %mul3A_350 : vector<16xf32>
        %mul3A_352 = arith.constant 16 : i32
        %mul3A_353 = arith.muli %scan3A_307, %mul3A_352 : i32
        %get3A_354 = arith.constant 4 : i32
        %get3A_355 = arith.index_cast %get3A_354 : i32 to index
        %get3A_356 = arith.index_cast %mul3A_353 : i32 to index
        %get3A_357 = tpu.vector_load %arg19[%get3A_355, %get3A_356] {strides = array<i32>} : memref<8x1408xf32, #tpu.memory_space<vmem>>, vector<16xf32>,
        %mul3A_358 = arith.mulf %get3A_357, %get3A_319 : vector<16xf32>
        %add3A_359 = arith.addf %scan3A_312, %mul3A_358 : vector<16xf32>
        %mul3A_360 = arith.constant 16 : i32
        %mul3A_361 = arith.muli %scan3A_307, %mul3A_360 : i32
        %get3A_362 = arith.constant 5 : i32
        %get3A_363 = arith.index_cast %get3A_362 : i32 to index
        %get3A_364 = arith.index_cast %mul3A_361 : i32 to index
        %get3A_365 = tpu.vector_load %arg19[%get3A_363, %get3A_364] {strides = array<i32>} : memref<8x1408xf32, #tpu.memory_space<vmem>>, vector<16xf32>,
        %mul3A_366 = arith.mulf %get3A_365, %get3A_319 : vector<16xf32>
        %add3A_367 = arith.addf %scan3A_313, %mul3A_366 : vector<16xf32>
        %mul3A_368 = arith.constant 16 : i32
        %mul3A_369 = arith.muli %scan3A_307, %mul3A_368 : i32
        %get3A_370 = arith.constant 6 : i32
        %get3A_371 = arith.index_cast %get3A_370 : i32 to index
        %get3A_372 = arith.index_cast %mul3A_369 : i32 to index
        %get3A_373 = tpu.vector_load %arg19[%get3A_371, %get3A_372] {strides = array<i32>} : memref<8x1408xf32, #tpu.memory_space<vmem>>, vector<16xf32>,
        %mul3A_374 = arith.mulf %get3A_373, %get3A_319 : vector<16xf32>
        %add3A_375 = arith.addf %scan3A_314, %mul3A_374 : vector<16xf32>
        %mul3A_376 = arith.constant 16 : i32
        %mul3A_377 = arith.muli %scan3A_307, %mul3A_376 : i32
        %get3A_378 = arith.constant 7 : i32
        %get3A_379 = arith.index_cast %get3A_378 : i32 to index
        %get3A_380 = arith.index_cast %mul3A_377 : i32 to index
        %get3A_381 = tpu.vector_load %arg19[%get3A_379, %get3A_380] {strides = array<i32>} : memref<8x1408xf32, #tpu.memory_space<vmem>>, vector<16xf32>,
        %mul3A_382 = arith.mulf %get3A_381, %get3A_319 : vector<16xf32>
        %add3A_383 = arith.addf %scan3A_315, %mul3A_382 : vector<16xf32>
        scf.yield %add3A_327, %add3A_335, %add3A_343, %add3A_351, %add3A_359, %add3A_367, %add3A_375, %add3A_383 : vector<16xf32>, vector<16xf32>, vector<16xf32>, vector<16xf32>, vector<16xf32>, vector<16xf32>, vector<16xf32>, vector<16xf32>
      }
      %scan3A_179 = arith.constant 88 : i32
      %reduce_sum3A_180 = arith.constant true
      %reduce_sum3A_181 = vector.broadcast %reduce_sum3A_180 : i1 to vector<16xi1>
      %reduce_sum3A_182 = tpu.scan <sum>, %scan3A_178#0 masked %reduce_sum3A_181 : vector<16xf32>, vector<16xi1> -> vector<16xf32>
      %reduce_sum3A_183 = vector.extract %reduce_sum3A_182[15] : f32 from vector<16xf32>
      %reduce_sum3A_184 = arith.constant true
      %reduce_sum3A_185 = vector.broadcast %reduce_sum3A_184 : i1 to vector<16xi1>
      %reduce_sum3A_186 = tpu.scan <sum>, %scan3A_178#1 masked %reduce_sum3A_185 : vector<16xf32>, vector<16xi1> -> vector<16xf32>
      %reduce_sum3A_187 = vector.extract %reduce_sum3A_186[15] : f32 from vector<16xf32>
      %reduce_sum3A_188 = arith.constant true
      %reduce_sum3A_189 = vector.broadcast %reduce_sum3A_188 : i1 to vector<16xi1>
      %reduce_sum3A_190 = tpu.scan <sum>, %scan3A_178#2 masked %reduce_sum3A_189 : vector<16xf32>, vector<16xi1> -> vector<16xf32>
      %reduce_sum3A_191 = vector.extract %reduce_sum3A_190[15] : f32 from vector<16xf32>
      %reduce_sum3A_192 = arith.constant true
      %reduce_sum3A_193 = vector.broadcast %reduce_sum3A_192 : i1 to vector<16xi1>
      %reduce_sum3A_194 = tpu.scan <sum>, %scan3A_178#3 masked %reduce_sum3A_193 : vector<16xf32>, vector<16xi1> -> vector<16xf32>
      %reduce_sum3A_195 = vector.extract %reduce_sum3A_194[15] : f32 from vector<16xf32>
      %reduce_sum3A_196 = arith.constant true
      %reduce_sum3A_197 = vector.broadcast %reduce_sum3A_196 : i1 to vector<16xi1>
      %reduce_sum3A_198 = tpu.scan <sum>, %scan3A_178#4 masked %reduce_sum3A_197 : vector<16xf32>, vector<16xi1> -> vector<16xf32>
      %reduce_sum3A_199 = vector.extract %reduce_sum3A_198[15] : f32 from vector<16xf32>
      %reduce_sum3A_200 = arith.constant true
      %reduce_sum3A_201 = vector.broadcast %reduce_sum3A_200 : i1 to vector<16xi1>
      %reduce_sum3A_202 = tpu.scan <sum>, %scan3A_178#5 masked %reduce_sum3A_201 : vector<16xf32>, vector<16xi1> -> vector<16xf32>
      %reduce_sum3A_203 = vector.extract %reduce_sum3A_202[15] : f32 from vector<16xf32>
      %reduce_sum3A_204 = arith.constant true
      %reduce_sum3A_205 = vector.broadcast %reduce_sum3A_204 : i1 to vector<16xi1>
      %reduce_sum3A_206 = tpu.scan <sum>, %scan3A_178#6 masked %reduce_sum3A_205 : vector<16xf32>, vector<16xi1> -> vector<16xf32>
      %reduce_sum3A_207 = vector.extract %reduce_sum3A_206[15] : f32 from vector<16xf32>
      %reduce_sum3A_208 = arith.constant true
      %reduce_sum3A_209 = vector.broadcast %reduce_sum3A_208 : i1 to vector<16xi1>
      %reduce_sum3A_210 = tpu.scan <sum>, %scan3A_178#7 masked %reduce_sum3A_209 : vector<16xf32>, vector<16xi1> -> vector<16xf32>
      %reduce_sum3A_211 = vector.extract %reduce_sum3A_210[15] : f32 from vector<16xf32>
      %add3A_212 = arith.constant 2 : i32
      %add3A_213 = arith.addi %add3A_152, %add3A_212 : i32
      %min3A_214 = arith.constant 15 : i32
      %min3A_215 = arith.minsi %add3A_213, %min3A_214 : i32
      %lt3A_216 = arith.constant 16 : i32
      %lt3A_217 = arith.cmpi slt, %add3A_213, %lt3A_216 : i32
      %convert_element_type3A_218 = arith.extui %lt3A_217 : i1 to i32
      %cond3A_219 = arith.constant 0 : i32
      %cond3A_220 = arith.cmpi ne, %convert_element_type3A_218, %cond3A_219 : i32
      scf.if %cond3A_220 {
        %mul3A_307 = arith.constant 8 : i32
        %mul3A_308 = arith.muli %min3A_215, %mul3A_307 : i32
        %dma_start3A_309 = tpu.memref_slice %arg12[%mul3A_308] : memref<128xi32, #tpu.memory_space<vmem>> -> memref<8xi32, #tpu.memory_space<vmem>>
        %dma_start3A_310 = arith.constant 0 : i32
        %dma_start3A_311 = arith.constant 0 : i32
        %dma_start3A_312 = tpu.memref_slice %arg5[%dma_start3A_310, %dma_start3A_311] : memref<122880x1408xf32, #tpu.memory_space<hbm>> -> memref<122880x1408xf32, #tpu.memory_space<hbm>>
        tpu.enqueue_indirect_dma source(%dma_start3A_312 : memref<122880x1408xf32, #tpu.memory_space<hbm>>) target(%arg19 : memref<8x1408xf32, #tpu.memory_space<vmem>>) offsets(%dma_start3A_309 : memref<8xi32, #tpu.memory_space<vmem>>) semaphore(%arg25 : memref<!tpu.dma_semaphore, #tpu.memory_space<semaphore_mem>>)
      } else {
      }
      %broadcast_in_dim3A_221 = arith.constant 0.000000e+00 : f32
      %broadcast_in_dim3A_222 = vector.broadcast %broadcast_in_dim3A_221 : f32 to vector<16xf32>
      %eq3A_223 = arith.constant 0 : i32
      %eq3A_224 = vector.broadcast %eq3A_223 : i32 to vector<16xi32>
      %eq3A_225 = arith.cmpi eq, %iota3A, %eq3A_224 : vector<16xi32>
      %broadcast_in_dim3A_226 = vector.broadcast %reduce_sum3A_114 : f32 to vector<16xf32>
      %select_n3A_227 = arith.select %eq3A_225, %broadcast_in_dim3A_226, %broadcast_in_dim3A_222 : vector<16xi1>, vector<16xf32>
      %eq3A_228 = arith.constant 1 : i32
      %eq3A_229 = vector.broadcast %eq3A_228 : i32 to vector<16xi32>
      %eq3A_230 = arith.cmpi eq, %iota3A, %eq3A_229 : vector<16xi32>
      %broadcast_in_dim3A_231 = vector.broadcast %reduce_sum3A_118 : f32 to vector<16xf32>
      %select_n3A_232 = arith.select %eq3A_230, %broadcast_in_dim3A_231, %select_n3A_227 : vector<16xi1>, vector<16xf32>
      %eq3A_233 = arith.constant 2 : i32
      %eq3A_234 = vector.broadcast %eq3A_233 : i32 to vector<16xi32>
      %eq3A_235 = arith.cmpi eq, %iota3A, %eq3A_234 : vector<16xi32>
      %broadcast_in_dim3A_236 = vector.broadcast %reduce_sum3A_122 : f32 to vector<16xf32>
      %select_n3A_237 = arith.select %eq3A_235, %broadcast_in_dim3A_236, %select_n3A_232 : vector<16xi1>, vector<16xf32>
      %eq3A_238 = arith.constant 3 : i32
      %eq3A_239 = vector.broadcast %eq3A_238 : i32 to vector<16xi32>
      %eq3A_240 = arith.cmpi eq, %iota3A, %eq3A_239 : vector<16xi32>
      %broadcast_in_dim3A_241 = vector.broadcast %reduce_sum3A_126 : f32 to vector<16xf32>
      %select_n3A_242 = arith.select %eq3A_240, %broadcast_in_dim3A_241, %select_n3A_237 : vector<16xi1>, vector<16xf32>
      %eq3A_243 = arith.constant 4 : i32
      %eq3A_244 = vector.broadcast %eq3A_243 : i32 to vector<16xi32>
      %eq3A_245 = arith.cmpi eq, %iota3A, %eq3A_244 : vector<16xi32>
      %broadcast_in_dim3A_246 = vector.broadcast %reduce_sum3A_130 : f32 to vector<16xf32>
      %select_n3A_247 = arith.select %eq3A_245, %broadcast_in_dim3A_246, %select_n3A_242 : vector<16xi1>, vector<16xf32>
      %eq3A_248 = arith.constant 5 : i32
      %eq3A_249 = vector.broadcast %eq3A_248 : i32 to vector<16xi32>
      %eq3A_250 = arith.cmpi eq, %iota3A, %eq3A_249 : vector<16xi32>
      %broadcast_in_dim3A_251 = vector.broadcast %reduce_sum3A_134 : f32 to vector<16xf32>
      %select_n3A_252 = arith.select %eq3A_250, %broadcast_in_dim3A_251, %select_n3A_247 : vector<16xi1>, vector<16xf32>
      %eq3A_253 = arith.constant 6 : i32
      %eq3A_254 = vector.broadcast %eq3A_253 : i32 to vector<16xi32>
      %eq3A_255 = arith.cmpi eq, %iota3A, %eq3A_254 : vector<16xi32>
      %broadcast_in_dim3A_256 = vector.broadcast %reduce_sum3A_138 : f32 to vector<16xf32>
      %select_n3A_257 = arith.select %eq3A_255, %broadcast_in_dim3A_256, %select_n3A_252 : vector<16xi1>, vector<16xf32>
      %eq3A_258 = arith.constant 7 : i32
      %eq3A_259 = vector.broadcast %eq3A_258 : i32 to vector<16xi32>
      %eq3A_260 = arith.cmpi eq, %iota3A, %eq3A_259 : vector<16xi32>
      %broadcast_in_dim3A_261 = vector.broadcast %reduce_sum3A_142 : f32 to vector<16xf32>
      %select_n3A_262 = arith.select %eq3A_260, %broadcast_in_dim3A_261, %select_n3A_257 : vector<16xi1>, vector<16xf32>
      %eq3A_263 = arith.constant 8 : i32
      %eq3A_264 = vector.broadcast %eq3A_263 : i32 to vector<16xi32>
      %eq3A_265 = arith.cmpi eq, %iota3A, %eq3A_264 : vector<16xi32>
      %broadcast_in_dim3A_266 = vector.broadcast %reduce_sum3A_183 : f32 to vector<16xf32>
      %select_n3A_267 = arith.select %eq3A_265, %broadcast_in_dim3A_266, %select_n3A_262 : vector<16xi1>, vector<16xf32>
      %eq3A_268 = arith.constant 9 : i32
      %eq3A_269 = vector.broadcast %eq3A_268 : i32 to vector<16xi32>
      %eq3A_270 = arith.cmpi eq, %iota3A, %eq3A_269 : vector<16xi32>
      %broadcast_in_dim3A_271 = vector.broadcast %reduce_sum3A_187 : f32 to vector<16xf32>
      %select_n3A_272 = arith.select %eq3A_270, %broadcast_in_dim3A_271, %select_n3A_267 : vector<16xi1>, vector<16xf32>
      %eq3A_273 = arith.constant 10 : i32
      %eq3A_274 = vector.broadcast %eq3A_273 : i32 to vector<16xi32>
      %eq3A_275 = arith.cmpi eq, %iota3A, %eq3A_274 : vector<16xi32>
      %broadcast_in_dim3A_276 = vector.broadcast %reduce_sum3A_191 : f32 to vector<16xf32>
      %select_n3A_277 = arith.select %eq3A_275, %broadcast_in_dim3A_276, %select_n3A_272 : vector<16xi1>, vector<16xf32>
      %eq3A_278 = arith.constant 11 : i32
      %eq3A_279 = vector.broadcast %eq3A_278 : i32 to vector<16xi32>
      %eq3A_280 = arith.cmpi eq, %iota3A, %eq3A_279 : vector<16xi32>
      %broadcast_in_dim3A_281 = vector.broadcast %reduce_sum3A_195 : f32 to vector<16xf32>
      %select_n3A_282 = arith.select %eq3A_280, %broadcast_in_dim3A_281, %select_n3A_277 : vector<16xi1>, vector<16xf32>
      %eq3A_283 = arith.constant 12 : i32
      %eq3A_284 = vector.broadcast %eq3A_283 : i32 to vector<16xi32>
      %eq3A_285 = arith.cmpi eq, %iota3A, %eq3A_284 : vector<16xi32>
      %broadcast_in_dim3A_286 = vector.broadcast %reduce_sum3A_199 : f32 to vector<16xf32>
      %select_n3A_287 = arith.select %eq3A_285, %broadcast_in_dim3A_286, %select_n3A_282 : vector<16xi1>, vector<16xf32>
      %eq3A_288 = arith.constant 13 : i32
      %eq3A_289 = vector.broadcast %eq3A_288 : i32 to vector<16xi32>
      %eq3A_290 = arith.cmpi eq, %iota3A, %eq3A_289 : vector<16xi32>
      %broadcast_in_dim3A_291 = vector.broadcast %reduce_sum3A_203 : f32 to vector<16xf32>
      %select_n3A_292 = arith.select %eq3A_290, %broadcast_in_dim3A_291, %select_n3A_287 : vector<16xi1>, vector<16xf32>
      %eq3A_293 = arith.constant 14 : i32
      %eq3A_294 = vector.broadcast %eq3A_293 : i32 to vector<16xi32>
      %eq3A_295 = arith.cmpi eq, %iota3A, %eq3A_294 : vector<16xi32>
      %broadcast_in_dim3A_296 = vector.broadcast %reduce_sum3A_207 : f32 to vector<16xf32>
      %select_n3A_297 = arith.select %eq3A_295, %broadcast_in_dim3A_296, %select_n3A_292 : vector<16xi1>, vector<16xf32>
      %eq3A_298 = arith.constant 15 : i32
      %eq3A_299 = vector.broadcast %eq3A_298 : i32 to vector<16xi32>
      %eq3A_300 = arith.cmpi eq, %iota3A, %eq3A_299 : vector<16xi32>
      %broadcast_in_dim3A_301 = vector.broadcast %reduce_sum3A_211 : f32 to vector<16xf32>
      %select_n3A_302 = arith.select %eq3A_300, %broadcast_in_dim3A_301, %select_n3A_297 : vector<16xi1>, vector<16xf32>
      %mul3A_303 = arith.constant 16 : i32
      %mul3A_304 = arith.muli %scan3A_79, %mul3A_303 : i32
      %swap3A = arith.index_cast %mul3A_304 : i32 to index
      %swap3A_305 = tpu.vector_load %arg22[%swap3A] {strides = array<i32>} : memref<128xf32, #tpu.memory_space<vmem>>, vector<16xf32>,
      tpu.vector_store %arg22[%swap3A], %select_n3A_302 {strides = array<i32>} : memref<128xf32, #tpu.memory_space<vmem>>, vector<16xf32>,
      %scan3A_306 = arith.constant 0 : i32
      scf.yield %scan3A_306 : i32
    }
    %scan3A_76 = arith.constant 8 : i32
    %mul3A_77 = arith.constant 128 : i32
    %mul3A_78 = arith.muli %arg1, %mul3A_77 : i32
    "tpu.region"() ({
      %run_scoped3A = tpu.sem_alloc : memref<!tpu.dma_semaphore, #tpu.memory_space<semaphore_mem>>
      %dma_start3A_79 = tpu.memref_slice %arg9[%arg0, %mul3A_78] : memref<2x2048xf32, #tpu.memory_space<hbm>> -> memref<1x128xf32, #tpu.memory_space<hbm>>
      %dma_start3A_80 = tpu.memref_squeeze %dma_start3A_79 : memref<1x128xf32, #tpu.memory_space<hbm>> -> memref<128xf32, #tpu.memory_space<hbm>>
      %dma_start3A_81 = tpu.memref_slice %arg9[%arg0, %mul3A_78] : memref<2x2048xf32, #tpu.memory_space<hbm>> -> memref<1x128xf32, #tpu.memory_space<hbm>>
      %dma_start3A_82 = tpu.memref_squeeze %dma_start3A_81 : memref<1x128xf32, #tpu.memory_space<hbm>> -> memref<128xf32, #tpu.memory_space<hbm>>
      tpu.enqueue_dma source(%arg22 : memref<128xf32, #tpu.memory_space<vmem>>) target(%dma_start3A_82 : memref<128xf32, #tpu.memory_space<hbm>>) target_semaphore(%run_scoped3A : memref<!tpu.dma_semaphore, #tpu.memory_space<semaphore_mem>>)
      %dma_wait3A = tpu.memref_slice %arg9[%arg0, %mul3A_78] : memref<2x2048xf32, #tpu.memory_space<hbm>> -> memref<1x128xf32, #tpu.memory_space<hbm>>
      %dma_wait3A_83 = tpu.memref_squeeze %dma_wait3A : memref<1x128xf32, #tpu.memory_space<hbm>> -> memref<128xf32, #tpu.memory_space<hbm>>
      %dma_wait3A_84 = tpu.memref_slice %arg9[%arg0, %mul3A_78] : memref<2x2048xf32, #tpu.memory_space<hbm>> -> memref<1x128xf32, #tpu.memory_space<hbm>>
      %dma_wait3A_85 = tpu.memref_squeeze %dma_wait3A_84 : memref<1x128xf32, #tpu.memory_space<hbm>> -> memref<128xf32, #tpu.memory_space<hbm>>
      tpu.wait_dma2 semaphore(%run_scoped3A : memref<!tpu.dma_semaphore, #tpu.memory_space<semaphore_mem>>) src(%arg22 : memref<128xf32, #tpu.memory_space<vmem>>) dst(%dma_wait3A_85 : memref<128xf32, #tpu.memory_space<hbm>>)
      tpu.yield
    }) : () -> ()
    return
  }
}

module attributes {stable_mosaic.version = 14 : i64} {
  func.func @_tc_body(%arg0: i32, %arg1: i32, %arg2: memref<4xi32, #tpu.memory_space<smem>>, %arg3: memref<4xf32, #tpu.memory_space<smem>>, %arg4: memref<1x2048xf32, #tpu.memory_space<vmem>>, %arg5: memref<1x128x2048xf32, #tpu.memory_space<vmem>>, %arg6: memref<1x128x2048xf32, #tpu.memory_space<vmem>>, %arg7: memref<1x2048x128xf32, #tpu.memory_space<vmem>>, %arg8: memref<1x2048xf32, #tpu.memory_space<vmem>>) attributes {dimension_semantics = [#tpu.dimension_semantics<arbitrary>, #tpu.dimension_semantics<arbitrary>], iteration_bounds = array<i64: 2, 11>, scalar_prefetch = 2 : i64, scratch_operands = 0 : i64, tpu.core_type = #tpu.core_type<tc>, window_params = [{pipeline_mode = #tpu.pipeline_mode<synchronous>, transform_indices = @transform_0, window_bounds = array<i64: 1, 2048>}, {transform_indices = @transform_1, window_bounds = array<i64: 1, 128, 2048>}, {transform_indices = @transform_2, window_bounds = array<i64: 1, 128, 2048>}, {transform_indices = @transform_3, window_bounds = array<i64: 1, 2048, 128>}, {pipeline_mode = #tpu.pipeline_mode<synchronous>, transform_indices = @transform_4, window_bounds = array<i64: 1, 2048>}]} {
    %eq3A = arith.constant 0 : i32
    %eq3A_0 = arith.cmpi eq, %arg0, %eq3A : i32
    %eq3A_1 = arith.constant 0 : i32
    %eq3A_2 = arith.cmpi eq, %arg1, %eq3A_1 : i32
    %and3A = arith.andi %eq3A_0, %eq3A_2 : i1
    %convert_element_type3A = arith.extui %and3A : i1 to i32
    %cond3A = arith.constant 0 : i32
    %cond3A_3 = arith.cmpi ne, %convert_element_type3A, %cond3A : i32
    scf.if %cond3A_3 {
      %broadcast_in_dim3A = arith.constant 0.000000e+00 : f32
      %broadcast_in_dim3A_41 = vector.broadcast %broadcast_in_dim3A : f32 to vector<1x2048xf32>
      %swap3A_42 = arith.constant 0 : index
      %swap3A_43 = arith.constant 0 : index
      %swap3A_44 = vector.load %arg8[%swap3A_42, %swap3A_43] : memref<1x2048xf32, #tpu.memory_space<vmem>>, vector<1x2048xf32>
      tpu.vector_store %arg8[%swap3A_42, %swap3A_43], %broadcast_in_dim3A_41 {strides = array<i32>} : memref<1x2048xf32, #tpu.memory_space<vmem>>, vector<1x2048xf32>,
    } else {
    }
    %get3A = arith.constant 0 : index
    %get3A_4 = arith.constant 0 : index
    %get3A_5 = vector.load %arg4[%get3A, %get3A_4] : memref<1x2048xf32, #tpu.memory_space<vmem>>, vector<1x2048xf32>
    %get3A_6 = arith.constant 0 : index
    %get3A_7 = arith.constant 0 : index
    %get3A_8 = arith.constant 0 : index
    %get3A_9 = vector.load %arg5[%get3A_6, %get3A_7, %get3A_8] : memref<1x128x2048xf32, #tpu.memory_space<vmem>>, vector<1x128x2048xf32>
    %get3A_10 = vector.shape_cast %get3A_9 : vector<1x128x2048xf32> to vector<128x2048xf32>
    %get3A_11 = arith.constant 0 : index
    %get3A_12 = arith.constant 0 : index
    %get3A_13 = arith.constant 0 : index
    %get3A_14 = vector.load %arg6[%get3A_11, %get3A_12, %get3A_13] : memref<1x128x2048xf32, #tpu.memory_space<vmem>>, vector<1x128x2048xf32>
    %get3A_15 = vector.shape_cast %get3A_14 : vector<1x128x2048xf32> to vector<128x2048xf32>
    %get3A_16 = arith.constant 0 : index
    %get3A_17 = arith.constant 0 : index
    %get3A_18 = arith.constant 0 : index
    %get3A_19 = vector.load %arg7[%get3A_16, %get3A_17, %get3A_18] : memref<1x2048x128xf32, #tpu.memory_space<vmem>>, vector<1x2048x128xf32>
    %get3A_20 = vector.shape_cast %get3A_19 : vector<1x2048x128xf32> to vector<2048x128xf32>
    %dot_general3A = arith.constant dense<0.000000e+00> : vector<1x128xf32>
    %dot_general3A_21 = tpu.matmul %get3A_5, %get3A_10, %dot_general3A {dimension_numbers = #tpu.dot_dimension_numbers<[1], [1], [0], [0], [0, 0, 1, 0], [], []>, transpose_lhs_hint = false} : vector<1x2048xf32>, vector<128x2048xf32>, vector<1x128xf32> -> vector<1x128xf32>
    %dot_general3A_22 = arith.constant dense<0.000000e+00> : vector<1x128xf32>
    %dot_general3A_23 = tpu.matmul %get3A_5, %get3A_15, %dot_general3A_22 {dimension_numbers = #tpu.dot_dimension_numbers<[1], [1], [0], [0], [0, 0, 1, 0], [], []>, transpose_lhs_hint = false} : vector<1x2048xf32>, vector<128x2048xf32>, vector<1x128xf32> -> vector<1x128xf32>
    %logistic3A = arith.negf %dot_general3A_21 : vector<1x128xf32>
    %logistic3A_24 = math.exp %logistic3A : vector<1x128xf32>
    %logistic3A_25 = arith.constant 1.000000e+00 : f32
    %logistic3A_26 = vector.broadcast %logistic3A_25 : f32 to vector<1x128xf32>
    %logistic3A_27 = arith.addf %logistic3A_26, %logistic3A_24 : vector<1x128xf32>
    %logistic3A_28 = arith.divf %logistic3A_26, %logistic3A_27 : vector<1x128xf32>
    %mul3A = arith.mulf %dot_general3A_21, %logistic3A_28 : vector<1x128xf32>
    %mul3A_29 = arith.mulf %mul3A, %dot_general3A_23 : vector<1x128xf32>
    %get3A_30 = arith.index_cast %arg0 : i32 to index
    %get3A_31 = memref.load %arg3[%get3A_30] : memref<4xf32, #tpu.memory_space<smem>>
    %mul3A_32 = vector.broadcast %get3A_31 : f32 to vector<1x128xf32>
    %mul3A_33 = arith.mulf %mul3A_29, %mul3A_32 : vector<1x128xf32>
    %dot_general3A_34 = arith.constant dense<0.000000e+00> : vector<1x2048xf32>
    %dot_general3A_35 = tpu.matmul %mul3A_33, %get3A_20, %dot_general3A_34 {dimension_numbers = #tpu.dot_dimension_numbers<[1], [1], [0], [0], [0, 0, 1, 0], [], []>, transpose_lhs_hint = false} : vector<1x128xf32>, vector<2048x128xf32>, vector<1x2048xf32> -> vector<1x2048xf32>
    %get3A_36 = arith.constant 0 : index
    %get3A_37 = arith.constant 0 : index
    %get3A_38 = vector.load %arg8[%get3A_36, %get3A_37] : memref<1x2048xf32, #tpu.memory_space<vmem>>, vector<1x2048xf32>
    %add3A = arith.addf %get3A_38, %dot_general3A_35 : vector<1x2048xf32>
    %swap3A = arith.constant 0 : index
    %swap3A_39 = arith.constant 0 : index
    %swap3A_40 = vector.load %arg8[%swap3A, %swap3A_39] : memref<1x2048xf32, #tpu.memory_space<vmem>>, vector<1x2048xf32>
    tpu.vector_store %arg8[%swap3A, %swap3A_39], %add3A {strides = array<i32>} : memref<1x2048xf32, #tpu.memory_space<vmem>>, vector<1x2048xf32>,
    return
  }
  func.func @transform_0(%arg0: i32, %arg1: i32, %arg2: memref<4xi32, #tpu.memory_space<smem>>, %arg3: memref<4xf32, #tpu.memory_space<smem>>) -> (i32, i32) {
    %c0_i32 = arith.constant 0 : i32
    %c0_i32_0 = arith.constant 0 : i32
    %c0_i32_1 = arith.constant 0 : i32
    return %c0_i32, %c0_i32_0 : i32, i32
  }
  func.func @transform_1(%arg0: i32, %arg1: i32, %arg2: memref<4xi32, #tpu.memory_space<smem>>, %arg3: memref<4xf32, #tpu.memory_space<smem>>) -> (i32, i32, i32) {
    %get3A = arith.index_cast %arg0 : i32 to index
    %get3A_0 = memref.load %arg2[%get3A] : memref<4xi32, #tpu.memory_space<smem>>
    %c0_i32 = arith.constant 0 : i32
    %c0_i32_1 = arith.constant 0 : i32
    return %get3A_0, %arg1, %c0_i32 : i32, i32, i32
  }
  func.func @transform_2(%arg0: i32, %arg1: i32, %arg2: memref<4xi32, #tpu.memory_space<smem>>, %arg3: memref<4xf32, #tpu.memory_space<smem>>) -> (i32, i32, i32) {
    %get3A = arith.index_cast %arg0 : i32 to index
    %get3A_0 = memref.load %arg2[%get3A] : memref<4xi32, #tpu.memory_space<smem>>
    %c0_i32 = arith.constant 0 : i32
    %c0_i32_1 = arith.constant 0 : i32
    return %get3A_0, %arg1, %c0_i32 : i32, i32, i32
  }
  func.func @transform_3(%arg0: i32, %arg1: i32, %arg2: memref<4xi32, #tpu.memory_space<smem>>, %arg3: memref<4xf32, #tpu.memory_space<smem>>) -> (i32, i32, i32) {
    %get3A = arith.index_cast %arg0 : i32 to index
    %get3A_0 = memref.load %arg2[%get3A] : memref<4xi32, #tpu.memory_space<smem>>
    %c0_i32 = arith.constant 0 : i32
    %c0_i32_1 = arith.constant 0 : i32
    return %get3A_0, %c0_i32, %arg1 : i32, i32, i32
  }
  func.func @transform_4(%arg0: i32, %arg1: i32, %arg2: memref<4xi32, #tpu.memory_space<smem>>, %arg3: memref<4xf32, #tpu.memory_space<smem>>) -> (i32, i32) {
    %c0_i32 = arith.constant 0 : i32
    %c0_i32_0 = arith.constant 0 : i32
    %c0_i32_1 = arith.constant 0 : i32
    return %c0_i32, %c0_i32_0 : i32, i32
  }
}

</mosaic_0001>

<sc_bundles>
// kernel: _run.4.cloned.1.call-start
scs
__scs_entry_jumppad:
0x0: {  	(pc) =	sbr.rel $0x88, $3  }
0x1: {  	(tag) =	ssettag $0x0;
	lr =	simm.s32 $0x1  }
0x2: {  	[smem:$0x3F9B] =	sst lr;
	_ =	strace $0xD0000000  }
0x3: {  	_ = 	snop  }
0x4: {  	_ = 	snop  }
0x5: {  	_ = 	snop  }
0x6: {  	_ = 	snop  }
0x7: {  	_ = 	snop  }
__scs_overlays_trampoline_lowered:
0x8: {  	[smem:$0x3FAA] =	sst s0  }
0x9: {  	[smem:$0x3FAB] =	sst s1  }
0xa: {  	[smem:$0x3FAC] =	sst s2  }
0xb: {  	[smem:$0x3FAD] =	sst s3  }
0xc: {  	[smem:$0x3FAE] =	sst s4  }
0xd: {  	[smem:$0x3FAF] =	sst s5  }
0xe: {  	[smem:$0x3FB0] =	sst s6  }
0xf: {  	[smem:$0x3FB1] =	sst s7  }
0x10: {  	[smem:$0x3FB2] =	sst s8  }
0x11: {  	[smem:$0x3FB3] =	sst s9;
	s0 =	simm.s32 @!p0 $0x0  }
0x12: {  	s1 =	sld [smem:$0x3F99];
	s0 =	simm.s32 @p0 $0x1  }
0x13: {  	[smem:$0x3FB4] =	sst s0;
	s0 =	simm.s32 @!p1 $0x0  }
0x14: {  	s2 =	sld [smem:$0x3F98];
	s0 =	simm.s32 @p1 $0x1  }
0x15: {  	[smem:$0x3FB5] =	sst s0;
	s0 =	simm.s32 @!p2 $0x0  }
0x16: {  	s3 =	sld [smem:$0x3FDB];
	s0 =	simm.s32 @p2 $0x1  }
0x17: {  	s4 =	simm.s32 $0x1BF5;
	[smem:$0x3FB7] =	sst s0  }
0x18: {  	s0 =	sld [smem:$0x3F9A];
	_ =	swait.ge [sflag:s4], $0x0  }
0x19: {  	s7 =	sld [smem:$0x3F9B]  }
0x1a: {  	s8 =	sadd.s32 $0xFFFFE003, lr  }
0x1b: {  	s9 =	sadd.s32 $0xFFFFFEF7, lr;
	s5 =	simm.s32 $0xFFFFFFFF;
	p2 =	slt.u32 s8, $0xFFFFF086  }
0x1c: {  	p1 =	slt.u32 s9, $0xF7A;
	s5 =	simm.s32 @!p2 $0x0  }
0x1d: {  	s5 =	simm.s32 @p1 $0x1;
	p0 =	seq.s32 s7, s2  }
0x1e: {  	s7 =	smul.u32 @!p0 $0xF7A, s2;
	p2 =	seq.s32 @!p0 s5, $0x0  }
0x1f: {  	s9 =	smul.u32 $0xF7A, s1;
	s8 =	simm.s32 @!p0 $0x1BF5;
	p2 =	por !p2, p0  }
0x20: {  	[sflag:s8] =	ssyncset.s32 @!p0 $0xFFFFF086;
	s6 =	sadd.s32 @!p0 s3, s7;
	s7 =	simm.s32 @!p0 $0x108  }
0x21: {  	s3 =	sadd.s32 s3, s9;
	s6 =	sadd.s32 @!p0 $0x88, s6;
	s7 =	simm.s32 @p2 $0x1082  }
0x22: {  	[simem:s7], [sflag:s8] =	dma.local @!p0 [hbm:s6], $0xF7A  }
0x23: {  	s9 =	sor.u32 $0xD0000000, s2;
	s6 =	simm.s32 $0x108;
	_ =	swait.ge @!p0 [sflag:s8], $0x0  }
0x24: {  	s3 =	sadd.s32 $0x88, s3;
	s6 =	simm.s32 @!p1 $0x1082;
	[sflag:s4] =	ssyncset.s32 $0xFFFFF086  }
0x25: {  	[simem:s6], [sflag:s4] =	dma.local [hbm:s3], $0xF7A  }
0x26: {  	[smem:$0x3F9B] =	sst s1;
	(tag) =	ssettag s2;
	_ =	strace s9  }
0x27: {  	s1 =	sld [smem:$0x3FAB]  }
0x28: {  	s2 =	sld [smem:$0x3FAC]  }
0x29: {  	s4 =	sld [smem:$0x3FAE]  }
0x2a: {  	p0 =	seq.s32 s5, $0x0;
	s5 =	sld [smem:$0x3FAF]  }
0x2b: {  	s6 =	sld [smem:$0x3FB0]  }
0x2c: {  	s7 =	sld [smem:$0x3FB1]  }
0x2d: {  	s3 =	simm.s32 $0x108;
	s8 =	sld [smem:$0x3FB2]  }
0x2e: {  	s3 =	simm.s32 @!p0 $0x1082;
	s9 =	sld [smem:$0x3FB3]  }
0x2f: {  	lr =	sadd.s32 s0, s3;
	s0 =	sld [smem:$0x3FAA]  }
0x30: {  	s3 =	sld [smem:$0x3FAD]  }
0x31: {  	[smem:$0x3FB6] =	sst s10  }
0x32: {  	s10 =	sld [smem:$0x3FB4];
	_ =	sdelay $0x3  }
0x33: {  	p0 =	seq.s32 s10, $0x1;
	s10 =	sld [smem:$0x3FB6];
	_ =	sdelay $0x3  }
0x34: {  	[smem:$0x3FB6] =	sst s10  }
0x35: {  	s10 =	sld [smem:$0x3FB5];
	_ =	sdelay $0x3  }
0x36: {  	p1 =	seq.s32 s10, $0x1;
	s10 =	sld [smem:$0x3FB6];
	_ =	sdelay $0x3  }
0x37: {  	[smem:$0x3FB6] =	sst s10  }
0x38: {  	s10 =	sld [smem:$0x3FB7]  }
0x39: {  	_ = 	snop;
	(pc) =	sbr.ind lr, $3  }
0x3a: {  	_ = 	snop  }
0x3b: {  	_ = 	snop  }
0x3c: {  	p2 =	seq.s32 s10, $0x1;
	s10 =	sld [smem:$0x3FB6]  }
0x3d: {  	_ =	shalt  }
0x3e: {  	_ =	shalt  }
0x3f: {  	_ =	shalt  }
0x40: {  	_ =	shalt  }
0x41: {  	_ =	shalt  }
0x42: {  	_ =	shalt  }
0x43: {  	_ =	shalt  }
0x44: {  	_ =	shalt  }
0x45: {  	_ =	shalt  }
0x46: {  	_ =	shalt  }
0x47: {  	_ =	shalt  }
0x48: {  	_ =	shalt  }
0x49: {  	_ =	shalt  }
0x4a: {  	_ =	shalt  }
0x4b: {  	_ =	shalt  }
0x4c: {  	_ =	shalt  }
0x4d: {  	_ =	shalt  }
0x4e: {  	_ =	shalt  }
0x4f: {  	_ =	shalt  }
0x50: {  	_ =	shalt  }
0x51: {  	_ =	shalt  }
0x52: {  	_ =	shalt  }
0x53: {  	_ =	shalt  }
0x54: {  	_ =	shalt  }
0x55: {  	_ =	shalt  }
0x56: {  	_ =	shalt  }
0x57: {  	_ =	shalt  }
0x58: {  	_ =	shalt  }
0x59: {  	_ =	shalt  }
0x5a: {  	_ =	shalt  }
0x5b: {  	_ =	shalt  }
0x5c: {  	_ =	shalt  }
0x5d: {  	_ =	shalt  }
0x5e: {  	_ =	shalt  }
0x5f: {  	_ =	shalt  }
0x60: {  	_ =	shalt  }
0x61: {  	_ =	shalt  }
0x62: {  	_ =	shalt  }
0x63: {  	_ =	shalt  }
0x64: {  	_ =	shalt  }
0x65: {  	_ =	shalt  }
0x66: {  	_ =	shalt  }
0x67: {  	_ =	shalt  }
0x68: {  	_ =	shalt  }
0x69: {  	_ =	shalt  }
0x6a: {  	_ =	shalt  }
0x6b: {  	_ =	shalt  }
0x6c: {  	_ =	shalt  }
0x6d: {  	_ =	shalt  }
0x6e: {  	_ =	shalt  }
0x6f: {  	_ =	shalt  }
0x70: {  	_ =	shalt  }
0x71: {  	_ =	shalt  }
0x72: {  	_ =	shalt  }
0x73: {  	_ =	shalt  }
0x74: {  	_ =	shalt  }
0x75: {  	_ =	shalt  }
0x76: {  	_ =	shalt  }
0x77: {  	_ =	shalt  }
0x78: {  	_ =	shalt  }
0x79: {  	_ =	shalt  }
0x7a: {  	_ =	shalt  }
0x7b: {  	_ =	shalt  }
0x7c: {  	_ =	shalt  }
0x7d: {  	_ =	shalt  }
0x7e: {  	_ =	shalt  }
0x7f: {  	_ =	shalt  }
0x80: {  	_ =	shalt  }
0x81: {  	_ =	shalt  }
0x82: {  	_ =	shalt  }
0x83: {  	_ =	shalt  }
0x84: {  	_ =	shalt  }
0x85: {  	_ =	shalt  }
0x86: {  	_ =	shalt  }
0x87: {  	_ =	shalt  }
.Lfunc_end0:
.L_simem_size_0:
called_computation_lowered:
.L_overlay_start_0:
0x88: {  	s2 =	sld [smem:$0x3FD9]  }
0x89: {  	s3 =	sld [smem:$0x3FFE];
	_ =	sdelay $0x1  }
0x8a: {  	s1 =	srdreg.scid  }
0x8b: {  	s0 =	sand.u32 $0x1, s1  }
0x8c: {  	s17 =	sshll.u32 s0, $0xA;
	s2 =	sadd.s32 s3, s2  }
0x8d: {  	s2 =	sadd.s32 s2, s17  }
0x8e: {  	[smem:$0x3FC2] =	sst s2  }
0x8f: {  	_ = 	snop  }
0x90: {  	s2 =	sld [smem:$0x3FC9]  }
0x91: {  	s18 =	sld [smem:$0x3FC6]  }
0x92: {  	s4 =	sld [smem:$0x3FC5]  }
0x93: {  	s5 =	sld [smem:$0x3FC4]  }
0x94: {  	s6 =	sld [smem:$0x3FD0];
	(tm) =	ssettm $0x1  }
0x95: {  	s7 =	sld [smem:$0x3FFB];
	_ =	sdelay $0x3  }
0x96: {  	_ =	strace s7  }
0x97: {  	s7 =	sld [smem:$0x3FFC];
	_ =	sdelay $0x3  }
0x98: {  	_ =	strace s7  }
0x99: {  	s7 =	sld [smem:$0x3FFD];
	_ =	sdelay $0x3  }
0x9a: {  	_ =	strace s7  }
0x9b: {  	_ =	strace $0x8FFFFFFF  }
0x9c: {  	s19 =	sld [smem:$0x3FDB];
	_ =	sdelay $0x1  }
0x9d: {  	s8 =	simm.s32 $_scs_section_size  }
0x9e: {  	s9 =	simm.s32 $_size__tile_overlayer_lowered;
	s10 =	simm.s32 $_tile_overlayer_lowered  }
0x9f: {  	s22 =	simm.s32 $0x1BFF;
	s21 =	sshll.u32 s10, $0x1;
	s7 =	sadd.s32 s8, s19  }
0xa0: {  	s11 =	simm.s32 $0x0;
	s20 =	sshll.u32 s9, $0x1;
	s9 =	sadd.s32 s21, s7  }
0xa1: {  	[timem:s11], [sflag:s22] =	dma.local [hbm:s9], s20  }
0xa2: {  	_ =	swait.ge [sflag:s22], s20  }
0xa3: {  	s8 =	ssub.s32 $0x0, s20;
	[sflag:s22] =	ssyncset.done $0x0  }
0xa4: {  	[sflag:s22] =	ssyncadd.s32 s8;
	_ =	sdelay $0x1  }
0xa5: {  	s23 =	simm.s32 $0x1B8B  }
0xa6: {  	_ =	swait.ge [sflag:s23], $0x1  }
0xa7: {  	[sflag:s23] =	ssyncset.done $0x0  }
0xa8: {  	s25 =	simm.s32 $0x1B8E;
	s24 =	sld [smem:$0x3FFE];
	[sflag:s23] =	ssyncadd.s32 $0xFFFFFFFF  }
0xa9: {  	s26 =	simm.s32 $execute0_lowered;
	[smem:$0x3FD2] =	sst s25  }
0xaa: {  	s9 =	sshll.u32 s26, $0x1;
	_ =	strace $0x80000046;
	[dreg:$0x1] =	wrdreg $0xFFFFFFFF  }
0xab: {  	s28 =	simm.s32 $_size_execute0_lowered;
	s7 =	sadd.s32 s7, s9;
	[dreg:$0x0] =	wrdreg $0x0  }
0xac: {  	s9 =	sshll.u32 s28, $0x1;
	[dreg:$0x2] =	wrdreg s7  }
0xad: {  	[dreg:$0x3] =	wrdreg s9  }
0xae: {  	[dreg:$0x4] =	wrdreg $0xC0  }
0xaf: {  	_ =	task [dreg:s11], $0x5FFFF  }
0xb0: {  	[dreg:$0x1] =	wrdreg $0xFFFFFFFF  }
0xb1: {  	[dreg:$0x0] =	wrdreg $0x60  }
0xb2: {  	[dreg:$0x2] =	wrdreg s2  }
0xb3: {  	[dreg:$0x3] =	wrdreg s18  }
0xb4: {  	[dreg:$0x4] =	wrdreg s4  }
0xb5: {  	[dreg:$0x5] =	wrdreg s5  }
0xb6: {  	[dreg:$0x6] =	wrdreg s24  }
0xb7: {  	[dreg:$0x7] =	wrdreg s6  }
0xb8: {  	[dreg:$0x8] =	wrdreg $0x168000  }
0xb9: {  	[dreg:$0x9] =	wrdreg $0x9  }
0xba: {  	_ =	task.clear_ibuf [dreg:s11], $0xAFFFF;
	_ =	strace $0x90000046  }
0xbb: {  	s29 =	simm.s32 $0x9;
	_ =	strace $0x80000048  }
0xbc: {  	_ =	swait.ge [sflag:s29], $0x1  }
0xbd: {  	[sflag:s29] =	ssyncadd.s32 $0xFFFFFFFF  }
0xbe: {  	_ =	strace $0x90000048  }
0xbf: {  	_ =	sfence  }
0xc0: {  	s30 =	sld [smem:$0x0];
	_ =	sdelay $0x2  }
0xc1: {  	s31 =	sshll.u32 s1, $0xD;
	s1 =	sshrl.u32 s1, $0x2  }
0xc2: {  	s3 =	sand.u32 $0x4000, s31;
	s1 =	sadd.s32 s1, s30  }
0xc3: {  	s0 =	sor.u32 s3, s0;
	s1 =	sshll.u32 s1, $0x11  }
0xc4: {  	s0 =	sor.u32 s1, s0  }
0xc5: {  	s0 =	sadd.s32 $0x8F2B, s0  }
0xc6: {  	[sflag:s0] =	ssyncadd.remote.s32 $0x1  }
0xc7: {  	_ =	sfence.sel $0xFFFF  }
0xc8: {  	[dreg:$0x0] =	wrdreg $0xFFFFFFFF;
	(pc) =	sbr.abs _section_cstart, $3  }
0xc9: {  	[dreg:$0x1] =	wrdreg $0xFFFFFFFF  }
0xca: {  	_ =	task.clear_ibuf [dreg:s11], $0x2FFFF;
	_ =	strace $0x9FFFFFFF  }
0xcb: {  	(tm) =	ssettm $0x7FFFFFFF  }
tec
execute0_lowered:
.L_overlay_start_1:
0x0: {  	(tag) =	ssettag $0x1  }
0x1: {  	s13 =	rddreg [dreg:$0x1]  }
0x2: {  	s9 =	rddreg [dreg:$0x2]  }
0x3: {  	s10 =	rddreg [dreg:$0x3]  }
0x4: {  	s0 =	srdreg.scid;
	s2 =	rddreg [dreg:$0x4]  }
0x5: {  	s8 =	stileid.u32;
	s11 =	rddreg [dreg:$0x6];
	s12 =	simm.s32 $0x0  }
0x6: {  	s1 =	sand.u32 $0x1, s0;
	s3 =	smul.u32 $0x58, s8;
	[smem:$0x7FF] =	sst s12  }
0x7: {  	s5 =	sshll.u32 s8, $0x4;
	s23 =	sadd.s32 $0x100, s13;
	s24 =	sadd.s32 $0x200, s13  }
0x8: {  	s25 =	sadd.s32 $0x300, s13;
	s14 =	sadd.s32 $0x400, s13;
	s15 =	sadd.s32 $0x500, s13  }
0x9: {  	s16 =	sadd.s32 $0x600, s13;
	s17 =	sadd.s32 $0x700, s13;
	s18 =	sadd.s32 $0x100, s9  }
0xa: {  	s19 =	sadd.s32 $0x200, s9;
	s20 =	sadd.s32 $0x300, s9;
	s26 =	sshll.u32 s8, $0x5  }
0xb: {  	s28 =	sadd.s32 $0x700, s9;
	s29 =	sadd.s32 $0x100, s10;
	s30 =	sadd.s32 $0x200, s10  }
0xc: {  	s31 =	sadd.s32 $0x300, s10;
	_ =	strace $0x80000047;
	[dreg:$0xa] =	wrdreg s23  }
0xd: {  	s0 =	sor.u32 $0x2, s1;
	s5 =	sadd.s32 s5, s2;
	[dreg:$0xb] =	wrdreg s24  }
0xe: {  	s6 =	sshll.u32 s1, $0x4;
	s1 =	ssub.s32 $0x2, s1;
	[dreg:$0xc] =	wrdreg s25  }
0xf: {  	s4 =	smul.u32 $0x580, s0;
	s21 =	sshrl.u32 s1, $0x1;
	s7 =	sshll.u32 s0, $0x8  }
0x10: {  	s25 =	sadd.s32 $0x500, s9;
	s1 =	ssub.s32 s1, s21;
	s22 =	sadd.s32 s7, s5  }
0x11: {  	s21 =	sadd.s32 $0x400, s9;
	s4 =	sadd.s32 s3, s4;
	s3 =	sadd.s32 s3, s11  }
0x12: {  	s5 =	sadd.s32 $0x400, s10;
	s1 =	smax.u32 s1, $0x1;
	[dreg:$0xd] =	wrdreg s3  }
0x13: {  	s7 =	simm.s32 $0x1;
	s4 =	sshrl.u32 s4, $0x3;
	[dreg:$0xf] =	wrdreg s1  }
0x14: {  	v1 =	vlaneseq.u32;
	vm1 =	vmmov $0xffff;
	vm2 =	vmmov $0x1;
	s1 =	sadd.s32 $0x500, s10;
	s3 =	simm.s32 $0x0;
	s4 =	sadd.s32 s4, s2  }
0x15: {  	vm3 =	vcmask $0x320;
	vm4 =	vcmask $0x720;
	vm5 =	vcmask $0xB20;
	s2 =	sadd.s32 s6, s2;
	s6 =	simm.s32 $0x3;
	s4 =	sadd.s32 $0x1000, s4  }
0x16: {  	vm6 =	vcmask $0xF20;
	vm7 =	vcmask $0x1320;
	v0 =	vmov s0;
	s2 =	sadd.s32 s26, s2;
	[dreg:$0x8] =	wrdreg s4;
	s4 =	sadd.s32 $0xC00, s22  }
0x17: {  	vm0 =	veq.s32 v0, v1;
	v0 =	vand.u32 $0x7, v1;
	v1 =	vshrl.u32 v1, $0x3;
	s26 =	sadd.s32 $0x600, s9;
	s2 =	sadd.s32 $0x1400, s2;
	[dreg:$0x9] =	wrdreg s4  }
0x18: {  	vm8 =	vcmask $0x1720;
	vm9 =	vcmask $0x1B20;
	v1 =	vmul.u32 $0x8, v1;
	s9 =	simm.s32 $0x2;
	[dreg:$0xe] =	wrdreg s2;
	s2 =	simm.s32 $0x5  }
.LBB2_1:
0x19: {  	[dreg:$0x10] =	wrdreg s3  }
0x1a: {  	s0 =	rddreg [dreg:$0x0]  }
0x1b: {  	[tilespmem:s12], [sflag:$0x5] =	stream.linear.gather [hbm4b:s0+s12], $0x800, $0x38;
	[tilespmem:$0x16858] =	vst v63  }
0x1c: {  	_ =	swait.ge [sflag:s2], $0x800  }
0x1d: {  	[sflag:s2] =	ssyncset.done $0x0  }
0x1e: {  	s22 =	simm.s32 $0x800;
	s11 =	rddreg [dreg:$0x8];
	[sflag:s2] =	ssyncadd.s32 $0xFFFFF800  }
0x1f: {  	[tilespmem:s22], [sflag:$0x5] =	stream.linear.gather [hbm4b:s11+s12], $0x58, $0x38;
	[tilespmem:$0x16858] =	vst v63  }
0x20: {  	_ =	swait.ge [sflag:s2], $0x58  }
0x21: {  	[sflag:s2] =	ssyncset.done $0x0  }
0x22: {  	s24 =	simm.s32 $0x880;
	s23 =	rddreg [dreg:$0x9];
	[sflag:s2] =	ssyncadd.s32 $0xFFFFFFA8  }
0x23: {  	[tilespmem:s24], [sflag:$0x5] =	stream.linear.gather [hbm4b:s23+s12], $0x80, $0x38;
	[tilespmem:$0x16858] =	vst v63  }
0x24: {  	_ =	swait.ge [sflag:s2], $0x80  }
0x25: {  	[sflag:s2] =	ssyncset.done $0x0  }
0x26: {  	[sflag:s2] =	ssyncadd.s32 $0xFFFFFF80  }
0x27: {  	s4 =	simm.s32 $0x900;
	s3 =	rddreg [dreg:$0x5]  }
0x28: {  	[tilespmem:s4], [sflag:$0x5] =	stream.linear.gather [hbm4b:s3+s12], $0x80, $0x38;
	[tilespmem:$0x16858] =	vst v63  }
0x29: {  	_ =	swait.ge [sflag:s2], $0x80  }
0x2a: {  	[sflag:s2] =	ssyncset.done $0x0  }
0x2b: {  	[sflag:s2] =	ssyncadd.s32 $0xFFFFFF80  }
0x2c: {  	v2 =	vld.msk [tilespmem:$0x800], $0xff;
	_ =	sdelay $0x4  }
0x2d: {  	v3 =	vshll.u32 v2, $0x4  }
0x2e: {  	v2 =	vand.u32 $0x7, v2;
	v3 =	vand.u32 $0xFFFFFF80, v3  }
0x2f: {  	v2 =	vor.u32 v2, v3  }
0x30: {  	v2 =	vperm.xlane v2, v0;
	_ =	sdelay $0x1  }
0x31: {  	v2 =	vadd.s32 v1, v2;
	_ =	sdelay $0x3  }
0x32: {  	s8 =	simm.s32 $0x980  }
0x33: {  	v3 =	vld [tilespmem:$0x900];
	[tilespmem:s8], [sflag:$0x1] =	stream.indirect_vreg.gather [hbm4b:s13+s12], $0x80, v2, vm1, $0xb8  }
0x34: {  	s10 =	simm.s32 $0x1180;
	s2 =	rddreg [dreg:$0xa]  }
0x35: {  	[tilespmem:s10], [sflag:$0x1] =	stream.indirect_vreg.gather [hbm4b:s2+s12], $0x80, v2, vm1, $0xb8;
	[tilespmem:$0x16858] =	vst v63  }
0x36: {  	s11 =	simm.s32 $0x1980;
	s3 =	rddreg [dreg:$0xb]  }
0x37: {  	[tilespmem:s11], [sflag:$0x1] =	stream.indirect_vreg.gather [hbm4b:s3+s12], $0x80, v2, vm1, $0xb8;
	[tilespmem:$0x16858] =	vst v63  }
0x38: {  	s22 =	simm.s32 $0x2180;
	s4 =	rddreg [dreg:$0xc]  }
0x39: {  	[tilespmem:s22], [sflag:$0x1] =	stream.indirect_vreg.gather [hbm4b:s4+s12], $0x80, v2, vm1, $0xb8;
	[tilespmem:$0x16858] =	vst v63  }
0x3a: {  	s23 =	simm.s32 $0x2980  }
0x3b: {  	[tilespmem:s23], [sflag:$0x1] =	stream.indirect_vreg.gather [hbm4b:s14+s12], $0x80, v2, vm1, $0xb8;
	[tilespmem:$0x16858] =	vst v63  }
0x3c: {  	s24 =	simm.s32 $0x3180  }
0x3d: {  	[tilespmem:s24], [sflag:$0x1] =	stream.indirect_vreg.gather [hbm4b:s15+s12], $0x80, v2, vm1, $0xb8;
	[tilespmem:$0x16858] =	vst v63  }
0x3e: {  	s8 =	simm.s32 $0x3980  }
0x3f: {  	[tilespmem:s8], [sflag:$0x1] =	stream.indirect_vreg.gather [hbm4b:s16+s12], $0x80, v2, vm1, $0xb8;
	[tilespmem:$0x16858] =	vst v63  }
0x40: {  	s10 =	simm.s32 $0x4180  }
0x41: {  	[tilespmem:s10], [sflag:$0x1] =	stream.indirect_vreg.gather [hbm4b:s17+s12], $0x80, v2, vm1, $0xb8;
	[tilespmem:$0x16858] =	vst v63  }
0x42: {  	v2 =	vld.msk [tilespmem:$0x800], $0xff;
	_ =	sdelay $0x4  }
0x43: {  	v4 =	vshll.u32 v2, $0x4  }
0x44: {  	v2 =	vand.u32 $0x7, v2;
	v4 =	vand.u32 $0xFFFFFF80, v4  }
0x45: {  	v2 =	vor.u32 v2, v4  }
0x46: {  	v2 =	vperm.xlane v2, v0;
	_ =	sdelay $0x1  }
0x47: {  	v2 =	vadd.s32 v1, v2;
	_ =	sdelay $0x3  }
0x48: {  	s0 =	rddreg [dreg:$0x2];
	s8 =	simm.s32 $0x8980  }
0x49: {  	[tilespmem:s8], [sflag:$0x3] =	stream.indirect_vreg.gather [hbm4b:s0+s12], $0x80, v2, vm1, $0xb8;
	[tilespmem:$0x16858] =	vst v63  }
0x4a: {  	s11 =	simm.s32 $0x9180  }
0x4b: {  	[tilespmem:s11], [sflag:$0x3] =	stream.indirect_vreg.gather [hbm4b:s18+s12], $0x80, v2, vm1, $0xb8;
	[tilespmem:$0x16858] =	vst v63  }
0x4c: {  	s22 =	simm.s32 $0x9980  }
0x4d: {  	[tilespmem:s22], [sflag:$0x3] =	stream.indirect_vreg.gather [hbm4b:s19+s12], $0x80, v2, vm1, $0xb8;
	[tilespmem:$0x16858] =	vst v63  }
0x4e: {  	s23 =	simm.s32 $0xA180  }
0x4f: {  	[tilespmem:s23], [sflag:$0x3] =	stream.indirect_vreg.gather [hbm4b:s20+s12], $0x80, v2, vm1, $0xb8;
	[tilespmem:$0x16858] =	vst v63  }
0x50: {  	s24 =	simm.s32 $0xA980  }
0x51: {  	[tilespmem:s24], [sflag:$0x3] =	stream.indirect_vreg.gather [hbm4b:s21+s12], $0x80, v2, vm1, $0xb8;
	[tilespmem:$0x16858] =	vst v63  }
0x52: {  	s10 =	simm.s32 $0xB180  }
0x53: {  	[tilespmem:s10], [sflag:$0x3] =	stream.indirect_vreg.gather [hbm4b:s25+s12], $0x80, v2, vm1, $0xb8;
	[tilespmem:$0x16858] =	vst v63  }
0x54: {  	s11 =	simm.s32 $0xB980  }
0x55: {  	[tilespmem:s11], [sflag:$0x3] =	stream.indirect_vreg.gather [hbm4b:s26+s12], $0x80, v2, vm1, $0xb8;
	[tilespmem:$0x16858] =	vst v63  }
0x56: {  	s22 =	simm.s32 $0xC180  }
0x57: {  	[tilespmem:s22], [sflag:$0x3] =	stream.indirect_vreg.gather [hbm4b:s28+s12], $0x80, v2, vm1, $0xb8;
	[tilespmem:$0x16858] =	vst v63  }
0x58: {  	v2 =	vld.msk [tilespmem:$0x808], $0xff;
	_ =	sdelay $0x4  }
0x59: {  	v62 =	vshll.u32 v2, $0x4  }
0x5a: {  	v2 =	vand.u32 $0x7, v2;
	v4 =	vand.u32 $0xFFFFFF80, v62  }
0x5b: {  	v2 =	vor.u32 v2, v4  }
0x5c: {  	v2 =	vperm.xlane v2, v0;
	_ =	sdelay $0x1  }
0x5d: {  	v2 =	vadd.s32 v1, v2;
	_ =	sdelay $0x3  }
0x5e: {  	s23 =	simm.s32 $0x4980  }
0x5f: {  	[tilespmem:s23], [sflag:$0x2] =	stream.indirect_vreg.gather [hbm4b:s13+s12], $0x80, v2, vm1, $0xb8;
	[tilespmem:$0x16858] =	vst v63  }
0x60: {  	s24 =	simm.s32 $0x5180  }
0x61: {  	[tilespmem:s24], [sflag:$0x2] =	stream.indirect_vreg.gather [hbm4b:s2+s12], $0x80, v2, vm1, $0xb8;
	[tilespmem:$0x16858] =	vst v63  }
0x62: {  	s8 =	simm.s32 $0x5980  }
0x63: {  	[tilespmem:s8], [sflag:$0x2] =	stream.indirect_vreg.gather [hbm4b:s3+s12], $0x80, v2, vm1, $0xb8;
	[tilespmem:$0x16858] =	vst v63  }
0x64: {  	s10 =	simm.s32 $0x6180  }
0x65: {  	[tilespmem:s10], [sflag:$0x2] =	stream.indirect_vreg.gather [hbm4b:s4+s12], $0x80, v2, vm1, $0xb8;
	[tilespmem:$0x16858] =	vst v63  }
0x66: {  	s11 =	simm.s32 $0x6980  }
0x67: {  	[tilespmem:s11], [sflag:$0x2] =	stream.indirect_vreg.gather [hbm4b:s14+s12], $0x80, v2, vm1, $0xb8;
	[tilespmem:$0x16858] =	vst v63  }
0x68: {  	s22 =	simm.s32 $0x7180  }
0x69: {  	[tilespmem:s22], [sflag:$0x2] =	stream.indirect_vreg.gather [hbm4b:s15+s12], $0x80, v2, vm1, $0xb8;
	[tilespmem:$0x16858] =	vst v63  }
0x6a: {  	s23 =	simm.s32 $0x7980  }
0x6b: {  	[tilespmem:s23], [sflag:$0x2] =	stream.indirect_vreg.gather [hbm4b:s16+s12], $0x80, v2, vm1, $0xb8;
	[tilespmem:$0x16858] =	vst v63  }
0x6c: {  	s24 =	simm.s32 $0x8180  }
0x6d: {  	[tilespmem:s24], [sflag:$0x2] =	stream.indirect_vreg.gather [hbm4b:s17+s12], $0x80, v2, vm1, $0xb8;
	[tilespmem:$0x16858] =	vst v63  }
0x6e: {  	v2 =	vld.msk [tilespmem:$0x808], $0xff;
	_ =	sdelay $0x4  }
0x6f: {  	v63 =	vshll.u32 v2, $0x4  }
0x70: {  	v2 =	vand.u32 $0x7, v2;
	v4 =	vand.u32 $0xFFFFFF80, v63  }
0x71: {  	v2 =	vor.u32 v2, v4  }
0x72: {  	v2 =	vperm.xlane v2, v0;
	_ =	sdelay $0x1  }
0x73: {  	v2 =	vadd.s32 v1, v2;
	_ =	sdelay $0x3  }
0x74: {  	s3 =	simm.s32 $0xC980  }
0x75: {  	[tilespmem:s3], [sflag:$0x4] =	stream.indirect_vreg.gather [hbm4b:s0+s12], $0x80, v2, vm1, $0xb8;
	[tilespmem:$0x16858] =	vst v63  }
0x76: {  	s4 =	simm.s32 $0xD180  }
0x77: {  	v3 =	vnsel vm0, $0x0, v3;
	[tilespmem:s4], [sflag:$0x4] =	stream.indirect_vreg.gather [hbm4b:s18+s12], $0x80, v2, vm1, $0xb8;
	[tilespmem:$0x16858] =	vst v63  }
0x78: {  	(xrf2) =	vadd.scan.msk.f32 $0xffff, v3;
	s8 =	simm.s32 $0xD980  }
0x79: {  	[tilespmem:s8], [sflag:$0x4] =	stream.indirect_vreg.gather [hbm4b:s19+s12], $0x80, v2, vm1, $0xb8;
	[tilespmem:$0x16858] =	vst v63  }
0x7a: {  	s10 =	simm.s32 $0xE180  }
0x7b: {  	[tilespmem:s10], [sflag:$0x4] =	stream.indirect_vreg.gather [hbm4b:s20+s12], $0x80, v2, vm1, $0xb8;
	[tilespmem:$0x16858] =	vst v63  }
0x7c: {  	s11 =	simm.s32 $0xE980  }
0x7d: {  	[tilespmem:s11], [sflag:$0x4] =	stream.indirect_vreg.gather [hbm4b:s21+s12], $0x80, v2, vm1, $0xb8;
	[tilespmem:$0x16858] =	vst v63  }
0x7e: {  	s22 =	simm.s32 $0xF180  }
0x7f: {  	[tilespmem:s22], [sflag:$0x4] =	stream.indirect_vreg.gather [hbm4b:s25+s12], $0x80, v2, vm1, $0xb8;
	[tilespmem:$0x16858] =	vst v63  }
.Ltmp0:
0x80: {  	s23 =	simm.s32 $0xF980;
	(pc) =	sbr.rel .LBB2_2-.Ltmp0, $4  }
0x81: {  	[tilespmem:s23], [sflag:$0x4] =	stream.indirect_vreg.gather [hbm4b:s26+s12], $0x80, v2, vm1, $0xb8;
	[tilespmem:$0x16858] =	vst v63  }
0x82: {  	s24 =	simm.s32 $0x10180  }
0x83: {  	[tilespmem:s24], [sflag:$0x4] =	stream.indirect_vreg.gather [hbm4b:s28+s12], $0x80, v2, vm1, $0xb8;
	v2, _, _ =	vpop (xrf2);
	[tilespmem:$0x16858] =	vst v63  }
0x84: {  	s23 =	simm.s32 $0x0;
	v2 =	vbroadcast v2, $0xF  }
.LBB2_12:
0x85: {  	s23 =	sadd.s32 $0x1, s23  }
0x86: {  	p0 =	sne.s32 s23, $0x6  }
.Ltmp1:
0x87: {  	_ = 	snop;
	(pc) =	sbr.rel @!p0 .LBB2_13-.Ltmp1, $1  }
0x88: {  	_ =	sdelay $0x3  }
.LBB2_2:
0x89: {  	s0 =	simm.s32 $0x0  }
0x8a: {  	_ =	swait.ge [sflag:s7], $0x4000;
	s2 =	sand.u32 $0x7, s0  }
0x8b: {  	[sflag:s7] =	ssyncset.done $0x0;
	s2 =	sshll.u32 s2, $0x4  }
0x8c: {  	[sflag:s7] =	ssyncadd.s32 $0xFFFFC000;
	s2 =	sadd.s32 $0x0, s2  }
0x8d: {  	s24 =	sand.u32 $0x70, s0;
	s3 =	sand.u32 $0x3C00, s0;
	v3 =	vld [tilespmem:s0+$0x0];
	s2 =	sor.u32 $0x380, s2  }
0x8e: {  	v4 =	vld [tilespmem:s2+$0x980];
	s2 =	sor.u32 s24, s3  }
0x8f: {  	v15 =	vld [tilespmem:s2+$0x980]  }
0x90: {  	v14 =	vld [tilespmem:s2+$0xA00]  }
0x91: {  	v6 =	vimm.f32 $0.0e+00;
	v9 =	vimm.f32 $0.0e+00;
	v10 =	vimm.f32 $0.0e+00;
	v12 =	vld [tilespmem:s2+$0xA80]  }
0x92: {  	s4 =	simm.s32 $0x10;
	v11 =	vimm.f32 $0.0e+00;
	v7 =	vimm.f32 $0.0e+00;
	s8 =	simm.s32 $0x0;
	v8 =	vimm.f32 $0.0e+00;
	s3 =	simm.s32 $0x1;
	v13 =	vld [tilespmem:s2+$0xB00]  }
0x93: {  	v5 =	vimm.f32 $0.0e+00;
	s10 =	sand.u32 $0x70, s4;
	s4 =	simm.s32 $0x20;
	s11 =	sand.u32 $0x7, s3;
	v16 =	vld [tilespmem:s2+$0xB80];
	v17 =	vmul.f32 v4, v3;
	v4 =	vimm.f32 $0.0e+00  }
.LBB2_3:
0x94: {  	p0 =	sne.s32 s4, $0x7F0;
	s11 =	sshll.u32 s11, $0x4;
	v15 =	vmul.f32 v15, v3;
	v18 =	vld [tilespmem:s2+$0xC00];
	s0 =	sadd.s32 $0x80, s0  }
0x95: {  	s8 =	sadd.s32 $0x10, s8;
	s11 =	sadd.s32 s11, s0;
	s12 =	sand.u32 $0x3C00, s0;
	v14 =	vmul.f32 v14, v3;
	v19 =	vld [tilespmem:s2+$0xC80];
	v6 =	vadd.f32 v17, v6  }
0x96: {  	v17 =	vld [tilespmem:s8+$0x0];
	s2 =	sor.u32 s10, s12;
	s10 =	sor.u32 $0x380, s11;
	v9 =	vadd.f32 v15, v9;
	v12 =	vmul.f32 v12, v3  }
0x97: {  	v20 =	vld [tilespmem:s10+$0x980];
	v10 =	vadd.f32 v14, v10;
	v13 =	vmul.f32 v13, v3  }
.Ltmp2:
0x98: {  	v15 =	vld [tilespmem:s2+$0x980];
	v11 =	vadd.f32 v12, v11;
	v16 =	vmul.f32 v16, v3;
	(pc) =	sbr.rel @p0 .LBB2_3-.Ltmp2, $4  }
0x99: {  	v14 =	vld [tilespmem:s2+$0xA00];
	v7 =	vadd.f32 v13, v7;
	v18 =	vmul.f32 v18, v3  }
0x9a: {  	v12 =	vld [tilespmem:s2+$0xA80];
	v8 =	vadd.f32 v16, v8;
	v19 =	vmul.f32 v19, v3  }
0x9b: {  	s3 =	sadd.s32 $0x1, s3;
	v13 =	vld [tilespmem:s2+$0xB00];
	v4 =	vadd.f32 v18, v4;
	v3 =	vmov v17  }
0x9c: {  	s11 =	sand.u32 $0x7, s3;
	s10 =	sand.u32 $0x70, s4;
	s4 =	sadd.s32 $0x10, s4;
	v16 =	vld [tilespmem:s2+$0xB80];
	v17 =	vmul.f32 v20, v3;
	v5 =	vadd.f32 v19, v5  }
0x9d: {  	s3 =	sshll.u32 s11, $0x4;
	v18 =	vld [tilespmem:s2+$0xC00];
	s0 =	sadd.s32 $0x80, s0  }
0x9e: {  	v19 =	vld [tilespmem:s2+$0xC80];
	s8 =	sadd.s32 $0x10, s8;
	s3 =	sadd.s32 s3, s0  }
0x9f: {  	s0 =	sand.u32 $0x3C00, s0;
	v20 =	vld [tilespmem:s8+$0x0];
	s11 =	sor.u32 $0x380, s3  }
0xa0: {  	s0 =	sor.u32 s10, s0;
	v21 =	vld [tilespmem:s11+$0x980]  }
0xa1: {  	v22 =	vld [tilespmem:s0+$0x980]  }
0xa2: {  	v23 =	vld [tilespmem:s0+$0xA00]  }
0xa3: {  	v24 =	vld [tilespmem:s0+$0xA80]  }
0xa4: {  	v15 =	vmul.f32 v15, v3;
	v12 =	vmul.f32 v12, v3;
	v25 =	vld [tilespmem:s0+$0xB00]  }
0xa5: {  	v14 =	vmul.f32 v14, v3;
	v26 =	vld [tilespmem:s0+$0xB80];
	v13 =	vmul.f32 v13, v3  }
0xa6: {  	v6 =	vadd.f32 v17, v6;
	v27 =	vld [tilespmem:s0+$0xC00];
	v11 =	vadd.f32 v12, v11;
	v12 =	vmul.f32 v16, v3  }
0xa7: {  	v9 =	vadd.f32 v15, v9;
	v17 =	vld [tilespmem:s0+$0xC80];
	s0 =	simm.s32 $0x0;
	v7 =	vadd.f32 v13, v7;
	v13 =	vmul.f32 v18, v3  }
0xa8: {  	v10 =	vadd.f32 v14, v10;
	_ =	swait.ge [sflag:s6], $0x4000;
	s12 =	sand.u32 $0x7, s0;
	v8 =	vadd.f32 v12, v8;
	v12 =	vmul.f32 v21, v20  }
0xa9: {  	[sflag:s6] =	ssyncset.done $0x0;
	v3 =	vmul.f32 v19, v3;
	s2 =	sshll.u32 s12, $0x4;
	v4 =	vadd.f32 v13, v4;
	v13 =	vmul.f32 v23, v20  }
0xaa: {  	[sflag:s6] =	ssyncadd.s32 $0xFFFFC000;
	s2 =	sadd.s32 $0x0, s2;
	v14 =	vmul.f32 v22, v20;
	v15 =	vadd.f32 v12, v6;
	v6 =	vmul.f32 v24, v20  }
0xab: {  	s22 =	sand.u32 $0x70, s0;
	s24 =	sand.u32 $0x3C00, s0;
	v5 =	vadd.f32 v3, v5;
	v3 =	vld [tilespmem:s0+$0x0];
	s2 =	sor.u32 $0x380, s2;
	v18 =	vadd.f32 v13, v10;
	v10 =	vmul.f32 v25, v20  }
0xac: {  	v19 =	vadd.f32 v14, v9;
	v9 =	vld [tilespmem:s2+$0x8980];
	v12 =	vmul.f32 v26, v20;
	s2 =	sor.u32 s22, s24;
	v21 =	vadd.f32 v6, v11  }
0xad: {  	v6 =	vmul.f32 v27, v20;
	v11 =	vmul.f32 v17, v20;
	v25 =	vadd.f32 v10, v7;
	v17 =	vld [tilespmem:s2+$0x8980]  }
0xae: {  	v14 =	vld [tilespmem:s2+$0x8A00];
	v22 =	vadd.f32 v12, v8;
	v10 =	vimm.f32 $0.0e+00;
	v7 =	vimm.f32 $0.0e+00  }
0xaf: {  	v12 =	vld [tilespmem:s2+$0x8A80];
	v8 =	vimm.f32 $0.0e+00;
	v23 =	vadd.f32 v6, v4;
	v20 =	vadd.f32 v11, v5  }
0xb0: {  	s4 =	simm.s32 $0x10;
	s8 =	simm.s32 $0x0;
	s3 =	simm.s32 $0x1;
	v13 =	vld [tilespmem:s2+$0x8B00];
	v11 =	vimm.f32 $0.0e+00;
	v5 =	vimm.f32 $0.0e+00;
	v6 =	vimm.f32 $0.0e+00  }
0xb1: {  	s10 =	sand.u32 $0x70, s4;
	s4 =	simm.s32 $0x20;
	s11 =	sand.u32 $0x7, s3;
	v16 =	vld [tilespmem:s2+$0x8B80];
	v4 =	vimm.f32 $0.0e+00;
	v24 =	vmul.f32 v9, v3;
	v9 =	vimm.f32 $0.0e+00  }
.LBB2_5:
0xb2: {  	p0 =	sne.s32 s4, $0x7F0;
	s11 =	sshll.u32 s11, $0x4;
	v17 =	vmul.f32 v17, v3;
	v26 =	vld [tilespmem:s2+$0x8C00];
	s0 =	sadd.s32 $0x80, s0  }
0xb3: {  	s8 =	sadd.s32 $0x10, s8;
	s11 =	sadd.s32 s11, s0;
	s12 =	sand.u32 $0x3C00, s0;
	v14 =	vmul.f32 v14, v3;
	v27 =	vld [tilespmem:s2+$0x8C80];
	v10 =	vadd.f32 v24, v10  }
0xb4: {  	v24 =	vld [tilespmem:s8+$0x0];
	s2 =	sor.u32 s10, s12;
	s10 =	sor.u32 $0x380, s11;
	v11 =	vadd.f32 v17, v11;
	v12 =	vmul.f32 v12, v3  }
0xb5: {  	v28 =	vld [tilespmem:s10+$0x8980];
	v9 =	vadd.f32 v14, v9;
	v13 =	vmul.f32 v13, v3  }
.Ltmp3:
0xb6: {  	v17 =	vld [tilespmem:s2+$0x8980];
	v7 =	vadd.f32 v12, v7;
	v16 =	vmul.f32 v16, v3;
	(pc) =	sbr.rel @p0 .LBB2_5-.Ltmp3, $4  }
0xb7: {  	v14 =	vld [tilespmem:s2+$0x8A00];
	v5 =	vadd.f32 v13, v5;
	v26 =	vmul.f32 v26, v3  }
0xb8: {  	v12 =	vld [tilespmem:s2+$0x8A80];
	v8 =	vadd.f32 v16, v8;
	v27 =	vmul.f32 v27, v3  }
0xb9: {  	s3 =	sadd.s32 $0x1, s3;
	v13 =	vld [tilespmem:s2+$0x8B00];
	v6 =	vadd.f32 v26, v6;
	v3 =	vmov v24  }
0xba: {  	s11 =	sand.u32 $0x7, s3;
	s10 =	sand.u32 $0x70, s4;
	s4 =	sadd.s32 $0x10, s4;
	v16 =	vld [tilespmem:s2+$0x8B80];
	v24 =	vmul.f32 v28, v3;
	v4 =	vadd.f32 v27, v4  }
0xbb: {  	p0 =	seq.s32 s23, $0x5  }
0xbc: {  	s24 =	sshll.u32 @!p0 s23, $0x6  }
0xbd: {  	s22 =	sshrl.u32 @!p0 s24, $0x2  }
0xbe: {  	v26 =	vld.msk @!p0 [tilespmem:s22+$0x810], $0xff;
	_ =	sdelay $0x3  }
0xbf: {  	s3 =	sshll.u32 s11, $0x4;
	s0 =	sadd.s32 $0x80, s0  }
0xc0: {  	v27 =	vld [tilespmem:s2+$0x8C00];
	s4 =	sadd.s32 s3, s0;
	v29 =	vshll.u32 @!p0 v26, $0x4  }
0xc1: {  	v28 =	vld [tilespmem:s2+$0x8C80];
	s0 =	sand.u32 $0x3C00, s0;
	v31 =	vlaneseq.u32 @!p0;
	s2 =	sor.u32 $0x380, s4;
	v26 =	vand.u32 @!p0 $0x7, v26;
	v29 =	vand.u32 @!p0 $0xFFFFFF80, v29  }
0xc2: {  	s0 =	sor.u32 s10, s0;
	v32 =	vld [tilespmem:s2+$0x8980];
	v26 =	vor.u32 @!p0 v26, v29;
	v29 =	vand.u32 @!p0 $0x7, v31;
	v31 =	vshrl.u32 @!p0 v31, $0x3  }
0xc3: {  	(xrf2) =	vadd.scan.msk.f32 $0xffff, v19;
	v33 =	vld [tilespmem:s0+$0x8980];
	v19 =	vperm.xlane @!p0 v26, v29;
	v26 =	vmul.u32 @!p0 $0x8, v31  }
0xc4: {  	v53 =	vld [tilespmem:s0+$0x8A00]  }
0xc5: {  	v54 =	vld [tilespmem:s0+$0x8A80];
	v19 =	vadd.s32 @!p0 v26, v19  }
0xc6: {  	(xrf2) =	vadd.scan.msk.f32 $0xffff, v18;
	v55 =	vld [tilespmem:s0+$0x8B00]  }
0xc7: {  	(xrf2) =	vadd.scan.msk.f32 $0xffff, v21;
	v56 =	vld [tilespmem:s0+$0x8B80]  }
0xc8: {  	(xrf2) =	vadd.scan.msk.f32 $0xffff, v25;
	v57 =	vld [tilespmem:s0+$0x8C00]  }
0xc9: {  	s8 =	sadd.s32 $0x10, s8;
	vm10 =	vmmov @!p0 $0xffff;
	v58 =	vld [tilespmem:s0+$0x8C80];
	s0 =	simm.s32 @!p0 $0x0;
	s2 =	simm.s32 @!p0 $0x980;
	(xrf2) =	vadd.scan.msk.f32 $0xffff, v22  }
0xca: {  	(xrf2) =	vadd.scan.msk.f32 $0xffff, v23;
	v30 =	vld [tilespmem:s8+$0x0];
	[tilespmem:s2], [sflag:$0x1] =	stream.indirect_vreg.gather @!p0 [hbm4b:s13+s0], $0x80, v19, vm10, $0xb8  }
0xcb: {  	s3 =	rddreg [dreg:$0xa];
	(xrf2) =	vadd.scan.msk.f32 $0xffff, v20;
	s2 =	simm.s32 @!p0 $0x1180  }
0xcc: {  	[tilespmem:s2], [sflag:$0x1] =	stream.indirect_vreg.gather @!p0 [hbm4b:s3+s0], $0x80, v19, vm10, $0xb8;
	[tilespmem:$0x16858] =	vst v63  }
0xcd: {  	(xrf2) =	vadd.scan.msk.f32 $0xffff, v15;
	s2 =	simm.s32 @!p0 $0x1980;
	s3 =	rddreg [dreg:$0xb]  }
0xce: {  	[tilespmem:s2], [sflag:$0x1] =	stream.indirect_vreg.gather @!p0 [hbm4b:s3+s0], $0x80, v19, vm10, $0xb8;
	[tilespmem:$0x16858] =	vst v63  }
0xcf: {  	s2 =	simm.s32 @!p0 $0x2180;
	s3 =	rddreg [dreg:$0xc]  }
0xd0: {  	v59, _, _ =	vpop (xrf2);
	[tilespmem:s2], [sflag:$0x1] =	stream.indirect_vreg.gather @!p0 [hbm4b:s3+s0], $0x80, v19, vm10, $0xb8;
	[tilespmem:$0x16858] =	vst v63  }
0xd1: {  	v60, _, _ =	vpop (xrf2);
	v15 =	vbroadcast v59, $0xF;
	s2 =	simm.s32 @!p0 $0x2980  }
0xd2: {  	v34, _, _ =	vpop (xrf2);
	v20 =	vbroadcast v60, $0xF;
	[tilespmem:s2], [sflag:$0x1] =	stream.indirect_vreg.gather @!p0 [hbm4b:s14+s0], $0x80, v19, vm10, $0xb8;
	[tilespmem:$0x16858] =	vst v63  }
0xd3: {  	v35, _, _ =	vpop (xrf2);
	v15 =	vnsel vm2, $0x0, v15;
	v34 =	vbroadcast v34, $0xF;
	s2 =	simm.s32 @!p0 $0x3180  }
0xd4: {  	v17 =	vmul.f32 v17, v3;
	v15 =	vsel vm3, v15, v20;
	v61, _, _ =	vpop (xrf2);
	v35 =	vbroadcast v35, $0xF;
	[tilespmem:s2], [sflag:$0x1] =	stream.indirect_vreg.gather @!p0 [hbm4b:s15+s0], $0x80, v19, vm10, $0xb8;
	[tilespmem:$0x16858] =	vst v63  }
0xd5: {  	v14 =	vmul.f32 v14, v3;
	v15 =	vsel vm4, v15, v34;
	v62, _, _ =	vpop (xrf2);
	v20 =	vbroadcast v61, $0xF;
	s2 =	simm.s32 @!p0 $0x3980  }
0xd6: {  	v11 =	vadd.f32 v17, v11;
	v15 =	vsel vm5, v15, v35;
	v63, _, _ =	vpop (xrf2);
	v34 =	vbroadcast v62, $0xF;
	[tilespmem:s2], [sflag:$0x1] =	stream.indirect_vreg.gather @!p0 [hbm4b:s16+s0], $0x80, v19, vm10, $0xb8;
	[tilespmem:$0x16858] =	vst v63  }
0xd7: {  	v12 =	vmul.f32 v12, v3;
	v15 =	vsel vm6, v15, v20;
	v36, _, _ =	vpop (xrf2);
	v35 =	vbroadcast v63, $0xF;
	s2 =	simm.s32 @!p0 $0x4180  }
0xd8: {  	v9 =	vadd.f32 v14, v9;
	v15 =	vsel vm7, v15, v34;
	v20 =	vbroadcast v36, $0xF;
	[tilespmem:s2], [sflag:$0x1] =	stream.indirect_vreg.gather @!p0 [hbm4b:s17+s0], $0x80, v19, vm10, $0xb8;
	[tilespmem:$0x16858] =	vst v63  }
0xd9: {  	v13 =	vmul.f32 v13, v3;
	v7 =	vadd.f32 v12, v7;
	v15 =	vsel vm8, v15, v35;
	v14 =	vld.msk @!p0 [tilespmem:s22+$0x810], $0xff  }
0xda: {  	v38 =	vmul.f32 v16, v3;
	v39 =	vmul.f32 v27, v3;
	v15 =	vsel vm9, v15, v20  }
0xdb: {  	v3 =	vmul.f32 v28, v3;
	v40 =	vmul.f32 v33, v30;
	v37 =	vsub.f32 $0.0e+00, v15  }
0xdc: {  	v5 =	vadd.f32 v13, v5;
	v41 =	vmul.f32 v53, v30;
	v42 =	vmul.f32 v54, v30  }
0xdd: {  	v8 =	vadd.f32 v38, v8;
	v43 =	vmul.f32 v55, v30;
	v17 =	vmul.f32 $1.442695020e+00, v37  }
0xde: {  	v11 =	vadd.f32 v40, v11;
	v9 =	vadd.f32 v41, v9;
	v12 =	vshll.u32 @!p0 v14, $0x4  }
0xdf: {  	(erf) = vpow2.f32 v17;
	v14 =	vand.u32 @!p0 $0x7, v14;
	v12 =	vand.u32 @!p0 $0xFFFFFF80, v12  }
0xe0: {  	v6 =	vadd.f32 v39, v6;
	v7 =	vadd.f32 v42, v7;
	(xrf2) =	vadd.scan.msk.f32 $0xffff, v11;
	v11 =	vor.u32 @!p0 v14, v12  }
0xe1: {  	v44 =	vmul.f32 v56, v30;
	v5 =	vadd.f32 v43, v5;
	(xrf2) =	vadd.scan.msk.f32 $0xffff, v9;
	v9 =	vperm.xlane @!p0 v11, v29  }
0xe2: {  	v3 =	vadd.f32 v3, v4;
	v45 =	vmul.f32 v57, v30;
	v47 =	vmul.f32 v58, v30;
	(xrf2) =	vadd.scan.msk.f32 $0xffff, v7  }
0xe3: {  	v46 =	vadd.f32 v44, v8;
	(xrf2) =	vadd.scan.msk.f32 $0xffff, v5;
	v5 =	vadd.s32 @!p0 v26, v9  }
0xe4: {  	v6 =	vadd.f32 v45, v6;
	v3 =	vadd.f32 v47, v3  }
0xe5: {  	v10 =	vadd.f32 v24, v10;
	v48 =	vmul.f32 v32, v30;
	(xrf2) =	vadd.scan.msk.f32 $0xffff, v46  }
0xe6: {  	(xrf2) =	vadd.scan.msk.f32 $0xffff, v6  }
0xe7: {  	v49 =	vadd.f32 v48, v10;
	(xrf2) =	vadd.scan.msk.f32 $0xffff, v3;
	s3 =	rddreg [dreg:$0x2];
	s2 =	simm.s32 @!p0 $0x8980  }
0xe8: {  	v3 =	vpop (erf);
	[tilespmem:s2], [sflag:$0x3] =	stream.indirect_vreg.gather @!p0 [hbm4b:s3+s0], $0x80, v5, vm10, $0xb8;
	[tilespmem:$0x16858] =	vst v63  }
0xe9: {  	(xrf2) =	vadd.scan.msk.f32 $0xffff, v49;
	v3 =	vadd.f32 $1.000000000e+00, v3;
	s2 =	simm.s32 @!p0 $0x9180  }
0xea: {  	[tilespmem:s2], [sflag:$0x3] =	stream.indirect_vreg.gather @!p0 [hbm4b:s18+s0], $0x80, v5, vm10, $0xb8;
	[tilespmem:$0x16858] =	vst v63  }
0xeb: {  	s2 =	simm.s32 @!p0 $0x9980  }
0xec: {  	(erf) = vrcp.f32 v3;
	[tilespmem:s2], [sflag:$0x3] =	stream.indirect_vreg.gather @!p0 [hbm4b:s19+s0], $0x80, v5, vm10, $0xb8;
	[tilespmem:$0x16858] =	vst v63  }
0xed: {  	v3, _, _ =	vpop (xrf2);
	s2 =	simm.s32 @!p0 $0xA180  }
0xee: {  	v50, _, _ =	vpop (xrf2);
	v3 =	vbroadcast v3, $0xF;
	[tilespmem:s2], [sflag:$0x3] =	stream.indirect_vreg.gather @!p0 [hbm4b:s20+s0], $0x80, v5, vm10, $0xb8;
	[tilespmem:$0x16858] =	vst v63  }
0xef: {  	v51, _, _ =	vpop (xrf2);
	v4 =	vbroadcast v50, $0xF;
	s2 =	simm.s32 @!p0 $0xA980  }
0xf0: {  	v52, _, _ =	vpop (xrf2);
	v3 =	vnsel vm2, $0x0, v3;
	v6 =	vbroadcast v51, $0xF;
	[tilespmem:s2], [sflag:$0x3] =	stream.indirect_vreg.gather @!p0 [hbm4b:s21+s0], $0x80, v5, vm10, $0xb8;
	[tilespmem:$0x16858] =	vst v63  }
0xf1: {  	v53, _, _ =	vpop (xrf2);
	v3 =	vsel vm3, v3, v4;
	v54 =	vbroadcast v52, $0xF;
	s2 =	simm.s32 @!p0 $0xB180  }
0xf2: {  	v55, _, _ =	vpop (xrf2);
	v3 =	vsel vm4, v3, v6;
	v56 =	vbroadcast v53, $0xF;
	[tilespmem:s2], [sflag:$0x3] =	stream.indirect_vreg.gather @!p0 [hbm4b:s25+s0], $0x80, v5, vm10, $0xb8;
	[tilespmem:$0x16858] =	vst v63  }
0xf3: {  	s11 =	sshll.u32 s23, $0x1;
	v57, _, _ =	vpop (xrf2);
	v3 =	vsel vm5, v3, v54;
	v58 =	vbroadcast v55, $0xF;
	s2 =	simm.s32 @!p0 $0xB980  }
0xf4: {  	v59, _, _ =	vpop (xrf2);
	v3 =	vsel vm6, v3, v56;
	v60 =	vbroadcast v57, $0xF;
	[tilespmem:s2], [sflag:$0x3] =	stream.indirect_vreg.gather @!p0 [hbm4b:s26+s0], $0x80, v5, vm10, $0xb8;
	[tilespmem:$0x16858] =	vst v63  }
0xf5: {  	s22 =	sor.u32 $0x1, s11;
	v62 =	vpop (erf);
	v3 =	vsel vm7, v3, v58;
	v61 =	vbroadcast v59, $0xF;
	s3 =	simm.s32 @!p0 $0xC180  }
0xf6: {  	v63 =	vmul.f32 v62, v15;
	v3 =	vsel vm8, v3, v60;
	[tilespmem:s3], [sflag:$0x3] =	stream.indirect_vreg.gather @!p0 [hbm4b:s28+s0], $0x80, v5, vm10, $0xb8;
	[tilespmem:$0x16858] =	vst v63  }
0xf7: {  	s24 =	simm.s32 @p0 $0x140;
	v3 =	vsel vm9, v3, v61;
	p0 =	sgt.u32 s22, $0xA  }
.Ltmp4:
0xf8: {  	v3 =	vmul.f32 v3, v63;
	(pc) =	sbr.rel @p0 .LBB2_12-.Ltmp4, $4  }
0xf9: {  	_ = 	snop  }
0xfa: {  	v3 =	vmul.f32 v3, v2  }
0xfb: {  	s12 =	sshrl.u32 s24, $0x2  }
0xfc: {  	[tilespmem:s12+$0x16180] =	vst v3  }
0xfd: {  	s0 =	simm.s32 $0x0  }
0xfe: {  	_ =	swait.ge [sflag:s9], $0x4000;
	s2 =	sand.u32 $0x7, s0  }
0xff: {  	[sflag:s9] =	ssyncset.done $0x0;
	s2 =	sshll.u32 s2, $0x4  }
0x100: {  	[sflag:s9] =	ssyncadd.s32 $0xFFFFC000;
	s2 =	sadd.s32 $0x0, s2  }
0x101: {  	s12 =	sand.u32 $0x70, s0;
	s3 =	sand.u32 $0x3C00, s0;
	v3 =	vld [tilespmem:s0+$0x0];
	s2 =	sor.u32 $0x380, s2  }
0x102: {  	v4 =	vld [tilespmem:s2+$0x4980];
	s2 =	sor.u32 s12, s3  }
0x103: {  	v15 =	vld [tilespmem:s2+$0x4980]  }
0x104: {  	v14 =	vld [tilespmem:s2+$0x4A00]  }
0x105: {  	v6 =	vimm.f32 $0.0e+00;
	v9 =	vimm.f32 $0.0e+00;
	v10 =	vimm.f32 $0.0e+00;
	v12 =	vld [tilespmem:s2+$0x4A80]  }
0x106: {  	s4 =	simm.s32 $0x10;
	v11 =	vimm.f32 $0.0e+00;
	v7 =	vimm.f32 $0.0e+00;
	s8 =	simm.s32 $0x0;
	v8 =	vimm.f32 $0.0e+00;
	s3 =	simm.s32 $0x1;
	v13 =	vld [tilespmem:s2+$0x4B00]  }
0x107: {  	v5 =	vimm.f32 $0.0e+00;
	s10 =	sand.u32 $0x70, s4;
	s4 =	simm.s32 $0x20;
	s11 =	sand.u32 $0x7, s3;
	v16 =	vld [tilespmem:s2+$0x4B80];
	v17 =	vmul.f32 v4, v3;
	v4 =	vimm.f32 $0.0e+00  }
.LBB2_8:
0x108: {  	p0 =	sne.s32 s4, $0x7F0;
	s11 =	sshll.u32 s11, $0x4;
	v15 =	vmul.f32 v15, v3;
	v18 =	vld [tilespmem:s2+$0x4C00];
	s0 =	sadd.s32 $0x80, s0  }
0x109: {  	s8 =	sadd.s32 $0x10, s8;
	s11 =	sadd.s32 s11, s0;
	s12 =	sand.u32 $0x3C00, s0;
	v14 =	vmul.f32 v14, v3;
	v19 =	vld [tilespmem:s2+$0x4C80];
	v6 =	vadd.f32 v17, v6  }
0x10a: {  	v17 =	vld [tilespmem:s8+$0x0];
	s2 =	sor.u32 s10, s12;
	s10 =	sor.u32 $0x380, s11;
	v9 =	vadd.f32 v15, v9;
	v12 =	vmul.f32 v12, v3  }
0x10b: {  	v20 =	vld [tilespmem:s10+$0x4980];
	v10 =	vadd.f32 v14, v10;
	v13 =	vmul.f32 v13, v3  }
.Ltmp5:
0x10c: {  	v15 =	vld [tilespmem:s2+$0x4980];
	v11 =	vadd.f32 v12, v11;
	v16 =	vmul.f32 v16, v3;
	(pc) =	sbr.rel @p0 .LBB2_8-.Ltmp5, $4  }
0x10d: {  	v14 =	vld [tilespmem:s2+$0x4A00];
	v7 =	vadd.f32 v13, v7;
	v18 =	vmul.f32 v18, v3  }
0x10e: {  	v12 =	vld [tilespmem:s2+$0x4A80];
	v8 =	vadd.f32 v16, v8;
	v19 =	vmul.f32 v19, v3  }
0x10f: {  	s3 =	sadd.s32 $0x1, s3;
	v13 =	vld [tilespmem:s2+$0x4B00];
	v4 =	vadd.f32 v18, v4;
	v3 =	vmov v17  }
0x110: {  	s11 =	sand.u32 $0x7, s3;
	s10 =	sand.u32 $0x70, s4;
	s4 =	sadd.s32 $0x10, s4;
	v16 =	vld [tilespmem:s2+$0x4B80];
	v17 =	vmul.f32 v20, v3;
	v5 =	vadd.f32 v19, v5  }
0x111: {  	s3 =	sshll.u32 s11, $0x4;
	v18 =	vld [tilespmem:s2+$0x4C00];
	s0 =	sadd.s32 $0x80, s0  }
0x112: {  	v19 =	vld [tilespmem:s2+$0x4C80];
	s12 =	sadd.s32 $0x10, s8;
	s3 =	sadd.s32 s3, s0  }
0x113: {  	s0 =	sand.u32 $0x3C00, s0;
	v20 =	vld [tilespmem:s12+$0x0];
	s4 =	sor.u32 $0x380, s3  }
0x114: {  	s0 =	sor.u32 s10, s0;
	v21 =	vld [tilespmem:s4+$0x4980]  }
0x115: {  	v22 =	vld [tilespmem:s0+$0x4980]  }
0x116: {  	v23 =	vld [tilespmem:s0+$0x4A00]  }
0x117: {  	v24 =	vld [tilespmem:s0+$0x4A80]  }
0x118: {  	v15 =	vmul.f32 v15, v3;
	v12 =	vmul.f32 v12, v3;
	v25 =	vld [tilespmem:s0+$0x4B00]  }
0x119: {  	v14 =	vmul.f32 v14, v3;
	v26 =	vld [tilespmem:s0+$0x4B80];
	v13 =	vmul.f32 v13, v3  }
0x11a: {  	v6 =	vadd.f32 v17, v6;
	v27 =	vld [tilespmem:s0+$0x4C00];
	v11 =	vadd.f32 v12, v11;
	v12 =	vmul.f32 v16, v3  }
0x11b: {  	s8 =	simm.s32 $0x4;
	v9 =	vadd.f32 v15, v9;
	v17 =	vld [tilespmem:s0+$0x4C80];
	s0 =	simm.s32 $0x0;
	v7 =	vadd.f32 v13, v7;
	v13 =	vmul.f32 v18, v3  }
0x11c: {  	v10 =	vadd.f32 v14, v10;
	_ =	swait.ge [sflag:s8], $0x4000;
	s10 =	sand.u32 $0x7, s0;
	v8 =	vadd.f32 v12, v8;
	v12 =	vmul.f32 v21, v20  }
0x11d: {  	[sflag:s8] =	ssyncset.done $0x0;
	v3 =	vmul.f32 v19, v3;
	s2 =	sshll.u32 s10, $0x4;
	v4 =	vadd.f32 v13, v4;
	v13 =	vmul.f32 v23, v20  }
0x11e: {  	[sflag:s8] =	ssyncadd.s32 $0xFFFFC000;
	s2 =	sadd.s32 $0x0, s2;
	v14 =	vmul.f32 v22, v20;
	v15 =	vadd.f32 v12, v6;
	v6 =	vmul.f32 v24, v20  }
0x11f: {  	s11 =	sand.u32 $0x70, s0;
	s12 =	sand.u32 $0x3C00, s0;
	v5 =	vadd.f32 v3, v5;
	v3 =	vld [tilespmem:s0+$0x0];
	s2 =	sor.u32 $0x380, s2;
	v18 =	vadd.f32 v13, v10;
	v10 =	vmul.f32 v25, v20  }
0x120: {  	v19 =	vadd.f32 v14, v9;
	v9 =	vld [tilespmem:s2+$0xC980];
	v12 =	vmul.f32 v26, v20;
	s2 =	sor.u32 s11, s12;
	v21 =	vadd.f32 v6, v11  }
0x121: {  	v6 =	vmul.f32 v27, v20;
	v11 =	vmul.f32 v17, v20;
	v25 =	vadd.f32 v10, v7;
	v17 =	vld [tilespmem:s2+$0xC980]  }
0x122: {  	v14 =	vld [tilespmem:s2+$0xCA00];
	v22 =	vadd.f32 v12, v8;
	v10 =	vimm.f32 $0.0e+00;
	v7 =	vimm.f32 $0.0e+00  }
0x123: {  	s4 =	simm.s32 $0x10;
	v12 =	vld [tilespmem:s2+$0xCA80];
	v8 =	vimm.f32 $0.0e+00;
	v23 =	vadd.f32 v6, v4;
	v20 =	vadd.f32 v11, v5  }
0x124: {  	s3 =	simm.s32 $0x1;
	s10 =	sand.u32 $0x70, s4;
	v13 =	vld [tilespmem:s2+$0xCB00];
	v11 =	vimm.f32 $0.0e+00;
	v5 =	vimm.f32 $0.0e+00;
	v6 =	vimm.f32 $0.0e+00  }
0x125: {  	s4 =	simm.s32 $0x20;
	s8 =	simm.s32 $0x0;
	s11 =	sand.u32 $0x7, s3;
	v16 =	vld [tilespmem:s2+$0xCB80];
	v4 =	vimm.f32 $0.0e+00;
	v24 =	vmul.f32 v9, v3;
	v9 =	vimm.f32 $0.0e+00  }
.LBB2_10:
0x126: {  	p0 =	sne.s32 s4, $0x7F0;
	s11 =	sshll.u32 s11, $0x4;
	v17 =	vmul.f32 v17, v3;
	v26 =	vld [tilespmem:s2+$0xCC00];
	s0 =	sadd.s32 $0x80, s0  }
0x127: {  	s8 =	sadd.s32 $0x10, s8;
	s11 =	sadd.s32 s11, s0;
	s12 =	sand.u32 $0x3C00, s0;
	v14 =	vmul.f32 v14, v3;
	v27 =	vld [tilespmem:s2+$0xCC80];
	v10 =	vadd.f32 v24, v10  }
0x128: {  	v24 =	vld [tilespmem:s8+$0x0];
	s2 =	sor.u32 s10, s12;
	s10 =	sor.u32 $0x380, s11;
	v11 =	vadd.f32 v17, v11;
	v12 =	vmul.f32 v12, v3  }
0x129: {  	v28 =	vld [tilespmem:s10+$0xC980];
	v9 =	vadd.f32 v14, v9;
	v13 =	vmul.f32 v13, v3  }
.Ltmp6:
0x12a: {  	v17 =	vld [tilespmem:s2+$0xC980];
	v7 =	vadd.f32 v12, v7;
	v16 =	vmul.f32 v16, v3;
	(pc) =	sbr.rel @p0 .LBB2_10-.Ltmp6, $4  }
0x12b: {  	v14 =	vld [tilespmem:s2+$0xCA00];
	v5 =	vadd.f32 v13, v5;
	v26 =	vmul.f32 v26, v3  }
0x12c: {  	v12 =	vld [tilespmem:s2+$0xCA80];
	v8 =	vadd.f32 v16, v8;
	v27 =	vmul.f32 v27, v3  }
0x12d: {  	s3 =	sadd.s32 $0x1, s3;
	v13 =	vld [tilespmem:s2+$0xCB00];
	v6 =	vadd.f32 v26, v6;
	v3 =	vmov v24  }
0x12e: {  	s11 =	sand.u32 $0x7, s3;
	s10 =	sand.u32 $0x70, s4;
	s4 =	sadd.s32 $0x10, s4;
	v16 =	vld [tilespmem:s2+$0xCB80];
	v24 =	vmul.f32 v28, v3;
	v4 =	vadd.f32 v27, v4  }
0x12f: {  	p0 =	sgt.u32 s23, $0x3  }
0x130: {  	s24 =	sshrl.u32 @!p0 s24, $0x2  }
0x131: {  	v26 =	vld.msk @!p0 [tilespmem:s24+$0x818], $0xff;
	_ =	sdelay $0x4  }
0x132: {  	s3 =	sshll.u32 s11, $0x4;
	v27 =	vld [tilespmem:s2+$0xCC00];
	s0 =	sadd.s32 $0x80, s0;
	v29 =	vshll.u32 @!p0 v26, $0x4  }
0x133: {  	v28 =	vld [tilespmem:s2+$0xCC80];
	s11 =	sadd.s32 $0x10, s8;
	s3 =	sadd.s32 s3, s0;
	s0 =	sand.u32 $0x3C00, s0;
	v31 =	vlaneseq.u32 @!p0;
	v26 =	vand.u32 @!p0 $0x7, v26;
	v29 =	vand.u32 @!p0 $0xFFFFFF80, v29  }
0x134: {  	v30 =	vld [tilespmem:s11+$0x0];
	s0 =	sor.u32 s10, s0;
	v26 =	vor.u32 @!p0 v26, v29;
	v29 =	vand.u32 @!p0 $0x7, v31;
	v31 =	vshrl.u32 @!p0 v31, $0x3  }
0x135: {  	(xrf2) =	vadd.scan.msk.f32 $0xffff, v19;
	v33 =	vld [tilespmem:s0+$0xC980];
	v19 =	vperm.xlane @!p0 v26, v29;
	v26 =	vmul.u32 @!p0 $0x8, v31  }
0x136: {  	(xrf2) =	vadd.scan.msk.f32 $0xffff, v18;
	v53 =	vld [tilespmem:s0+$0xCA00]  }
0x137: {  	(xrf2) =	vadd.scan.msk.f32 $0xffff, v21;
	v54 =	vld [tilespmem:s0+$0xCA80];
	v19 =	vadd.s32 @!p0 v26, v19  }
0x138: {  	v55 =	vld [tilespmem:s0+$0xCB00];
	(xrf2) =	vadd.scan.msk.f32 $0xffff, v25  }
0x139: {  	v56 =	vld [tilespmem:s0+$0xCB80];
	(xrf2) =	vadd.scan.msk.f32 $0xffff, v22  }
0x13a: {  	v57 =	vld [tilespmem:s0+$0xCC00];
	(xrf2) =	vadd.scan.msk.f32 $0xffff, v23  }
0x13b: {  	vm10 =	vmmov @!p0 $0xffff;
	s2 =	simm.s32 @!p0 $0x4980;
	s12 =	sor.u32 $0x380, s3;
	v58 =	vld [tilespmem:s0+$0xCC80];
	s0 =	simm.s32 @!p0 $0x0;
	(xrf2) =	vadd.scan.msk.f32 $0xffff, v20  }
0x13c: {  	(xrf2) =	vadd.scan.msk.f32 $0xffff, v15;
	v32 =	vld [tilespmem:s12+$0xC980];
	[tilespmem:s2], [sflag:$0x2] =	stream.indirect_vreg.gather @!p0 [hbm4b:s13+s0], $0x80, v19, vm10, $0xb8  }
0x13d: {  	s3 =	rddreg [dreg:$0xa];
	s2 =	simm.s32 @!p0 $0x5180  }
0x13e: {  	[tilespmem:s2], [sflag:$0x2] =	stream.indirect_vreg.gather @!p0 [hbm4b:s3+s0], $0x80, v19, vm10, $0xb8;
	[tilespmem:$0x16858] =	vst v63  }
0x13f: {  	v59, _, _ =	vpop (xrf2);
	s2 =	simm.s32 @!p0 $0x5980;
	s3 =	rddreg [dreg:$0xb]  }
0x140: {  	v60, _, _ =	vpop (xrf2);
	v15 =	vbroadcast v59, $0xF;
	[tilespmem:s2], [sflag:$0x2] =	stream.indirect_vreg.gather @!p0 [hbm4b:s3+s0], $0x80, v19, vm10, $0xb8;
	[tilespmem:$0x16858] =	vst v63  }
0x141: {  	v34, _, _ =	vpop (xrf2);
	v20 =	vbroadcast v60, $0xF;
	s2 =	simm.s32 @!p0 $0x6180;
	s3 =	rddreg [dreg:$0xc]  }
0x142: {  	v35, _, _ =	vpop (xrf2);
	v15 =	vnsel vm2, $0x0, v15;
	v34 =	vbroadcast v34, $0xF;
	[tilespmem:s2], [sflag:$0x2] =	stream.indirect_vreg.gather @!p0 [hbm4b:s3+s0], $0x80, v19, vm10, $0xb8;
	[tilespmem:$0x16858] =	vst v63  }
0x143: {  	v15 =	vsel vm3, v15, v20;
	v61, _, _ =	vpop (xrf2);
	v35 =	vbroadcast v35, $0xF;
	s2 =	simm.s32 @!p0 $0x6980  }
0x144: {  	v15 =	vsel vm4, v15, v34;
	v62, _, _ =	vpop (xrf2);
	v20 =	vbroadcast v61, $0xF;
	[tilespmem:s2], [sflag:$0x2] =	stream.indirect_vreg.gather @!p0 [hbm4b:s14+s0], $0x80, v19, vm10, $0xb8;
	[tilespmem:$0x16858] =	vst v63  }
0x145: {  	v15 =	vsel vm5, v15, v35;
	v63, _, _ =	vpop (xrf2);
	v34 =	vbroadcast v62, $0xF;
	s2 =	simm.s32 @!p0 $0x7180  }
0x146: {  	v17 =	vmul.f32 v17, v3;
	v15 =	vsel vm6, v15, v20;
	v36, _, _ =	vpop (xrf2);
	v35 =	vbroadcast v63, $0xF;
	[tilespmem:s2], [sflag:$0x2] =	stream.indirect_vreg.gather @!p0 [hbm4b:s15+s0], $0x80, v19, vm10, $0xb8;
	[tilespmem:$0x16858] =	vst v63  }
0x147: {  	v14 =	vmul.f32 v14, v3;
	v15 =	vsel vm7, v15, v34;
	v20 =	vbroadcast v36, $0xF;
	s2 =	simm.s32 @!p0 $0x7980  }
0x148: {  	v11 =	vadd.f32 v17, v11;
	v15 =	vsel vm8, v15, v35;
	[tilespmem:s2], [sflag:$0x2] =	stream.indirect_vreg.gather @!p0 [hbm4b:s16+s0], $0x80, v19, vm10, $0xb8;
	[tilespmem:$0x16858] =	vst v63  }
0x149: {  	v12 =	vmul.f32 v12, v3;
	v13 =	vmul.f32 v13, v3;
	v15 =	vsel vm9, v15, v20;
	s2 =	simm.s32 @!p0 $0x8180  }
0x14a: {  	v9 =	vadd.f32 v14, v9;
	v38 =	vmul.f32 v16, v3;
	v37 =	vsub.f32 $0.0e+00, v15;
	[tilespmem:s2], [sflag:$0x2] =	stream.indirect_vreg.gather @!p0 [hbm4b:s17+s0], $0x80, v19, vm10, $0xb8;
	[tilespmem:$0x16858] =	vst v63  }
0x14b: {  	v7 =	vadd.f32 v12, v7;
	v39 =	vmul.f32 v27, v3;
	v5 =	vadd.f32 v13, v5;
	v14 =	vld.msk @!p0 [tilespmem:s24+$0x818], $0xff  }
0x14c: {  	v3 =	vmul.f32 v28, v3;
	v8 =	vadd.f32 v38, v8;
	v17 =	vmul.f32 $1.442695020e+00, v37  }
0x14d: {  	v6 =	vadd.f32 v39, v6;
	v40 =	vmul.f32 v33, v30;
	v41 =	vmul.f32 v53, v30  }
0x14e: {  	v3 =	vadd.f32 v3, v4;
	v42 =	vmul.f32 v54, v30;
	(erf) = vpow2.f32 v17  }
0x14f: {  	v43 =	vmul.f32 v55, v30;
	v44 =	vmul.f32 v56, v30;
	v11 =	vadd.f32 v40, v11  }
0x150: {  	v47 =	vmul.f32 v58, v30;
	v9 =	vadd.f32 v41, v9;
	v12 =	vshll.u32 @!p0 v14, $0x4  }
0x151: {  	v7 =	vadd.f32 v42, v7;
	(xrf2) =	vadd.scan.msk.f32 $0xffff, v11;
	v14 =	vand.u32 @!p0 $0x7, v14;
	v12 =	vand.u32 @!p0 $0xFFFFFF80, v12  }
0x152: {  	v45 =	vmul.f32 v57, v30;
	v5 =	vadd.f32 v43, v5;
	(xrf2) =	vadd.scan.msk.f32 $0xffff, v9;
	v11 =	vor.u32 @!p0 v14, v12  }
0x153: {  	v46 =	vadd.f32 v44, v8;
	v3 =	vadd.f32 v47, v3;
	(xrf2) =	vadd.scan.msk.f32 $0xffff, v7;
	v9 =	vperm.xlane @!p0 v11, v29  }
0x154: {  	v6 =	vadd.f32 v45, v6;
	(xrf2) =	vadd.scan.msk.f32 $0xffff, v5  }
0x155: {  	v10 =	vadd.f32 v24, v10;
	v48 =	vmul.f32 v32, v30;
	(xrf2) =	vadd.scan.msk.f32 $0xffff, v46;
	v5 =	vadd.s32 @!p0 v26, v9  }
0x156: {  	(xrf2) =	vadd.scan.msk.f32 $0xffff, v6  }
0x157: {  	v49 =	vadd.f32 v48, v10;
	(xrf2) =	vadd.scan.msk.f32 $0xffff, v3;
	v3 =	vpop (erf)  }
0x158: {  	v3 =	vadd.f32 $1.000000000e+00, v3  }
0x159: {  	(xrf2) =	vadd.scan.msk.f32 $0xffff, v49;
	s3 =	rddreg [dreg:$0x2];
	s2 =	simm.s32 @!p0 $0xC980  }
0x15a: {  	[tilespmem:s2], [sflag:$0x4] =	stream.indirect_vreg.gather @!p0 [hbm4b:s3+s0], $0x80, v5, vm10, $0xb8;
	[tilespmem:$0x16858] =	vst v63  }
0x15b: {  	(erf) = vrcp.f32 v3;
	s2 =	simm.s32 @!p0 $0xD180  }
0x15c: {  	v3, _, _ =	vpop (xrf2);
	[tilespmem:s2], [sflag:$0x4] =	stream.indirect_vreg.gather @!p0 [hbm4b:s18+s0], $0x80, v5, vm10, $0xb8;
	[tilespmem:$0x16858] =	vst v63  }
0x15d: {  	v50, _, _ =	vpop (xrf2);
	v3 =	vbroadcast v3, $0xF;
	s2 =	simm.s32 @!p0 $0xD980  }
0x15e: {  	v51, _, _ =	vpop (xrf2);
	v4 =	vbroadcast v50, $0xF;
	[tilespmem:s2], [sflag:$0x4] =	stream.indirect_vreg.gather @!p0 [hbm4b:s19+s0], $0x80, v5, vm10, $0xb8;
	[tilespmem:$0x16858] =	vst v63  }
0x15f: {  	v52, _, _ =	vpop (xrf2);
	v3 =	vnsel vm2, $0x0, v3;
	v6 =	vbroadcast v51, $0xF;
	s2 =	simm.s32 @!p0 $0xE180  }
0x160: {  	v53, _, _ =	vpop (xrf2);
	v3 =	vsel vm3, v3, v4;
	v54 =	vbroadcast v52, $0xF;
	[tilespmem:s2], [sflag:$0x4] =	stream.indirect_vreg.gather @!p0 [hbm4b:s20+s0], $0x80, v5, vm10, $0xb8;
	[tilespmem:$0x16858] =	vst v63  }
0x161: {  	v55, _, _ =	vpop (xrf2);
	v3 =	vsel vm4, v3, v6;
	v56 =	vbroadcast v53, $0xF;
	s2 =	simm.s32 @!p0 $0xE980  }
0x162: {  	v57, _, _ =	vpop (xrf2);
	v3 =	vsel vm5, v3, v54;
	v58 =	vbroadcast v55, $0xF;
	[tilespmem:s2], [sflag:$0x4] =	stream.indirect_vreg.gather @!p0 [hbm4b:s21+s0], $0x80, v5, vm10, $0xb8;
	[tilespmem:$0x16858] =	vst v63  }
0x163: {  	v59, _, _ =	vpop (xrf2);
	v3 =	vsel vm6, v3, v56;
	v60 =	vbroadcast v57, $0xF;
	s2 =	simm.s32 @!p0 $0xF180  }
0x164: {  	v62 =	vpop (erf);
	v3 =	vsel vm7, v3, v58;
	v61 =	vbroadcast v59, $0xF;
	[tilespmem:s2], [sflag:$0x4] =	stream.indirect_vreg.gather @!p0 [hbm4b:s25+s0], $0x80, v5, vm10, $0xb8;
	[tilespmem:$0x16858] =	vst v63  }
0x165: {  	v63 =	vmul.f32 v62, v15;
	v3 =	vsel vm8, v3, v60;
	s2 =	simm.s32 @!p0 $0xF980  }
0x166: {  	v3 =	vsel vm9, v3, v61;
	[tilespmem:s2], [sflag:$0x4] =	stream.indirect_vreg.gather @!p0 [hbm4b:s26+s0], $0x80, v5, vm10, $0xb8;
	[tilespmem:$0x16858] =	vst v63  }
.Ltmp7:
0x167: {  	v3 =	vmul.f32 v3, v63;
	(pc) =	sbr.rel .LBB2_12-.Ltmp7, $4  }
0x168: {  	s24 =	sshll.u32 s22, $0x3;
	s2 =	simm.s32 @!p0 $0x10180  }
0x169: {  	v3 =	vmul.f32 v3, v2;
	[tilespmem:s2], [sflag:$0x4] =	stream.indirect_vreg.gather @!p0 [hbm4b:s28+s0], $0x80, v5, vm10, $0xb8;
	[tilespmem:$0x16858] =	vst v63  }
0x16a: {  	s0 =	smin.u32 s24, $0x48  }
0x16b: {  	[tilespmem:s0+$0x16180] =	vst v3  }
.LBB2_13:
0x16c: {  	s0 =	rddreg [dreg:$0xd];
	s2 =	simm.s32 $0x16180;
	s10 =	simm.s32 $0x5  }
0x16d: {  	[spmem:s0] =	stream.linear.scatter [tilespmem:s2], [sflag:$0x5], $0x58, $0x38;
	[tilespmem:$0x16858] =	vst v63  }
0x16e: {  	_ =	swait.ge [sflag:s10], $0x58  }
0x16f: {  	[sflag:s10] =	ssyncset.done $0x0  }
0x170: {  	[sflag:s10] =	ssyncadd.s32 $0xFFFFFFA8  }
0x171: {  	[bflag:$0x0] =	sbarrier.arrive $0xFFFF  }
0x172: {  	s3 =	simm.s32 $0x16200;
	s11 =	rddreg [dreg:$0x6]  }
0x173: {  	[tilespmem:s3], [sflag:$0x5] =	stream.linear.gather [spmem:s11], $0x580, $0x38;
	[tilespmem:$0x16858] =	vst v63  }
0x174: {  	_ =	swait.ge [sflag:s10], $0x580  }
0x175: {  	[sflag:s10] =	ssyncset.done $0x0  }
0x176: {  	[sflag:s10] =	ssyncadd.s32 $0xFFFFFA80  }
0x177: {  	v2 =	vld.msk [tilespmem:$0x880], $0xff;
	_ =	sdelay $0x4  }
0x178: {  	v3 =	vshrl.u32 v2, $0x3  }
0x179: {  	v3 =	vmul.u32 $0x58, v3  }
0x17a: {  	v2 =	vand.u32 $0x7, v2  }
0x17b: {  	v2 =	vor.u32 v2, v3  }
0x17c: {  	v2 =	vperm.xlane v2, v0;
	_ =	sdelay $0x1  }
0x17d: {  	v2 =	vadd.s32 v1, v2;
	_ =	sdelay $0x3  }
0x17e: {  	s23 =	simm.s32 $0x0;
	s13 =	simm.s32 $0x10980;
	s12 =	rddreg [dreg:$0x3]  }
0x17f: {  	[tilespmem:s13], [sflag:$0x1] =	stream.indirect_vreg.gather [hbm4b:s12+s23], $0x80, v2, vm1, $0xb8;
	[tilespmem:$0x16858] =	vst v63  }
0x180: {  	s22 =	simm.s32 $0x11180  }
0x181: {  	[tilespmem:s22], [sflag:$0x1] =	stream.indirect_vreg.gather [hbm4b:s29+s23], $0x80, v2, vm1, $0xb8;
	[tilespmem:$0x16858] =	vst v63  }
0x182: {  	s24 =	simm.s32 $0x11980  }
0x183: {  	[tilespmem:s24], [sflag:$0x1] =	stream.indirect_vreg.gather [hbm4b:s30+s23], $0x80, v2, vm1, $0xb8;
	[tilespmem:$0x16858] =	vst v63  }
0x184: {  	s3 =	simm.s32 $0x12180  }
0x185: {  	[tilespmem:s3], [sflag:$0x1] =	stream.indirect_vreg.gather [hbm4b:s31+s23], $0x80, v2, vm1, $0xb8;
	[tilespmem:$0x16858] =	vst v63  }
0x186: {  	s4 =	simm.s32 $0x12980  }
0x187: {  	[tilespmem:s4], [sflag:$0x1] =	stream.indirect_vreg.gather [hbm4b:s5+s23], $0x80, v2, vm1, $0xb8;
	[tilespmem:$0x16858] =	vst v63  }
0x188: {  	vm10 =	vmmov $0xff;
	s8 =	simm.s32 $0x13180  }
0x189: {  	[tilespmem:s8], [sflag:$0x1] =	stream.indirect_vreg.gather [hbm4b:s1+s23], $0x80, v2, vm10, $0xb8;
	[tilespmem:$0x16858] =	vst v63  }
0x18a: {  	v2 =	vld.msk [tilespmem:$0x888], $0xff;
	_ =	sdelay $0x4  }
0x18b: {  	v3 =	vshrl.u32 v2, $0x3  }
0x18c: {  	v3 =	vmul.u32 $0x58, v3  }
0x18d: {  	v2 =	vand.u32 $0x7, v2  }
0x18e: {  	v2 =	vor.u32 v2, v3  }
0x18f: {  	v2 =	vperm.xlane v2, v0;
	_ =	sdelay $0x1  }
0x190: {  	v2 =	vadd.s32 v1, v2;
	_ =	sdelay $0x3  }
0x191: {  	s10 =	simm.s32 $0x13580  }
0x192: {  	[tilespmem:s10], [sflag:$0x2] =	stream.indirect_vreg.gather [hbm4b:s12+s23], $0x80, v2, vm1, $0xb8;
	[tilespmem:$0x16858] =	vst v63  }
0x193: {  	s11 =	simm.s32 $0x13D80  }
0x194: {  	[tilespmem:s11], [sflag:$0x2] =	stream.indirect_vreg.gather [hbm4b:s29+s23], $0x80, v2, vm1, $0xb8;
	[tilespmem:$0x16858] =	vst v63  }
0x195: {  	s12 =	simm.s32 $0x14580  }
0x196: {  	[tilespmem:s12], [sflag:$0x2] =	stream.indirect_vreg.gather [hbm4b:s30+s23], $0x80, v2, vm1, $0xb8;
	[tilespmem:$0x16858] =	vst v63  }
0x197: {  	s13 =	simm.s32 $0x14D80  }
0x198: {  	[tilespmem:s13], [sflag:$0x2] =	stream.indirect_vreg.gather [hbm4b:s31+s23], $0x80, v2, vm1, $0xb8;
	[tilespmem:$0x16858] =	vst v63  }
0x199: {  	s22 =	simm.s32 $0x15580  }
0x19a: {  	[tilespmem:s22], [sflag:$0x2] =	stream.indirect_vreg.gather [hbm4b:s5+s23], $0x80, v2, vm1, $0xb8;
	[tilespmem:$0x16858] =	vst v63  }
0x19b: {  	s24 =	simm.s32 $0x15D80  }
0x19c: {  	[tilespmem:s24], [sflag:$0x2] =	stream.indirect_vreg.gather [hbm4b:s1+s23], $0x80, v2, vm10, $0xb8;
	[tilespmem:$0x16858] =	vst v63  }
0x19d: {  	s24 =	simm.s32 $0x0  }
.LBB2_14:
0x19e: {  	s0 =	sand.u32 $0x7, s23  }
0x19f: {  	_ =	swait.ge [sflag:s7], $0x2C00;
	s2 =	sshll.u32 s0, $0x4  }
0x1a0: {  	s3 =	sand.u32 $0x70, s23;
	[sflag:s7] =	ssyncset.done $0x0;
	s2 =	sadd.s32 $0x0, s2  }
0x1a1: {  	s4 =	sand.u32 $0x3C00, s23;
	[sflag:s7] =	ssyncadd.s32 $0xFFFFD400;
	s2 =	sor.u32 $0x380, s2  }
0x1a2: {  	s0 =	simm.s32 $0x16200;
	v3 =	vld [tilespmem:s2+$0x10980];
	s2 =	sor.u32 s3, s4  }
0x1a3: {  	v4 =	vld [tilespmem:s0+$0x0];
	s8 =	sadd.s32 $0x10980, s2  }
0x1a4: {  	v15 =	vld [tilespmem:s8+$0x80]  }
0x1a5: {  	v14 =	vld [tilespmem:s8+$0x100]  }
0x1a6: {  	v2 =	vimm.f32 $0.0e+00;
	v7 =	vimm.f32 $0.0e+00;
	v11 =	vimm.f32 $0.0e+00;
	v12 =	vld [tilespmem:s8+$0x180]  }
0x1a7: {  	s22 =	simm.s32 $0x10;
	v8 =	vimm.f32 $0.0e+00;
	v6 =	vimm.f32 $0.0e+00;
	s10 =	simm.s32 $0x0;
	v9 =	vimm.f32 $0.0e+00;
	s3 =	simm.s32 $0x1;
	v13 =	vld [tilespmem:s8+$0x200]  }
0x1a8: {  	v10 =	vimm.f32 $0.0e+00;
	s12 =	sand.u32 $0x70, s22;
	s4 =	simm.s32 $0x20;
	s11 =	sand.u32 $0x7, s3;
	v16 =	vld [tilespmem:s8+$0x280];
	v5 =	vmul.f32 v3, v4;
	v3 =	vimm.f32 $0.0e+00  }
.LBB2_15:
0x1a9: {  	p0 =	sne.s32 s4, $0x570;
	s11 =	sshll.u32 s11, $0x4;
	v15 =	vmul.f32 v15, v4;
	v17 =	vld [tilespmem:s8+$0x300];
	s10 =	sadd.s32 $0x80, s10  }
0x1aa: {  	s0 =	sadd.s32 $0x10, s0;
	s8 =	sadd.s32 s11, s10;
	s11 =	sand.u32 $0x3C00, s10;
	v18 =	vld [tilespmem:s2+$0x10980];
	v14 =	vmul.f32 v14, v4;
	v2 =	vadd.f32 v5, v2  }
0x1ab: {  	v5 =	vld [tilespmem:s0+$0x0];
	s2 =	sor.u32 s12, s11;
	s11 =	sor.u32 $0x380, s8;
	v7 =	vadd.f32 v15, v7;
	v12 =	vmul.f32 v12, v4  }
0x1ac: {  	s8 =	sadd.s32 $0x10980, s2;
	v19 =	vld [tilespmem:s11+$0x10980];
	v11 =	vadd.f32 v14, v11;
	v13 =	vmul.f32 v13, v4  }
.Ltmp8:
0x1ad: {  	v15 =	vld [tilespmem:s8+$0x80];
	v8 =	vadd.f32 v12, v8;
	v16 =	vmul.f32 v16, v4;
	(pc) =	sbr.rel @p0 .LBB2_15-.Ltmp8, $4  }
0x1ae: {  	v14 =	vld [tilespmem:s8+$0x100];
	v6 =	vadd.f32 v13, v6;
	v17 =	vmul.f32 v17, v4  }
0x1af: {  	v12 =	vld [tilespmem:s8+$0x180];
	v18 =	vmul.f32 v18, v4;
	v9 =	vadd.f32 v16, v9  }
0x1b0: {  	s3 =	sadd.s32 $0x1, s3;
	v13 =	vld [tilespmem:s8+$0x200];
	v3 =	vadd.f32 v17, v3;
	v4 =	vmov v5  }
0x1b1: {  	s12 =	sand.u32 $0x70, s4;
	s4 =	sadd.s32 $0x10, s4;
	s11 =	sand.u32 $0x7, s3;
	v16 =	vld [tilespmem:s8+$0x280];
	v5 =	vmul.f32 v19, v4;
	v10 =	vadd.f32 v18, v10  }
0x1b2: {  	s3 =	sadd.s32 $0x80, s10;
	v17 =	vld [tilespmem:s8+$0x300];
	s0 =	sadd.s32 $0x10, s0  }
0x1b3: {  	v18 =	vld [tilespmem:s2+$0x10980];
	s22 =	sshll.u32 s24, $0x6;
	p0 =	seq.s32 s24, $0x7;
	s4 =	sand.u32 $0x3C00, s3  }
0x1b4: {  	v19 =	vld [tilespmem:s0+$0x0];
	s0 =	sshrl.u32 @!p0 s22, $0x2;
	s12 =	sor.u32 s12, s4  }
0x1b5: {  	v23 =	vld.msk @!p0 [tilespmem:s0+$0x890], $0xff;
	s4 =	sadd.s32 $0x10980, s12  }
0x1b6: {  	v20 =	vld [tilespmem:s4+$0x80]  }
0x1b7: {  	v15 =	vmul.f32 v15, v4;
	v14 =	vmul.f32 v14, v4;
	v21 =	vld [tilespmem:s4+$0x100]  }
0x1b8: {  	v12 =	vmul.f32 v12, v4;
	v22 =	vld [tilespmem:s12+$0x10980]  }
0x1b9: {  	v7 =	vadd.f32 v15, v7;
	v11 =	vadd.f32 v14, v11;
	v13 =	vmul.f32 v13, v4;
	v14 =	vld [tilespmem:s4+$0x180]  }
0x1ba: {  	v8 =	vadd.f32 v12, v8;
	v12 =	vmul.f32 v16, v4;
	v15 =	vmul.f32 v18, v4  }
0x1bb: {  	v6 =	vadd.f32 v13, v6;
	v4 =	vmul.f32 v17, v4;
	v13 =	vmul.f32 v20, v19  }
0x1bc: {  	v9 =	vadd.f32 v12, v9;
	v12 =	vld [tilespmem:s4+$0x200];
	v10 =	vadd.f32 v15, v10;
	v15 =	vmul.f32 v21, v19  }
0x1bd: {  	s13 =	sshll.u32 s11, $0x4;
	v16 =	vld [tilespmem:s4+$0x280];
	v17 =	vshrl.u32 @!p0 v23, $0x3;
	v7 =	vadd.f32 v13, v7;
	v13 =	vmul.f32 v22, v19  }
0x1be: {  	s2 =	sadd.s32 s13, s3;
	v18 =	vld [tilespmem:s4+$0x300];
	v14 =	vmul.f32 v14, v19;
	v11 =	vadd.f32 v15, v11;
	v15 =	vmul.u32 @!p0 $0x58, v17  }
0x1bf: {  	s2 =	sor.u32 $0x380, s2;
	v17 =	vlaneseq.u32 @!p0;
	v10 =	vadd.f32 v13, v10;
	v13 =	vand.u32 @!p0 $0x7, v23  }
0x1c0: {  	v20 =	vld [tilespmem:s2+$0x10980];
	v13 =	vor.u32 @!p0 v13, v15;
	v15 =	vand.u32 @!p0 $0x7, v17;
	v17 =	vshrl.u32 @!p0 v17, $0x3  }
0x1c1: {  	v12 =	vmul.f32 v12, v19;
	(xrf2) =	vadd.scan.msk.f32 $0xffff, v10;
	v10 =	vperm.xlane @!p0 v13, v15;
	v13 =	vmul.u32 @!p0 $0x8, v17  }
0x1c2: {  	v3 =	vadd.f32 v4, v3;
	v4 =	vadd.f32 v14, v8;
	v8 =	vmul.f32 v16, v19;
	(xrf2) =	vadd.scan.msk.f32 $0xffff, v7  }
0x1c3: {  	v6 =	vadd.f32 v12, v6;
	v7 =	vmul.f32 v18, v19;
	(xrf2) =	vadd.scan.msk.f32 $0xffff, v11;
	v10 =	vadd.s32 @!p0 v13, v10  }
0x1c4: {  	v8 =	vadd.f32 v8, v9;
	(xrf2) =	vadd.scan.msk.f32 $0xffff, v4  }
0x1c5: {  	v2 =	vadd.f32 v5, v2;
	v4 =	vmul.f32 v20, v19;
	v3 =	vadd.f32 v7, v3;
	(xrf2) =	vadd.scan.msk.f32 $0xffff, v6  }
0x1c6: {  	(xrf2) =	vadd.scan.msk.f32 $0xffff, v8  }
0x1c7: {  	vm11 =	vmmov @!p0 $0xffff;
	s3 =	simm.s32 @!p0 $0x10980;
	s4 =	rddreg [dreg:$0x3];
	s2 =	simm.s32 @!p0 $0x0;
	v2 =	vadd.f32 v4, v2;
	(xrf2) =	vadd.scan.msk.f32 $0xffff, v3  }
0x1c8: {  	[tilespmem:s3], [sflag:$0x1] =	stream.indirect_vreg.gather @!p0 [hbm4b:s4+s2], $0x80, v10, vm11, $0xb8;
	[tilespmem:$0x16858] =	vst v63  }
0x1c9: {  	(xrf2) =	vadd.scan.msk.f32 $0xffff, v2  }
0x1ca: {  	s3 =	simm.s32 @!p0 $0x11180  }
0x1cb: {  	[tilespmem:s3], [sflag:$0x1] =	stream.indirect_vreg.gather @!p0 [hbm4b:s29+s2], $0x80, v10, vm11, $0xb8;
	[tilespmem:$0x16858] =	vst v63  }
0x1cc: {  	s3 =	simm.s32 @!p0 $0x11980;
	v7, _, _ =	vpop (xrf2)  }
0x1cd: {  	[tilespmem:s3], [sflag:$0x1] =	stream.indirect_vreg.gather @!p0 [hbm4b:s30+s2], $0x80, v10, vm11, $0xb8;
	v9, _, _ =	vpop (xrf2);
	[tilespmem:$0x16858] =	vst v63  }
0x1ce: {  	s3 =	simm.s32 @!p0 $0x12180;
	v8, _, _ =	vpop (xrf2)  }
0x1cf: {  	[tilespmem:s3], [sflag:$0x1] =	stream.indirect_vreg.gather @!p0 [hbm4b:s31+s2], $0x80, v10, vm11, $0xb8;
	v6, _, _ =	vpop (xrf2);
	[tilespmem:$0x16858] =	vst v63  }
0x1d0: {  	s8 =	simm.s32 $0x0;
	s3 =	simm.s32 @!p0 $0x12980;
	v5, _, _ =	vpop (xrf2)  }
0x1d1: {  	[tilespmem:s3], [sflag:$0x1] =	stream.indirect_vreg.gather @!p0 [hbm4b:s5+s2], $0x80, v10, vm11, $0xb8;
	v4, _, _ =	vpop (xrf2);
	[tilespmem:$0x16858] =	vst v63  }
0x1d2: {  	vm12 =	vmmov @!p0 $0xff;
	s4 =	sand.u32 $0x7, s8;
	s3 =	simm.s32 @!p0 $0x13180;
	v3, _, _ =	vpop (xrf2)  }
0x1d3: {  	[tilespmem:s3], [sflag:$0x1] =	stream.indirect_vreg.gather @!p0 [hbm4b:s1+s2], $0x80, v10, vm12, $0xb8;
	v2, _, _ =	vpop (xrf2);
	[tilespmem:$0x16858] =	vst v63  }
0x1d4: {  	s10 =	sshll.u32 s4, $0x4;
	_ =	swait.ge [sflag:s9], $0x2C00  }
0x1d5: {  	s11 =	sand.u32 $0x70, s8;
	s3 =	sadd.s32 $0x0, s10;
	[sflag:s9] =	ssyncset.done $0x0  }
0x1d6: {  	s12 =	sand.u32 $0x3C00, s8;
	s3 =	sor.u32 $0x380, s3;
	[sflag:s9] =	ssyncadd.s32 $0xFFFFD400  }
0x1d7: {  	s2 =	simm.s32 $0x16200;
	v10 =	vld [tilespmem:s3+$0x13580];
	s3 =	sor.u32 s11, s12  }
0x1d8: {  	v11 =	vld [tilespmem:s2+$0x0];
	s4 =	sadd.s32 $0x13580, s3  }
0x1d9: {  	v22 =	vld [tilespmem:s4+$0x80]  }
0x1da: {  	v21 =	vld [tilespmem:s4+$0x100]  }
0x1db: {  	v14 =	vimm.f32 $0.0e+00;
	v16 =	vimm.f32 $0.0e+00;
	v12 =	vimm.f32 $0.0e+00;
	v20 =	vld [tilespmem:s4+$0x180]  }
0x1dc: {  	s13 =	simm.s32 $0x10;
	v15 =	vimm.f32 $0.0e+00;
	v17 =	vimm.f32 $0.0e+00;
	v18 =	vimm.f32 $0.0e+00;
	s10 =	simm.s32 $0x1;
	v19 =	vld [tilespmem:s4+$0x200]  }
0x1dd: {  	s13 =	sand.u32 $0x70, s13;
	v13 =	vimm.f32 $0.0e+00;
	s12 =	sand.u32 $0x7, s10;
	s11 =	simm.s32 $0x20;
	v23 =	vld [tilespmem:s4+$0x280];
	v24 =	vmul.f32 v10, v11;
	v10 =	vimm.f32 $0.0e+00  }
.LBB2_17:
0x1de: {  	p1 =	sne.s32 s11, $0x570;
	s12 =	sshll.u32 s12, $0x4;
	v22 =	vmul.f32 v22, v11;
	v25 =	vld [tilespmem:s4+$0x300];
	s8 =	sadd.s32 $0x80, s8  }
0x1df: {  	s2 =	sadd.s32 $0x10, s2;
	s4 =	sadd.s32 s12, s8;
	s12 =	sand.u32 $0x3C00, s8;
	v26 =	vld [tilespmem:s3+$0x13580];
	v21 =	vmul.f32 v21, v11;
	v12 =	vadd.f32 v24, v12  }
0x1e0: {  	v24 =	vld [tilespmem:s2+$0x0];
	s3 =	sor.u32 s13, s12;
	s12 =	sor.u32 $0x380, s4;
	v15 =	vadd.f32 v22, v15;
	v20 =	vmul.f32 v20, v11  }
0x1e1: {  	s4 =	sadd.s32 $0x13580, s3;
	v27 =	vld [tilespmem:s12+$0x13580];
	v17 =	vadd.f32 v21, v17;
	v19 =	vmul.f32 v19, v11  }
.Ltmp9:
0x1e2: {  	v22 =	vld [tilespmem:s4+$0x80];
	v18 =	vadd.f32 v20, v18;
	v23 =	vmul.f32 v23, v11;
	(pc) =	sbr.rel @p1 .LBB2_17-.Ltmp9, $4  }
0x1e3: {  	v21 =	vld [tilespmem:s4+$0x100];
	v14 =	vadd.f32 v19, v14;
	v25 =	vmul.f32 v25, v11  }
0x1e4: {  	v20 =	vld [tilespmem:s4+$0x180];
	v26 =	vmul.f32 v26, v11;
	v16 =	vadd.f32 v23, v16  }
0x1e5: {  	s10 =	sadd.s32 $0x1, s10;
	v19 =	vld [tilespmem:s4+$0x200];
	v10 =	vadd.f32 v25, v10;
	v11 =	vmov v24  }
0x1e6: {  	s13 =	sand.u32 $0x70, s11;
	s11 =	sadd.s32 $0x10, s11;
	s12 =	sand.u32 $0x7, s10;
	v23 =	vld [tilespmem:s4+$0x280];
	v24 =	vmul.f32 v27, v11;
	v13 =	vadd.f32 v26, v13  }
0x1e7: {  	v25 =	vld [tilespmem:s4+$0x300]  }
0x1e8: {  	s8 =	sadd.s32 $0x80, s8;
	v26 =	vld [tilespmem:s3+$0x13580];
	s2 =	sadd.s32 $0x10, s2;
	v22 =	vmul.f32 v22, v11  }
0x1e9: {  	s11 =	sand.u32 $0x3C00, s8;
	v27 =	vld [tilespmem:s2+$0x0]  }
0x1ea: {  	s10 =	sor.u32 s13, s11;
	v15 =	vadd.f32 v22, v15;
	v22 =	vld.msk @!p0 [tilespmem:s0+$0x898], $0xff  }
0x1eb: {  	s11 =	sadd.s32 $0x13580, s10;
	v31 =	vld [tilespmem:s10+$0x13580]  }
0x1ec: {  	v28 =	vld [tilespmem:s11+$0x80]  }
0x1ed: {  	v21 =	vmul.f32 v21, v11;
	v20 =	vmul.f32 v20, v11  }
0x1ee: {  	v19 =	vmul.f32 v19, v11;
	v29 =	vld [tilespmem:s11+$0x100];
	v40 =	vmul.f32 v26, v11  }
0x1ef: {  	v17 =	vadd.f32 v21, v17;
	v18 =	vadd.f32 v20, v18;
	v38 =	vmul.f32 v23, v11  }
0x1f0: {  	v30 =	vld [tilespmem:s11+$0x180];
	v14 =	vadd.f32 v19, v14;
	v13 =	vadd.f32 v40, v13;
	v45 =	vmul.f32 v31, v27  }
0x1f1: {  	v39 =	vld [tilespmem:s11+$0x200];
	v42 =	vmul.f32 v25, v11;
	v20 =	vshrl.u32 @!p0 v22, $0x3;
	v41 =	vmul.f32 v28, v27  }
0x1f2: {  	v44 =	vld [tilespmem:s11+$0x280];
	v25 =	vlaneseq.u32 @!p0;
	v20 =	vmul.u32 @!p0 $0x58, v20;
	v13 =	vadd.f32 v45, v13  }
0x1f3: {  	s13 =	sshll.u32 s12, $0x4;
	v22 =	vand.u32 @!p0 $0x7, v22;
	v43 =	vmul.f32 v29, v27;
	v15 =	vadd.f32 v41, v15  }
0x1f4: {  	s0 =	sadd.s32 s13, s8;
	v46 =	vld [tilespmem:s11+$0x300];
	(xrf2) =	vadd.scan.msk.f32 $0xffff, v13;
	v13 =	vor.u32 @!p0 v22, v20;
	v20 =	vand.u32 @!p0 $0x7, v25;
	v22 =	vshrl.u32 @!p0 v25, $0x3  }
0x1f5: {  	s0 =	sor.u32 $0x380, s0;
	v47 =	vmul.f32 v30, v27;
	(xrf2) =	vadd.scan.msk.f32 $0xffff, v15;
	v13 =	vperm.xlane @!p0 v13, v20;
	v15 =	vmul.u32 @!p0 $0x8, v22  }
0x1f6: {  	v48 =	vld [tilespmem:s0+$0x13580];
	v16 =	vadd.f32 v38, v16;
	v21 =	vmul.f32 v39, v27;
	v17 =	vadd.f32 v43, v17  }
0x1f7: {  	v19 =	vmul.f32 v44, v27;
	v18 =	vadd.f32 v47, v18;
	v13 =	vadd.s32 @!p0 v15, v13  }
0x1f8: {  	v7 =	vbroadcast v7, $0xF;
	v49 =	vadd.f32 v21, v14;
	(xrf2) =	vadd.scan.msk.f32 $0xffff, v17  }
0x1f9: {  	v10 =	vadd.f32 v42, v10;
	v50 =	vmul.f32 v46, v27;
	v16 =	vadd.f32 v19, v16;
	(xrf2) =	vadd.scan.msk.f32 $0xffff, v18  }
0x1fa: {  	v9 =	vbroadcast v9, $0xF;
	v8 =	vbroadcast v8, $0xF;
	vm13 =	vmmov $0x3;
	(xrf2) =	vadd.scan.msk.f32 $0xffff, v49  }
0x1fb: {  	s3 =	rddreg [dreg:$0x3];
	v12 =	vadd.f32 v24, v12;
	s2 =	simm.s32 @!p0 $0x13580;
	s0 =	simm.s32 @!p0 $0x0;
	v51 =	vmul.f32 v48, v27;
	v10 =	vadd.f32 v50, v10;
	(xrf2) =	vadd.scan.msk.f32 $0xffff, v16  }
0x1fc: {  	v6 =	vbroadcast v6, $0xF;
	v5 =	vbroadcast v5, $0xF;
	v7 =	vsel vm2, v7, v9;
	[tilespmem:s2], [sflag:$0x2] =	stream.indirect_vreg.gather @!p0 [hbm4b:s3+s0], $0x80, v13, vm11, $0xb8;
	[tilespmem:$0x16858] =	vst v63  }
0x1fd: {  	v7 =	vsel vm13, v7, v8;
	vm13 =	vmmov $0x7;
	v52 =	vadd.f32 v51, v12;
	(xrf2) =	vadd.scan.msk.f32 $0xffff, v10;
	s2 =	simm.s32 @!p0 $0x13D80  }
0x1fe: {  	v4 =	vbroadcast v4, $0xF;
	v6 =	vsel vm13, v7, v6;
	vm13 =	vmmov $0xf;
	[tilespmem:s2], [sflag:$0x2] =	stream.indirect_vreg.gather @!p0 [hbm4b:s29+s0], $0x80, v13, vm11, $0xb8;
	[tilespmem:$0x16858] =	vst v63  }
0x1ff: {  	v3 =	vbroadcast v3, $0xF;
	v5 =	vsel vm13, v6, v5;
	vm13 =	vmmov $0x1f;
	(xrf2) =	vadd.scan.msk.f32 $0xffff, v52;
	s2 =	simm.s32 @!p0 $0x14580  }
0x200: {  	v2 =	vbroadcast v2, $0xF;
	v4 =	vsel vm13, v5, v4;
	vm13 =	vmmov $0x3f;
	v53, _, _ =	vpop (xrf2);
	[tilespmem:s2], [sflag:$0x2] =	stream.indirect_vreg.gather @!p0 [hbm4b:s30+s0], $0x80, v13, vm11, $0xb8;
	[tilespmem:$0x16858] =	vst v63  }
0x201: {  	v3 =	vsel vm13, v4, v3;
	vm13 =	vmmov $0x7f;
	v54, _, _ =	vpop (xrf2);
	v55 =	vbroadcast v53, $0xF;
	s2 =	simm.s32 @!p0 $0x14D80  }
0x202: {  	v2 =	vsel vm13, v3, v2;
	v56, _, _ =	vpop (xrf2);
	v3 =	vbroadcast v54, $0xF;
	[tilespmem:s2], [sflag:$0x2] =	stream.indirect_vreg.gather @!p0 [hbm4b:s31+s0], $0x80, v13, vm11, $0xb8;
	[tilespmem:$0x16858] =	vst v63  }
0x203: {  	vm13 =	vmmov $0x1ff;
	v57, _, _ =	vpop (xrf2);
	v2 =	vsel vm10, v2, v55;
	v58 =	vbroadcast v56, $0xF;
	s2 =	simm.s32 @!p0 $0x15580  }
0x204: {  	v59, _, _ =	vpop (xrf2);
	v2 =	vsel vm13, v2, v3;
	vm13 =	vmmov $0x3ff;
	v3 =	vbroadcast v57, $0xF;
	[tilespmem:s2], [sflag:$0x2] =	stream.indirect_vreg.gather @!p0 [hbm4b:s5+s0], $0x80, v13, vm11, $0xb8;
	[tilespmem:$0x16858] =	vst v63  }
0x205: {  	s24 =	sadd.s32 $0x1, s24;
	v60, _, _ =	vpop (xrf2);
	v2 =	vsel vm13, v2, v58;
	vm13 =	vmmov $0x7ff;
	s2 =	simm.s32 @!p0 $0x15D80  }
0x206: {  	v61 =	vbroadcast v59, $0xF;
	v2 =	vsel vm13, v2, v3;
	v3 =	vbroadcast v60, $0xF;
	[tilespmem:s2], [sflag:$0x2] =	stream.indirect_vreg.gather @!p0 [hbm4b:s1+s0], $0x80, v13, vm12, $0xb8;
	[tilespmem:$0x16858] =	vst v63  }
0x207: {  	v62, _, _ =	vpop (xrf2);
	vm11 =	vmmov $0xfff;
	p0 =	sne.s32 s24, $0x8  }
.Ltmp10:
0x208: {  	v2 =	vsel vm11, v2, v61;
	vm11 =	vmmov $0x1fff;
	v63 =	vbroadcast v62, $0xF;
	(pc) =	sbr.rel @p0 .LBB2_14-.Ltmp10, $4  }
0x209: {  	v2 =	vsel vm11, v2, v3;
	vm11 =	vmmov $0x3fff  }
0x20a: {  	v2 =	vsel vm11, v2, v63;
	vm11 =	vmmov $0x7fff;
	v3, _, _ =	vpop (xrf2)  }
0x20b: {  	s22 =	sshrl.u32 s22, $0x2;
	v2 =	vsel vm11, v2, v3  }
0x20c: {  	[tilespmem:s22+$0x16780] =	vst v2  }
0x20d: {  	s12 =	simm.s32 $0x0;
	s0 =	rddreg [dreg:$0xe];
	s2 =	simm.s32 $0x16780  }
0x20e: {  	[hbm4b:s0+s12] =	stream.linear.scatter [tilespmem:s2], [sflag:$0x5], $0x80, $0x38;
	[tilespmem:$0x16858] =	vst v63  }
0x20f: {  	s2 =	simm.s32 $0x5  }
0x210: {  	_ =	swait.ge [sflag:s2], $0x80  }
0x211: {  	s3 =	rddreg [dreg:$0x10]  }
0x212: {  	s24 =	rddreg [dreg:$0xf];
	s3 =	sadd.s32 $0x1, s3  }
0x213: {  	p0 =	sne.s32 s3, s24  }
.Ltmp11:
0x214: {  	_ = 	snop;
	(pc) =	sbr.rel @p0 .LBB2_1-.Ltmp11, $4  }
0x215: {  	_ = 	snop  }
0x216: {  	[sflag:s2] =	ssyncset.done $0x0  }
0x217: {  	[sflag:s2] =	ssyncadd.s32 $0xFFFFFF80  }
0x218: {  	s13 =	rddreg [dreg:$0x1]  }
0x219: {  	_ =	sfence.sel $0x180000  }
0x21a: {  	[bflag:$0x0] =	sbarrier.arrive $0xFFFF  }
0x21b: {  	_ =	strace $0x90000047  }
0x21c: {  	s0 =	stileid.u32;
	[bflag:$0x2] =	sbarrier.arrive $0xFFFF  }
0x21d: {  	p0 =	sne.s32 s0, $0x0;
	s0 =	rddreg [dreg:$0x7]  }
0x21e: {  	s0 =	sadd.s32 @!p0 $0x100000, s0  }
0x21f: {  	[sflag:s0] =	ssyncadd.tile.s32 @!p0 $0x1;
	_ =	shalt  }
.Lfunc_end2:
_tile_overlayer_lowered:
.L_overlay_start_2:
0x220: {  	(tag) =	ssettag $0x2  }
0x221: {  	s0 =	rddreg [dreg:$0x0];
	s2 =	stileid.u32  }
0x222: {  	s1 =	rddreg [dreg:$0x1];
	p0 =	sne.s32 s2, $0x0  }
0x223: {  	s3 =	rddreg [dreg:$0x2];
	[bflag:$0x3] =	sbarrier.arrive $0xFFFF;
	s2 =	simm.s32 @!p0 $0x1C05  }
0x224: {  	[timem:s3], [sflag:s2] =	dma.local @!p0 [hbm:s0], s1  }
0x225: {  	s0 =	simm.s32 @!p0 $0x5  }
0x226: {  	_ =	swait.ge @!p0 [sflag:s0], s1  }
0x227: {  	s1 =	ssub.s32 @!p0 $0x0, s1;
	[sflag:s0] =	ssyncset.done @!p0 $0x0  }
0x228: {  	[sflag:s0] =	ssyncadd.s32 @!p0 s1  }
0x229: {  	[bflag:$0x3] =	sbarrier.arrive $0xFFFF  }
0x22a: {  	_ =	shalt  }

</sc_bundles>
